<compile_context>
chip_gen: v7x
topology: tpu7x:2x2x1
jax: 0.10.2.dev20260603
libtpu: 0.0.44.dev20260713+nightly
codegen_flags: <defaults>
</compile_context>

<pallas_src>
import functools

import jax
import jax.numpy as jnp
from jax import lax
from jax.experimental import pallas as pl
from jax.experimental.pallas import tpu as pltpu
from jax.experimental.pallas import tpu_sc as plsc


def _make_gather(NB, V, D, NC, NS):
    NW = NC * NS
    BPW = NB // NW
    C = 8
    NBUF = 8
    NCH = BPW // C

    mesh = plsc.VectorSubcoreMesh(core_axis_name="c", subcore_axis_name="s")

    @functools.partial(
        pl.kernel,
        mesh=mesh,
        out_type=jax.ShapeDtypeStruct((NB, D), jnp.float32),
        scratch_types=[
            pltpu.VMEM((BPW,), jnp.int32),
            [pltpu.VMEM((C, D), jnp.float32)] * NBUF,
            [pltpu.SemaphoreType.DMA] * NBUF,
            [pltpu.SemaphoreType.DMA] * NBUF,
            pltpu.VMEM_SHARED((V, D), jnp.float32),
        ],
        compiler_params=pltpu.CompilerParams(use_tc_tiling_on_sc=False),
    )
    def gather_kernel(
        idx_hbm, table_hbm, out_hbm, idx_v, rows, gsems, osems, table_sh
    ):
        wid = lax.axis_index("s") * NC + lax.axis_index("c")
        base = wid * BPW

        @pl.when(lax.axis_index("s") == 0)
        def _stage():
            pltpu.sync_copy(table_hbm, table_sh)

        pltpu.sync_copy(idx_hbm.at[pl.ds(base, BPW)], idx_v)
        plsc.subcore_barrier()

        def gather_desc(j, b):
            return pltpu.make_async_copy(
                table_sh.at[idx_v.at[pl.ds(j * C, C)]], rows[b], gsems[b]
            )

        def out_desc(j, b):
            return pltpu.make_async_copy(
                rows[b], out_hbm.at[pl.ds(base + j * C, C)], osems[b]
            )

        for b in range(NBUF):
            gather_desc(b, b).start()

        def body(p, _):
            j0 = p * NBUF
            for b in range(NBUF):
                gather_desc(j0 + b, b).wait()
                out_desc(j0 + b, b).start()
            for b in range(NBUF):
                out_desc(j0 + b, b).wait()
                gather_desc(j0 + NBUF + b, b).start()
            return 0

        lax.fori_loop(0, NCH // NBUF - 1, body, 0)

        j0 = NCH - NBUF
        for b in range(NBUF):
            gather_desc(j0 + b, b).wait()
            out_desc(j0 + b, b).start()
        for b in range(NBUF):
            out_desc(j0 + b, b).wait()

    return gather_kernel


def kernel(indices, table):
    B, H = indices.shape
    V, D = table.shape
    NS_H = 2
    HS = H // NS_H
    info = plsc.get_sparse_core_info()
    gather = _make_gather(B * HS, V, D, info.num_cores, info.num_subcores)
    slabs = []
    for s in range(NS_H):
        fi = indices[:, s * HS:(s + 1) * HS].reshape(B * HS).astype(jnp.int32)
        slabs.append(gather(fi, table).reshape(B, HS, D))
    return jnp.concatenate(slabs, axis=1)

# --- scband reference (transcript-rebuilt; emitter-appended) ---
"""Pipeline reference for scband-bigram-model-70248485094005 (READ-ONLY COPY).

The authoritative reference and input builder live on the scoring server;
editing this copy changes nothing except your own understanding.
"""

import jax, jax.numpy as jnp
import numpy as np

VOCAB = 1000
BATCH = 4096
HIST = 20

def setup_inputs(seed: int = 0) -> dict:
    key = jax.random.key(seed)
    k_idx, k_tab = jax.random.split(key)
    indices = jax.random.randint(k_idx, (BATCH, HIST), 0, VOCAB, dtype=jnp.int64 if jax.config.jax_enable_x64 else jnp.int32)
    table = jax.random.normal(k_tab, (VOCAB, VOCAB), dtype=jnp.float32)
    return {"indices": indices, "table": table}

def reference(indices, table):
    # nn.Embedding(vocab, vocab)(indices) -> gather rows of the table
    return jnp.take(table, indices, axis=0)

if __name__ == "__main__":
    import jax
    _d = setup_inputs()
    print(jax.jit(kernel)(*tuple(_d.values())))

</pallas_src>

<mosaic_0001>
#map = affine_map<(d0, d1) -> (0)>
#map1 = affine_map<(d0, d1) -> (0, 0)>
module attributes {stable_mosaic.version = 14 : i64} {
  func.func @gather_kernel(%arg0: i32, %arg1: i32, %arg2: memref<40960xi32, #tpu.memory_space<hbm>>, %arg3: memref<1000x1000xf32, #tpu.memory_space<hbm>>, %arg4: memref<40960x1000xf32, #tpu.memory_space<hbm>>, %arg5: memref<1280xi32, #tpu.memory_space<vmem>>, %arg6: memref<8x1000xf32, #tpu.memory_space<vmem>>, %arg7: memref<8x1000xf32, #tpu.memory_space<vmem>>, %arg8: memref<8x1000xf32, #tpu.memory_space<vmem>>, %arg9: memref<8x1000xf32, #tpu.memory_space<vmem>>, %arg10: memref<8x1000xf32, #tpu.memory_space<vmem>>, %arg11: memref<8x1000xf32, #tpu.memory_space<vmem>>, %arg12: memref<8x1000xf32, #tpu.memory_space<vmem>>, %arg13: memref<8x1000xf32, #tpu.memory_space<vmem>>, %arg14: memref<!tpu.dma_semaphore, #tpu.memory_space<semaphore_mem>>, %arg15: memref<!tpu.dma_semaphore, #tpu.memory_space<semaphore_mem>>, %arg16: memref<!tpu.dma_semaphore, #tpu.memory_space<semaphore_mem>>, %arg17: memref<!tpu.dma_semaphore, #tpu.memory_space<semaphore_mem>>, %arg18: memref<!tpu.dma_semaphore, #tpu.memory_space<semaphore_mem>>, %arg19: memref<!tpu.dma_semaphore, #tpu.memory_space<semaphore_mem>>, %arg20: memref<!tpu.dma_semaphore, #tpu.memory_space<semaphore_mem>>, %arg21: memref<!tpu.dma_semaphore, #tpu.memory_space<semaphore_mem>>, %arg22: memref<!tpu.dma_semaphore, #tpu.memory_space<semaphore_mem>>, %arg23: memref<!tpu.dma_semaphore, #tpu.memory_space<semaphore_mem>>, %arg24: memref<!tpu.dma_semaphore, #tpu.memory_space<semaphore_mem>>, %arg25: memref<!tpu.dma_semaphore, #tpu.memory_space<semaphore_mem>>, %arg26: memref<!tpu.dma_semaphore, #tpu.memory_space<semaphore_mem>>, %arg27: memref<!tpu.dma_semaphore, #tpu.memory_space<semaphore_mem>>, %arg28: memref<!tpu.dma_semaphore, #tpu.memory_space<semaphore_mem>>, %arg29: memref<!tpu.dma_semaphore, #tpu.memory_space<semaphore_mem>>, %arg30: memref<1000x1000xf32, #tpu.memory_space<vmem_shared>>) attributes {dimension_semantics = [#tpu.dimension_semantics<core_parallel>, #tpu.dimension_semantics<subcore_parallel>], iteration_bounds = array<i64: 2, 16>, scalar_prefetch = 0 : i64, scratch_operands = 26 : i64, tpu.core_type = #tpu.core_type<sc_vector_subcore>, window_params = [{transform_indices = #map}, {transform_indices = #map1}, {transform_indices = #map1}]} {
    %mul3A = arith.constant 2 : i32
    %mul3A_0 = arith.muli %arg1, %mul3A : i32
    %add3A = arith.addi %mul3A_0, %arg0 : i32
    %mul3A_1 = arith.constant 1280 : i32
    %mul3A_2 = arith.muli %add3A, %mul3A_1 : i32
    %eq3A = arith.constant 0 : i32
    %eq3A_3 = arith.cmpi eq, %arg1, %eq3A : i32
    %convert_element_type3A = arith.extui %eq3A_3 : i1 to i32
    %cond3A = arith.constant 0 : i32
    %cond3A_4 = arith.cmpi ne, %convert_element_type3A, %cond3A : i32
    scf.if %cond3A_4 {
      "tpu.region"() ({
        %run_scoped3A = tpu.sem_alloc : memref<!tpu.dma_semaphore, #tpu.memory_space<semaphore_mem>>
        tpu.enqueue_dma source(%arg3 : memref<1000x1000xf32, #tpu.memory_space<hbm>>) target(%arg30 : memref<1000x1000xf32, #tpu.memory_space<vmem_shared>>) target_semaphore(%run_scoped3A : memref<!tpu.dma_semaphore, #tpu.memory_space<semaphore_mem>>)
        tpu.wait_dma2 semaphore(%run_scoped3A : memref<!tpu.dma_semaphore, #tpu.memory_space<semaphore_mem>>) src(%arg3 : memref<1000x1000xf32, #tpu.memory_space<hbm>>) dst(%arg30 : memref<1000x1000xf32, #tpu.memory_space<vmem_shared>>)
        tpu.yield
      }) : () -> ()
    } else {
    }
    "tpu.region"() ({
      %run_scoped3A = tpu.sem_alloc : memref<!tpu.dma_semaphore, #tpu.memory_space<semaphore_mem>>
      %dma_start3A_185 = tpu.memref_slice %arg2[%mul3A_2] : memref<40960xi32, #tpu.memory_space<hbm>> -> memref<1280xi32, #tpu.memory_space<hbm>>
      %dma_start3A_186 = tpu.memref_slice %arg2[%mul3A_2] : memref<40960xi32, #tpu.memory_space<hbm>> -> memref<1280xi32, #tpu.memory_space<hbm>>
      tpu.enqueue_dma source(%dma_start3A_186 : memref<1280xi32, #tpu.memory_space<hbm>>) target(%arg5 : memref<1280xi32, #tpu.memory_space<vmem>>) target_semaphore(%run_scoped3A : memref<!tpu.dma_semaphore, #tpu.memory_space<semaphore_mem>>)
      %dma_wait3A_187 = tpu.memref_slice %arg2[%mul3A_2] : memref<40960xi32, #tpu.memory_space<hbm>> -> memref<1280xi32, #tpu.memory_space<hbm>>
      %dma_wait3A_188 = tpu.memref_slice %arg2[%mul3A_2] : memref<40960xi32, #tpu.memory_space<hbm>> -> memref<1280xi32, #tpu.memory_space<hbm>>
      tpu.wait_dma2 semaphore(%run_scoped3A : memref<!tpu.dma_semaphore, #tpu.memory_space<semaphore_mem>>) src(%dma_wait3A_188 : memref<1280xi32, #tpu.memory_space<hbm>>) dst(%arg5 : memref<1280xi32, #tpu.memory_space<vmem>>)
      tpu.yield
    }) : () -> ()
    %barrier3A = arith.constant 0 : index
    tpu.barrier barrier_id(%barrier3A)
    %dma_start3A = arith.constant 0 : i32
    %dma_start3A_5 = tpu.memref_slice %arg5[%dma_start3A] : memref<1280xi32, #tpu.memory_space<vmem>> -> memref<8xi32, #tpu.memory_space<vmem>>
    %dma_start3A_6 = arith.constant 0 : i32
    %dma_start3A_7 = arith.constant 0 : i32
    %dma_start3A_8 = tpu.memref_slice %arg30[%dma_start3A_6, %dma_start3A_7] : memref<1000x1000xf32, #tpu.memory_space<vmem_shared>> -> memref<1000x1000xf32, #tpu.memory_space<vmem_shared>>
    tpu.enqueue_indirect_dma source(%dma_start3A_8 : memref<1000x1000xf32, #tpu.memory_space<vmem_shared>>) target(%arg6 : memref<8x1000xf32, #tpu.memory_space<vmem>>) offsets(%dma_start3A_5 : memref<8xi32, #tpu.memory_space<vmem>>) semaphore(%arg14 : memref<!tpu.dma_semaphore, #tpu.memory_space<semaphore_mem>>)
    %dma_start3A_9 = arith.constant 8 : i32
    %dma_start3A_10 = tpu.memref_slice %arg5[%dma_start3A_9] : memref<1280xi32, #tpu.memory_space<vmem>> -> memref<8xi32, #tpu.memory_space<vmem>>
    %dma_start3A_11 = arith.constant 0 : i32
    %dma_start3A_12 = arith.constant 0 : i32
    %dma_start3A_13 = tpu.memref_slice %arg30[%dma_start3A_11, %dma_start3A_12] : memref<1000x1000xf32, #tpu.memory_space<vmem_shared>> -> memref<1000x1000xf32, #tpu.memory_space<vmem_shared>>
    tpu.enqueue_indirect_dma source(%dma_start3A_13 : memref<1000x1000xf32, #tpu.memory_space<vmem_shared>>) target(%arg7 : memref<8x1000xf32, #tpu.memory_space<vmem>>) offsets(%dma_start3A_10 : memref<8xi32, #tpu.memory_space<vmem>>) semaphore(%arg15 : memref<!tpu.dma_semaphore, #tpu.memory_space<semaphore_mem>>)
    %dma_start3A_14 = arith.constant 16 : i32
    %dma_start3A_15 = tpu.memref_slice %arg5[%dma_start3A_14] : memref<1280xi32, #tpu.memory_space<vmem>> -> memref<8xi32, #tpu.memory_space<vmem>>
    %dma_start3A_16 = arith.constant 0 : i32
    %dma_start3A_17 = arith.constant 0 : i32
    %dma_start3A_18 = tpu.memref_slice %arg30[%dma_start3A_16, %dma_start3A_17] : memref<1000x1000xf32, #tpu.memory_space<vmem_shared>> -> memref<1000x1000xf32, #tpu.memory_space<vmem_shared>>
    tpu.enqueue_indirect_dma source(%dma_start3A_18 : memref<1000x1000xf32, #tpu.memory_space<vmem_shared>>) target(%arg8 : memref<8x1000xf32, #tpu.memory_space<vmem>>) offsets(%dma_start3A_15 : memref<8xi32, #tpu.memory_space<vmem>>) semaphore(%arg16 : memref<!tpu.dma_semaphore, #tpu.memory_space<semaphore_mem>>)
    %dma_start3A_19 = arith.constant 24 : i32
    %dma_start3A_20 = tpu.memref_slice %arg5[%dma_start3A_19] : memref<1280xi32, #tpu.memory_space<vmem>> -> memref<8xi32, #tpu.memory_space<vmem>>
    %dma_start3A_21 = arith.constant 0 : i32
    %dma_start3A_22 = arith.constant 0 : i32
    %dma_start3A_23 = tpu.memref_slice %arg30[%dma_start3A_21, %dma_start3A_22] : memref<1000x1000xf32, #tpu.memory_space<vmem_shared>> -> memref<1000x1000xf32, #tpu.memory_space<vmem_shared>>
    tpu.enqueue_indirect_dma source(%dma_start3A_23 : memref<1000x1000xf32, #tpu.memory_space<vmem_shared>>) target(%arg9 : memref<8x1000xf32, #tpu.memory_space<vmem>>) offsets(%dma_start3A_20 : memref<8xi32, #tpu.memory_space<vmem>>) semaphore(%arg17 : memref<!tpu.dma_semaphore, #tpu.memory_space<semaphore_mem>>)
    %dma_start3A_24 = arith.constant 32 : i32
    %dma_start3A_25 = tpu.memref_slice %arg5[%dma_start3A_24] : memref<1280xi32, #tpu.memory_space<vmem>> -> memref<8xi32, #tpu.memory_space<vmem>>
    %dma_start3A_26 = arith.constant 0 : i32
    %dma_start3A_27 = arith.constant 0 : i32
    %dma_start3A_28 = tpu.memref_slice %arg30[%dma_start3A_26, %dma_start3A_27] : memref<1000x1000xf32, #tpu.memory_space<vmem_shared>> -> memref<1000x1000xf32, #tpu.memory_space<vmem_shared>>
    tpu.enqueue_indirect_dma source(%dma_start3A_28 : memref<1000x1000xf32, #tpu.memory_space<vmem_shared>>) target(%arg10 : memref<8x1000xf32, #tpu.memory_space<vmem>>) offsets(%dma_start3A_25 : memref<8xi32, #tpu.memory_space<vmem>>) semaphore(%arg18 : memref<!tpu.dma_semaphore, #tpu.memory_space<semaphore_mem>>)
    %dma_start3A_29 = arith.constant 40 : i32
    %dma_start3A_30 = tpu.memref_slice %arg5[%dma_start3A_29] : memref<1280xi32, #tpu.memory_space<vmem>> -> memref<8xi32, #tpu.memory_space<vmem>>
    %dma_start3A_31 = arith.constant 0 : i32
    %dma_start3A_32 = arith.constant 0 : i32
    %dma_start3A_33 = tpu.memref_slice %arg30[%dma_start3A_31, %dma_start3A_32] : memref<1000x1000xf32, #tpu.memory_space<vmem_shared>> -> memref<1000x1000xf32, #tpu.memory_space<vmem_shared>>
    tpu.enqueue_indirect_dma source(%dma_start3A_33 : memref<1000x1000xf32, #tpu.memory_space<vmem_shared>>) target(%arg11 : memref<8x1000xf32, #tpu.memory_space<vmem>>) offsets(%dma_start3A_30 : memref<8xi32, #tpu.memory_space<vmem>>) semaphore(%arg19 : memref<!tpu.dma_semaphore, #tpu.memory_space<semaphore_mem>>)
    %dma_start3A_34 = arith.constant 48 : i32
    %dma_start3A_35 = tpu.memref_slice %arg5[%dma_start3A_34] : memref<1280xi32, #tpu.memory_space<vmem>> -> memref<8xi32, #tpu.memory_space<vmem>>
    %dma_start3A_36 = arith.constant 0 : i32
    %dma_start3A_37 = arith.constant 0 : i32
    %dma_start3A_38 = tpu.memref_slice %arg30[%dma_start3A_36, %dma_start3A_37] : memref<1000x1000xf32, #tpu.memory_space<vmem_shared>> -> memref<1000x1000xf32, #tpu.memory_space<vmem_shared>>
    tpu.enqueue_indirect_dma source(%dma_start3A_38 : memref<1000x1000xf32, #tpu.memory_space<vmem_shared>>) target(%arg12 : memref<8x1000xf32, #tpu.memory_space<vmem>>) offsets(%dma_start3A_35 : memref<8xi32, #tpu.memory_space<vmem>>) semaphore(%arg20 : memref<!tpu.dma_semaphore, #tpu.memory_space<semaphore_mem>>)
    %dma_start3A_39 = arith.constant 56 : i32
    %dma_start3A_40 = tpu.memref_slice %arg5[%dma_start3A_39] : memref<1280xi32, #tpu.memory_space<vmem>> -> memref<8xi32, #tpu.memory_space<vmem>>
    %dma_start3A_41 = arith.constant 0 : i32
    %dma_start3A_42 = arith.constant 0 : i32
    %dma_start3A_43 = tpu.memref_slice %arg30[%dma_start3A_41, %dma_start3A_42] : memref<1000x1000xf32, #tpu.memory_space<vmem_shared>> -> memref<1000x1000xf32, #tpu.memory_space<vmem_shared>>
    tpu.enqueue_indirect_dma source(%dma_start3A_43 : memref<1000x1000xf32, #tpu.memory_space<vmem_shared>>) target(%arg13 : memref<8x1000xf32, #tpu.memory_space<vmem>>) offsets(%dma_start3A_40 : memref<8xi32, #tpu.memory_space<vmem>>) semaphore(%arg21 : memref<!tpu.dma_semaphore, #tpu.memory_space<semaphore_mem>>)
    %scan3A = arith.constant 0 : i32
    %scan3A_44 = arith.constant 0 : i32
    %scan3A_45 = arith.constant 19 : i32
    %scan3A_46 = arith.addi %scan3A_44, %scan3A_45 : i32
    %scan3A_47 = arith.constant 1 : i32
    %scan3A_48 = scf.for %scan3A_185 = %scan3A_44 to %scan3A_46 step %scan3A_47 iter_args(%scan3A_186 = %scan3A) -> (i32)  : i32 {
      %mul3A_187 = arith.constant 8 : i32
      %mul3A_188 = arith.muli %scan3A_185, %mul3A_187 : i32
      %add3A_189 = arith.constant 0 : i32
      %add3A_190 = arith.addi %mul3A_188, %add3A_189 : i32
      %mul3A_191 = arith.constant 8 : i32
      %mul3A_192 = arith.muli %add3A_190, %mul3A_191 : i32
      %dma_wait3A_193 = tpu.memref_slice %arg5[%mul3A_192] : memref<1280xi32, #tpu.memory_space<vmem>> -> memref<8xi32, #tpu.memory_space<vmem>>
      %dma_wait3A_194 = arith.constant 0 : i32
      %dma_wait3A_195 = arith.constant 0 : i32
      %dma_wait3A_196 = tpu.memref_slice %arg30[%dma_wait3A_194, %dma_wait3A_195] : memref<1000x1000xf32, #tpu.memory_space<vmem_shared>> -> memref<1000x1000xf32, #tpu.memory_space<vmem_shared>>
      tpu.wait_indirect_dma semaphore(%arg14 : memref<!tpu.dma_semaphore, #tpu.memory_space<semaphore_mem>>) src(%dma_wait3A_196 : memref<1000x1000xf32, #tpu.memory_space<vmem_shared>>) dst(%arg6 : memref<8x1000xf32, #tpu.memory_space<vmem>>)
      %add3A_197 = arith.constant 0 : i32
      %add3A_198 = arith.addi %mul3A_188, %add3A_197 : i32
      %mul3A_199 = arith.constant 8 : i32
      %mul3A_200 = arith.muli %add3A_198, %mul3A_199 : i32
      %add3A_201 = arith.addi %mul3A_2, %mul3A_200 : i32
      %dma_start3A_202 = arith.constant 0 : i32
      %dma_start3A_203 = tpu.memref_slice %arg4[%add3A_201, %dma_start3A_202] : memref<40960x1000xf32, #tpu.memory_space<hbm>> -> memref<8x1000xf32, #tpu.memory_space<hbm>>
      %dma_start3A_204 = arith.constant 0 : i32
      %dma_start3A_205 = tpu.memref_slice %arg4[%add3A_201, %dma_start3A_204] : memref<40960x1000xf32, #tpu.memory_space<hbm>> -> memref<8x1000xf32, #tpu.memory_space<hbm>>
      tpu.enqueue_dma source(%arg6 : memref<8x1000xf32, #tpu.memory_space<vmem>>) target(%dma_start3A_205 : memref<8x1000xf32, #tpu.memory_space<hbm>>) target_semaphore(%arg22 : memref<!tpu.dma_semaphore, #tpu.memory_space<semaphore_mem>>)
      %add3A_206 = arith.constant 1 : i32
      %add3A_207 = arith.addi %mul3A_188, %add3A_206 : i32
      %mul3A_208 = arith.constant 8 : i32
      %mul3A_209 = arith.muli %add3A_207, %mul3A_208 : i32
      %dma_wait3A_210 = tpu.memref_slice %arg5[%mul3A_209] : memref<1280xi32, #tpu.memory_space<vmem>> -> memref<8xi32, #tpu.memory_space<vmem>>
      %dma_wait3A_211 = arith.constant 0 : i32
      %dma_wait3A_212 = arith.constant 0 : i32
      %dma_wait3A_213 = tpu.memref_slice %arg30[%dma_wait3A_211, %dma_wait3A_212] : memref<1000x1000xf32, #tpu.memory_space<vmem_shared>> -> memref<1000x1000xf32, #tpu.memory_space<vmem_shared>>
      tpu.wait_indirect_dma semaphore(%arg15 : memref<!tpu.dma_semaphore, #tpu.memory_space<semaphore_mem>>) src(%dma_wait3A_213 : memref<1000x1000xf32, #tpu.memory_space<vmem_shared>>) dst(%arg7 : memref<8x1000xf32, #tpu.memory_space<vmem>>)
      %add3A_214 = arith.constant 1 : i32
      %add3A_215 = arith.addi %mul3A_188, %add3A_214 : i32
      %mul3A_216 = arith.constant 8 : i32
      %mul3A_217 = arith.muli %add3A_215, %mul3A_216 : i32
      %add3A_218 = arith.addi %mul3A_2, %mul3A_217 : i32
      %dma_start3A_219 = arith.constant 0 : i32
      %dma_start3A_220 = tpu.memref_slice %arg4[%add3A_218, %dma_start3A_219] : memref<40960x1000xf32, #tpu.memory_space<hbm>> -> memref<8x1000xf32, #tpu.memory_space<hbm>>
      %dma_start3A_221 = arith.constant 0 : i32
      %dma_start3A_222 = tpu.memref_slice %arg4[%add3A_218, %dma_start3A_221] : memref<40960x1000xf32, #tpu.memory_space<hbm>> -> memref<8x1000xf32, #tpu.memory_space<hbm>>
      tpu.enqueue_dma source(%arg7 : memref<8x1000xf32, #tpu.memory_space<vmem>>) target(%dma_start3A_222 : memref<8x1000xf32, #tpu.memory_space<hbm>>) target_semaphore(%arg23 : memref<!tpu.dma_semaphore, #tpu.memory_space<semaphore_mem>>)
      %add3A_223 = arith.constant 2 : i32
      %add3A_224 = arith.addi %mul3A_188, %add3A_223 : i32
      %mul3A_225 = arith.constant 8 : i32
      %mul3A_226 = arith.muli %add3A_224, %mul3A_225 : i32
      %dma_wait3A_227 = tpu.memref_slice %arg5[%mul3A_226] : memref<1280xi32, #tpu.memory_space<vmem>> -> memref<8xi32, #tpu.memory_space<vmem>>
      %dma_wait3A_228 = arith.constant 0 : i32
      %dma_wait3A_229 = arith.constant 0 : i32
      %dma_wait3A_230 = tpu.memref_slice %arg30[%dma_wait3A_228, %dma_wait3A_229] : memref<1000x1000xf32, #tpu.memory_space<vmem_shared>> -> memref<1000x1000xf32, #tpu.memory_space<vmem_shared>>
      tpu.wait_indirect_dma semaphore(%arg16 : memref<!tpu.dma_semaphore, #tpu.memory_space<semaphore_mem>>) src(%dma_wait3A_230 : memref<1000x1000xf32, #tpu.memory_space<vmem_shared>>) dst(%arg8 : memref<8x1000xf32, #tpu.memory_space<vmem>>)
      %add3A_231 = arith.constant 2 : i32
      %add3A_232 = arith.addi %mul3A_188, %add3A_231 : i32
      %mul3A_233 = arith.constant 8 : i32
      %mul3A_234 = arith.muli %add3A_232, %mul3A_233 : i32
      %add3A_235 = arith.addi %mul3A_2, %mul3A_234 : i32
      %dma_start3A_236 = arith.constant 0 : i32
      %dma_start3A_237 = tpu.memref_slice %arg4[%add3A_235, %dma_start3A_236] : memref<40960x1000xf32, #tpu.memory_space<hbm>> -> memref<8x1000xf32, #tpu.memory_space<hbm>>
      %dma_start3A_238 = arith.constant 0 : i32
      %dma_start3A_239 = tpu.memref_slice %arg4[%add3A_235, %dma_start3A_238] : memref<40960x1000xf32, #tpu.memory_space<hbm>> -> memref<8x1000xf32, #tpu.memory_space<hbm>>
      tpu.enqueue_dma source(%arg8 : memref<8x1000xf32, #tpu.memory_space<vmem>>) target(%dma_start3A_239 : memref<8x1000xf32, #tpu.memory_space<hbm>>) target_semaphore(%arg24 : memref<!tpu.dma_semaphore, #tpu.memory_space<semaphore_mem>>)
      %add3A_240 = arith.constant 3 : i32
      %add3A_241 = arith.addi %mul3A_188, %add3A_240 : i32
      %mul3A_242 = arith.constant 8 : i32
      %mul3A_243 = arith.muli %add3A_241, %mul3A_242 : i32
      %dma_wait3A_244 = tpu.memref_slice %arg5[%mul3A_243] : memref<1280xi32, #tpu.memory_space<vmem>> -> memref<8xi32, #tpu.memory_space<vmem>>
      %dma_wait3A_245 = arith.constant 0 : i32
      %dma_wait3A_246 = arith.constant 0 : i32
      %dma_wait3A_247 = tpu.memref_slice %arg30[%dma_wait3A_245, %dma_wait3A_246] : memref<1000x1000xf32, #tpu.memory_space<vmem_shared>> -> memref<1000x1000xf32, #tpu.memory_space<vmem_shared>>
      tpu.wait_indirect_dma semaphore(%arg17 : memref<!tpu.dma_semaphore, #tpu.memory_space<semaphore_mem>>) src(%dma_wait3A_247 : memref<1000x1000xf32, #tpu.memory_space<vmem_shared>>) dst(%arg9 : memref<8x1000xf32, #tpu.memory_space<vmem>>)
      %add3A_248 = arith.constant 3 : i32
      %add3A_249 = arith.addi %mul3A_188, %add3A_248 : i32
      %mul3A_250 = arith.constant 8 : i32
      %mul3A_251 = arith.muli %add3A_249, %mul3A_250 : i32
      %add3A_252 = arith.addi %mul3A_2, %mul3A_251 : i32
      %dma_start3A_253 = arith.constant 0 : i32
      %dma_start3A_254 = tpu.memref_slice %arg4[%add3A_252, %dma_start3A_253] : memref<40960x1000xf32, #tpu.memory_space<hbm>> -> memref<8x1000xf32, #tpu.memory_space<hbm>>
      %dma_start3A_255 = arith.constant 0 : i32
      %dma_start3A_256 = tpu.memref_slice %arg4[%add3A_252, %dma_start3A_255] : memref<40960x1000xf32, #tpu.memory_space<hbm>> -> memref<8x1000xf32, #tpu.memory_space<hbm>>
      tpu.enqueue_dma source(%arg9 : memref<8x1000xf32, #tpu.memory_space<vmem>>) target(%dma_start3A_256 : memref<8x1000xf32, #tpu.memory_space<hbm>>) target_semaphore(%arg25 : memref<!tpu.dma_semaphore, #tpu.memory_space<semaphore_mem>>)
      %add3A_257 = arith.constant 4 : i32
      %add3A_258 = arith.addi %mul3A_188, %add3A_257 : i32
      %mul3A_259 = arith.constant 8 : i32
      %mul3A_260 = arith.muli %add3A_258, %mul3A_259 : i32
      %dma_wait3A_261 = tpu.memref_slice %arg5[%mul3A_260] : memref<1280xi32, #tpu.memory_space<vmem>> -> memref<8xi32, #tpu.memory_space<vmem>>
      %dma_wait3A_262 = arith.constant 0 : i32
      %dma_wait3A_263 = arith.constant 0 : i32
      %dma_wait3A_264 = tpu.memref_slice %arg30[%dma_wait3A_262, %dma_wait3A_263] : memref<1000x1000xf32, #tpu.memory_space<vmem_shared>> -> memref<1000x1000xf32, #tpu.memory_space<vmem_shared>>
      tpu.wait_indirect_dma semaphore(%arg18 : memref<!tpu.dma_semaphore, #tpu.memory_space<semaphore_mem>>) src(%dma_wait3A_264 : memref<1000x1000xf32, #tpu.memory_space<vmem_shared>>) dst(%arg10 : memref<8x1000xf32, #tpu.memory_space<vmem>>)
      %add3A_265 = arith.constant 4 : i32
      %add3A_266 = arith.addi %mul3A_188, %add3A_265 : i32
      %mul3A_267 = arith.constant 8 : i32
      %mul3A_268 = arith.muli %add3A_266, %mul3A_267 : i32
      %add3A_269 = arith.addi %mul3A_2, %mul3A_268 : i32
      %dma_start3A_270 = arith.constant 0 : i32
      %dma_start3A_271 = tpu.memref_slice %arg4[%add3A_269, %dma_start3A_270] : memref<40960x1000xf32, #tpu.memory_space<hbm>> -> memref<8x1000xf32, #tpu.memory_space<hbm>>
      %dma_start3A_272 = arith.constant 0 : i32
      %dma_start3A_273 = tpu.memref_slice %arg4[%add3A_269, %dma_start3A_272] : memref<40960x1000xf32, #tpu.memory_space<hbm>> -> memref<8x1000xf32, #tpu.memory_space<hbm>>
      tpu.enqueue_dma source(%arg10 : memref<8x1000xf32, #tpu.memory_space<vmem>>) target(%dma_start3A_273 : memref<8x1000xf32, #tpu.memory_space<hbm>>) target_semaphore(%arg26 : memref<!tpu.dma_semaphore, #tpu.memory_space<semaphore_mem>>)
      %add3A_274 = arith.constant 5 : i32
      %add3A_275 = arith.addi %mul3A_188, %add3A_274 : i32
      %mul3A_276 = arith.constant 8 : i32
      %mul3A_277 = arith.muli %add3A_275, %mul3A_276 : i32
      %dma_wait3A_278 = tpu.memref_slice %arg5[%mul3A_277] : memref<1280xi32, #tpu.memory_space<vmem>> -> memref<8xi32, #tpu.memory_space<vmem>>
      %dma_wait3A_279 = arith.constant 0 : i32
      %dma_wait3A_280 = arith.constant 0 : i32
      %dma_wait3A_281 = tpu.memref_slice %arg30[%dma_wait3A_279, %dma_wait3A_280] : memref<1000x1000xf32, #tpu.memory_space<vmem_shared>> -> memref<1000x1000xf32, #tpu.memory_space<vmem_shared>>
      tpu.wait_indirect_dma semaphore(%arg19 : memref<!tpu.dma_semaphore, #tpu.memory_space<semaphore_mem>>) src(%dma_wait3A_281 : memref<1000x1000xf32, #tpu.memory_space<vmem_shared>>) dst(%arg11 : memref<8x1000xf32, #tpu.memory_space<vmem>>)
      %add3A_282 = arith.constant 5 : i32
      %add3A_283 = arith.addi %mul3A_188, %add3A_282 : i32
      %mul3A_284 = arith.constant 8 : i32
      %mul3A_285 = arith.muli %add3A_283, %mul3A_284 : i32
      %add3A_286 = arith.addi %mul3A_2, %mul3A_285 : i32
      %dma_start3A_287 = arith.constant 0 : i32
      %dma_start3A_288 = tpu.memref_slice %arg4[%add3A_286, %dma_start3A_287] : memref<40960x1000xf32, #tpu.memory_space<hbm>> -> memref<8x1000xf32, #tpu.memory_space<hbm>>
      %dma_start3A_289 = arith.constant 0 : i32
      %dma_start3A_290 = tpu.memref_slice %arg4[%add3A_286, %dma_start3A_289] : memref<40960x1000xf32, #tpu.memory_space<hbm>> -> memref<8x1000xf32, #tpu.memory_space<hbm>>
      tpu.enqueue_dma source(%arg11 : memref<8x1000xf32, #tpu.memory_space<vmem>>) target(%dma_start3A_290 : memref<8x1000xf32, #tpu.memory_space<hbm>>) target_semaphore(%arg27 : memref<!tpu.dma_semaphore, #tpu.memory_space<semaphore_mem>>)
      %add3A_291 = arith.constant 6 : i32
      %add3A_292 = arith.addi %mul3A_188, %add3A_291 : i32
      %mul3A_293 = arith.constant 8 : i32
      %mul3A_294 = arith.muli %add3A_292, %mul3A_293 : i32
      %dma_wait3A_295 = tpu.memref_slice %arg5[%mul3A_294] : memref<1280xi32, #tpu.memory_space<vmem>> -> memref<8xi32, #tpu.memory_space<vmem>>
      %dma_wait3A_296 = arith.constant 0 : i32
      %dma_wait3A_297 = arith.constant 0 : i32
      %dma_wait3A_298 = tpu.memref_slice %arg30[%dma_wait3A_296, %dma_wait3A_297] : memref<1000x1000xf32, #tpu.memory_space<vmem_shared>> -> memref<1000x1000xf32, #tpu.memory_space<vmem_shared>>
      tpu.wait_indirect_dma semaphore(%arg20 : memref<!tpu.dma_semaphore, #tpu.memory_space<semaphore_mem>>) src(%dma_wait3A_298 : memref<1000x1000xf32, #tpu.memory_space<vmem_shared>>) dst(%arg12 : memref<8x1000xf32, #tpu.memory_space<vmem>>)
      %add3A_299 = arith.constant 6 : i32
      %add3A_300 = arith.addi %mul3A_188, %add3A_299 : i32
      %mul3A_301 = arith.constant 8 : i32
      %mul3A_302 = arith.muli %add3A_300, %mul3A_301 : i32
      %add3A_303 = arith.addi %mul3A_2, %mul3A_302 : i32
      %dma_start3A_304 = arith.constant 0 : i32
      %dma_start3A_305 = tpu.memref_slice %arg4[%add3A_303, %dma_start3A_304] : memref<40960x1000xf32, #tpu.memory_space<hbm>> -> memref<8x1000xf32, #tpu.memory_space<hbm>>
      %dma_start3A_306 = arith.constant 0 : i32
      %dma_start3A_307 = tpu.memref_slice %arg4[%add3A_303, %dma_start3A_306] : memref<40960x1000xf32, #tpu.memory_space<hbm>> -> memref<8x1000xf32, #tpu.memory_space<hbm>>
      tpu.enqueue_dma source(%arg12 : memref<8x1000xf32, #tpu.memory_space<vmem>>) target(%dma_start3A_307 : memref<8x1000xf32, #tpu.memory_space<hbm>>) target_semaphore(%arg28 : memref<!tpu.dma_semaphore, #tpu.memory_space<semaphore_mem>>)
      %add3A_308 = arith.constant 7 : i32
      %add3A_309 = arith.addi %mul3A_188, %add3A_308 : i32
      %mul3A_310 = arith.constant 8 : i32
      %mul3A_311 = arith.muli %add3A_309, %mul3A_310 : i32
      %dma_wait3A_312 = tpu.memref_slice %arg5[%mul3A_311] : memref<1280xi32, #tpu.memory_space<vmem>> -> memref<8xi32, #tpu.memory_space<vmem>>
      %dma_wait3A_313 = arith.constant 0 : i32
      %dma_wait3A_314 = arith.constant 0 : i32
      %dma_wait3A_315 = tpu.memref_slice %arg30[%dma_wait3A_313, %dma_wait3A_314] : memref<1000x1000xf32, #tpu.memory_space<vmem_shared>> -> memref<1000x1000xf32, #tpu.memory_space<vmem_shared>>
      tpu.wait_indirect_dma semaphore(%arg21 : memref<!tpu.dma_semaphore, #tpu.memory_space<semaphore_mem>>) src(%dma_wait3A_315 : memref<1000x1000xf32, #tpu.memory_space<vmem_shared>>) dst(%arg13 : memref<8x1000xf32, #tpu.memory_space<vmem>>)
      %add3A_316 = arith.constant 7 : i32
      %add3A_317 = arith.addi %mul3A_188, %add3A_316 : i32
      %mul3A_318 = arith.constant 8 : i32
      %mul3A_319 = arith.muli %add3A_317, %mul3A_318 : i32
      %add3A_320 = arith.addi %mul3A_2, %mul3A_319 : i32
      %dma_start3A_321 = arith.constant 0 : i32
      %dma_start3A_322 = tpu.memref_slice %arg4[%add3A_320, %dma_start3A_321] : memref<40960x1000xf32, #tpu.memory_space<hbm>> -> memref<8x1000xf32, #tpu.memory_space<hbm>>
      %dma_start3A_323 = arith.constant 0 : i32
      %dma_start3A_324 = tpu.memref_slice %arg4[%add3A_320, %dma_start3A_323] : memref<40960x1000xf32, #tpu.memory_space<hbm>> -> memref<8x1000xf32, #tpu.memory_space<hbm>>
      tpu.enqueue_dma source(%arg13 : memref<8x1000xf32, #tpu.memory_space<vmem>>) target(%dma_start3A_324 : memref<8x1000xf32, #tpu.memory_space<hbm>>) target_semaphore(%arg29 : memref<!tpu.dma_semaphore, #tpu.memory_space<semaphore_mem>>)
      %add3A_325 = arith.constant 0 : i32
      %add3A_326 = arith.addi %mul3A_188, %add3A_325 : i32
      %mul3A_327 = arith.constant 8 : i32
      %mul3A_328 = arith.muli %add3A_326, %mul3A_327 : i32
      %add3A_329 = arith.addi %mul3A_2, %mul3A_328 : i32
      %dma_wait3A_330 = arith.constant 0 : i32
      %dma_wait3A_331 = tpu.memref_slice %arg4[%add3A_329, %dma_wait3A_330] : memref<40960x1000xf32, #tpu.memory_space<hbm>> -> memref<8x1000xf32, #tpu.memory_space<hbm>>
      %dma_wait3A_332 = arith.constant 0 : i32
      %dma_wait3A_333 = tpu.memref_slice %arg4[%add3A_329, %dma_wait3A_332] : memref<40960x1000xf32, #tpu.memory_space<hbm>> -> memref<8x1000xf32, #tpu.memory_space<hbm>>
      tpu.wait_dma2 semaphore(%arg22 : memref<!tpu.dma_semaphore, #tpu.memory_space<semaphore_mem>>) src(%arg6 : memref<8x1000xf32, #tpu.memory_space<vmem>>) dst(%dma_wait3A_333 : memref<8x1000xf32, #tpu.memory_space<hbm>>)
      %add3A_334 = arith.constant 8 : i32
      %add3A_335 = arith.addi %mul3A_188, %add3A_334 : i32
      %add3A_336 = arith.constant 0 : i32
      %add3A_337 = arith.addi %add3A_335, %add3A_336 : i32
      %mul3A_338 = arith.constant 8 : i32
      %mul3A_339 = arith.muli %add3A_337, %mul3A_338 : i32
      %dma_start3A_340 = tpu.memref_slice %arg5[%mul3A_339] : memref<1280xi32, #tpu.memory_space<vmem>> -> memref<8xi32, #tpu.memory_space<vmem>>
      %dma_start3A_341 = arith.constant 0 : i32
      %dma_start3A_342 = arith.constant 0 : i32
      %dma_start3A_343 = tpu.memref_slice %arg30[%dma_start3A_341, %dma_start3A_342] : memref<1000x1000xf32, #tpu.memory_space<vmem_shared>> -> memref<1000x1000xf32, #tpu.memory_space<vmem_shared>>
      tpu.enqueue_indirect_dma source(%dma_start3A_343 : memref<1000x1000xf32, #tpu.memory_space<vmem_shared>>) target(%arg6 : memref<8x1000xf32, #tpu.memory_space<vmem>>) offsets(%dma_start3A_340 : memref<8xi32, #tpu.memory_space<vmem>>) semaphore(%arg14 : memref<!tpu.dma_semaphore, #tpu.memory_space<semaphore_mem>>)
      %add3A_344 = arith.constant 1 : i32
      %add3A_345 = arith.addi %mul3A_188, %add3A_344 : i32
      %mul3A_346 = arith.constant 8 : i32
      %mul3A_347 = arith.muli %add3A_345, %mul3A_346 : i32
      %add3A_348 = arith.addi %mul3A_2, %mul3A_347 : i32
      %dma_wait3A_349 = arith.constant 0 : i32
      %dma_wait3A_350 = tpu.memref_slice %arg4[%add3A_348, %dma_wait3A_349] : memref<40960x1000xf32, #tpu.memory_space<hbm>> -> memref<8x1000xf32, #tpu.memory_space<hbm>>
      %dma_wait3A_351 = arith.constant 0 : i32
      %dma_wait3A_352 = tpu.memref_slice %arg4[%add3A_348, %dma_wait3A_351] : memref<40960x1000xf32, #tpu.memory_space<hbm>> -> memref<8x1000xf32, #tpu.memory_space<hbm>>
      tpu.wait_dma2 semaphore(%arg23 : memref<!tpu.dma_semaphore, #tpu.memory_space<semaphore_mem>>) src(%arg7 : memref<8x1000xf32, #tpu.memory_space<vmem>>) dst(%dma_wait3A_352 : memref<8x1000xf32, #tpu.memory_space<hbm>>)
      %add3A_353 = arith.constant 8 : i32
      %add3A_354 = arith.addi %mul3A_188, %add3A_353 : i32
      %add3A_355 = arith.constant 1 : i32
      %add3A_356 = arith.addi %add3A_354, %add3A_355 : i32
      %mul3A_357 = arith.constant 8 : i32
      %mul3A_358 = arith.muli %add3A_356, %mul3A_357 : i32
      %dma_start3A_359 = tpu.memref_slice %arg5[%mul3A_358] : memref<1280xi32, #tpu.memory_space<vmem>> -> memref<8xi32, #tpu.memory_space<vmem>>
      %dma_start3A_360 = arith.constant 0 : i32
      %dma_start3A_361 = arith.constant 0 : i32
      %dma_start3A_362 = tpu.memref_slice %arg30[%dma_start3A_360, %dma_start3A_361] : memref<1000x1000xf32, #tpu.memory_space<vmem_shared>> -> memref<1000x1000xf32, #tpu.memory_space<vmem_shared>>
      tpu.enqueue_indirect_dma source(%dma_start3A_362 : memref<1000x1000xf32, #tpu.memory_space<vmem_shared>>) target(%arg7 : memref<8x1000xf32, #tpu.memory_space<vmem>>) offsets(%dma_start3A_359 : memref<8xi32, #tpu.memory_space<vmem>>) semaphore(%arg15 : memref<!tpu.dma_semaphore, #tpu.memory_space<semaphore_mem>>)
      %add3A_363 = arith.constant 2 : i32
      %add3A_364 = arith.addi %mul3A_188, %add3A_363 : i32
      %mul3A_365 = arith.constant 8 : i32
      %mul3A_366 = arith.muli %add3A_364, %mul3A_365 : i32
      %add3A_367 = arith.addi %mul3A_2, %mul3A_366 : i32
      %dma_wait3A_368 = arith.constant 0 : i32
      %dma_wait3A_369 = tpu.memref_slice %arg4[%add3A_367, %dma_wait3A_368] : memref<40960x1000xf32, #tpu.memory_space<hbm>> -> memref<8x1000xf32, #tpu.memory_space<hbm>>
      %dma_wait3A_370 = arith.constant 0 : i32
      %dma_wait3A_371 = tpu.memref_slice %arg4[%add3A_367, %dma_wait3A_370] : memref<40960x1000xf32, #tpu.memory_space<hbm>> -> memref<8x1000xf32, #tpu.memory_space<hbm>>
      tpu.wait_dma2 semaphore(%arg24 : memref<!tpu.dma_semaphore, #tpu.memory_space<semaphore_mem>>) src(%arg8 : memref<8x1000xf32, #tpu.memory_space<vmem>>) dst(%dma_wait3A_371 : memref<8x1000xf32, #tpu.memory_space<hbm>>)
      %add3A_372 = arith.constant 8 : i32
      %add3A_373 = arith.addi %mul3A_188, %add3A_372 : i32
      %add3A_374 = arith.constant 2 : i32
      %add3A_375 = arith.addi %add3A_373, %add3A_374 : i32
      %mul3A_376 = arith.constant 8 : i32
      %mul3A_377 = arith.muli %add3A_375, %mul3A_376 : i32
      %dma_start3A_378 = tpu.memref_slice %arg5[%mul3A_377] : memref<1280xi32, #tpu.memory_space<vmem>> -> memref<8xi32, #tpu.memory_space<vmem>>
      %dma_start3A_379 = arith.constant 0 : i32
      %dma_start3A_380 = arith.constant 0 : i32
      %dma_start3A_381 = tpu.memref_slice %arg30[%dma_start3A_379, %dma_start3A_380] : memref<1000x1000xf32, #tpu.memory_space<vmem_shared>> -> memref<1000x1000xf32, #tpu.memory_space<vmem_shared>>
      tpu.enqueue_indirect_dma source(%dma_start3A_381 : memref<1000x1000xf32, #tpu.memory_space<vmem_shared>>) target(%arg8 : memref<8x1000xf32, #tpu.memory_space<vmem>>) offsets(%dma_start3A_378 : memref<8xi32, #tpu.memory_space<vmem>>) semaphore(%arg16 : memref<!tpu.dma_semaphore, #tpu.memory_space<semaphore_mem>>)
      %add3A_382 = arith.constant 3 : i32
      %add3A_383 = arith.addi %mul3A_188, %add3A_382 : i32
      %mul3A_384 = arith.constant 8 : i32
      %mul3A_385 = arith.muli %add3A_383, %mul3A_384 : i32
      %add3A_386 = arith.addi %mul3A_2, %mul3A_385 : i32
      %dma_wait3A_387 = arith.constant 0 : i32
      %dma_wait3A_388 = tpu.memref_slice %arg4[%add3A_386, %dma_wait3A_387] : memref<40960x1000xf32, #tpu.memory_space<hbm>> -> memref<8x1000xf32, #tpu.memory_space<hbm>>
      %dma_wait3A_389 = arith.constant 0 : i32
      %dma_wait3A_390 = tpu.memref_slice %arg4[%add3A_386, %dma_wait3A_389] : memref<40960x1000xf32, #tpu.memory_space<hbm>> -> memref<8x1000xf32, #tpu.memory_space<hbm>>
      tpu.wait_dma2 semaphore(%arg25 : memref<!tpu.dma_semaphore, #tpu.memory_space<semaphore_mem>>) src(%arg9 : memref<8x1000xf32, #tpu.memory_space<vmem>>) dst(%dma_wait3A_390 : memref<8x1000xf32, #tpu.memory_space<hbm>>)
      %add3A_391 = arith.constant 8 : i32
      %add3A_392 = arith.addi %mul3A_188, %add3A_391 : i32
      %add3A_393 = arith.constant 3 : i32
      %add3A_394 = arith.addi %add3A_392, %add3A_393 : i32
      %mul3A_395 = arith.constant 8 : i32
      %mul3A_396 = arith.muli %add3A_394, %mul3A_395 : i32
      %dma_start3A_397 = tpu.memref_slice %arg5[%mul3A_396] : memref<1280xi32, #tpu.memory_space<vmem>> -> memref<8xi32, #tpu.memory_space<vmem>>
      %dma_start3A_398 = arith.constant 0 : i32
      %dma_start3A_399 = arith.constant 0 : i32
      %dma_start3A_400 = tpu.memref_slice %arg30[%dma_start3A_398, %dma_start3A_399] : memref<1000x1000xf32, #tpu.memory_space<vmem_shared>> -> memref<1000x1000xf32, #tpu.memory_space<vmem_shared>>
      tpu.enqueue_indirect_dma source(%dma_start3A_400 : memref<1000x1000xf32, #tpu.memory_space<vmem_shared>>) target(%arg9 : memref<8x1000xf32, #tpu.memory_space<vmem>>) offsets(%dma_start3A_397 : memref<8xi32, #tpu.memory_space<vmem>>) semaphore(%arg17 : memref<!tpu.dma_semaphore, #tpu.memory_space<semaphore_mem>>)
      %add3A_401 = arith.constant 4 : i32
      %add3A_402 = arith.addi %mul3A_188, %add3A_401 : i32
      %mul3A_403 = arith.constant 8 : i32
      %mul3A_404 = arith.muli %add3A_402, %mul3A_403 : i32
      %add3A_405 = arith.addi %mul3A_2, %mul3A_404 : i32
      %dma_wait3A_406 = arith.constant 0 : i32
      %dma_wait3A_407 = tpu.memref_slice %arg4[%add3A_405, %dma_wait3A_406] : memref<40960x1000xf32, #tpu.memory_space<hbm>> -> memref<8x1000xf32, #tpu.memory_space<hbm>>
      %dma_wait3A_408 = arith.constant 0 : i32
      %dma_wait3A_409 = tpu.memref_slice %arg4[%add3A_405, %dma_wait3A_408] : memref<40960x1000xf32, #tpu.memory_space<hbm>> -> memref<8x1000xf32, #tpu.memory_space<hbm>>
      tpu.wait_dma2 semaphore(%arg26 : memref<!tpu.dma_semaphore, #tpu.memory_space<semaphore_mem>>) src(%arg10 : memref<8x1000xf32, #tpu.memory_space<vmem>>) dst(%dma_wait3A_409 : memref<8x1000xf32, #tpu.memory_space<hbm>>)
      %add3A_410 = arith.constant 8 : i32
      %add3A_411 = arith.addi %mul3A_188, %add3A_410 : i32
      %add3A_412 = arith.constant 4 : i32
      %add3A_413 = arith.addi %add3A_411, %add3A_412 : i32
      %mul3A_414 = arith.constant 8 : i32
      %mul3A_415 = arith.muli %add3A_413, %mul3A_414 : i32
      %dma_start3A_416 = tpu.memref_slice %arg5[%mul3A_415] : memref<1280xi32, #tpu.memory_space<vmem>> -> memref<8xi32, #tpu.memory_space<vmem>>
      %dma_start3A_417 = arith.constant 0 : i32
      %dma_start3A_418 = arith.constant 0 : i32
      %dma_start3A_419 = tpu.memref_slice %arg30[%dma_start3A_417, %dma_start3A_418] : memref<1000x1000xf32, #tpu.memory_space<vmem_shared>> -> memref<1000x1000xf32, #tpu.memory_space<vmem_shared>>
      tpu.enqueue_indirect_dma source(%dma_start3A_419 : memref<1000x1000xf32, #tpu.memory_space<vmem_shared>>) target(%arg10 : memref<8x1000xf32, #tpu.memory_space<vmem>>) offsets(%dma_start3A_416 : memref<8xi32, #tpu.memory_space<vmem>>) semaphore(%arg18 : memref<!tpu.dma_semaphore, #tpu.memory_space<semaphore_mem>>)
      %add3A_420 = arith.constant 5 : i32
      %add3A_421 = arith.addi %mul3A_188, %add3A_420 : i32
      %mul3A_422 = arith.constant 8 : i32
      %mul3A_423 = arith.muli %add3A_421, %mul3A_422 : i32
      %add3A_424 = arith.addi %mul3A_2, %mul3A_423 : i32
      %dma_wait3A_425 = arith.constant 0 : i32
      %dma_wait3A_426 = tpu.memref_slice %arg4[%add3A_424, %dma_wait3A_425] : memref<40960x1000xf32, #tpu.memory_space<hbm>> -> memref<8x1000xf32, #tpu.memory_space<hbm>>
      %dma_wait3A_427 = arith.constant 0 : i32
      %dma_wait3A_428 = tpu.memref_slice %arg4[%add3A_424, %dma_wait3A_427] : memref<40960x1000xf32, #tpu.memory_space<hbm>> -> memref<8x1000xf32, #tpu.memory_space<hbm>>
      tpu.wait_dma2 semaphore(%arg27 : memref<!tpu.dma_semaphore, #tpu.memory_space<semaphore_mem>>) src(%arg11 : memref<8x1000xf32, #tpu.memory_space<vmem>>) dst(%dma_wait3A_428 : memref<8x1000xf32, #tpu.memory_space<hbm>>)
      %add3A_429 = arith.constant 8 : i32
      %add3A_430 = arith.addi %mul3A_188, %add3A_429 : i32
      %add3A_431 = arith.constant 5 : i32
      %add3A_432 = arith.addi %add3A_430, %add3A_431 : i32
      %mul3A_433 = arith.constant 8 : i32
      %mul3A_434 = arith.muli %add3A_432, %mul3A_433 : i32
      %dma_start3A_435 = tpu.memref_slice %arg5[%mul3A_434] : memref<1280xi32, #tpu.memory_space<vmem>> -> memref<8xi32, #tpu.memory_space<vmem>>
      %dma_start3A_436 = arith.constant 0 : i32
      %dma_start3A_437 = arith.constant 0 : i32
      %dma_start3A_438 = tpu.memref_slice %arg30[%dma_start3A_436, %dma_start3A_437] : memref<1000x1000xf32, #tpu.memory_space<vmem_shared>> -> memref<1000x1000xf32, #tpu.memory_space<vmem_shared>>
      tpu.enqueue_indirect_dma source(%dma_start3A_438 : memref<1000x1000xf32, #tpu.memory_space<vmem_shared>>) target(%arg11 : memref<8x1000xf32, #tpu.memory_space<vmem>>) offsets(%dma_start3A_435 : memref<8xi32, #tpu.memory_space<vmem>>) semaphore(%arg19 : memref<!tpu.dma_semaphore, #tpu.memory_space<semaphore_mem>>)
      %add3A_439 = arith.constant 6 : i32
      %add3A_440 = arith.addi %mul3A_188, %add3A_439 : i32
      %mul3A_441 = arith.constant 8 : i32
      %mul3A_442 = arith.muli %add3A_440, %mul3A_441 : i32
      %add3A_443 = arith.addi %mul3A_2, %mul3A_442 : i32
      %dma_wait3A_444 = arith.constant 0 : i32
      %dma_wait3A_445 = tpu.memref_slice %arg4[%add3A_443, %dma_wait3A_444] : memref<40960x1000xf32, #tpu.memory_space<hbm>> -> memref<8x1000xf32, #tpu.memory_space<hbm>>
      %dma_wait3A_446 = arith.constant 0 : i32
      %dma_wait3A_447 = tpu.memref_slice %arg4[%add3A_443, %dma_wait3A_446] : memref<40960x1000xf32, #tpu.memory_space<hbm>> -> memref<8x1000xf32, #tpu.memory_space<hbm>>
      tpu.wait_dma2 semaphore(%arg28 : memref<!tpu.dma_semaphore, #tpu.memory_space<semaphore_mem>>) src(%arg12 : memref<8x1000xf32, #tpu.memory_space<vmem>>) dst(%dma_wait3A_447 : memref<8x1000xf32, #tpu.memory_space<hbm>>)
      %add3A_448 = arith.constant 8 : i32
      %add3A_449 = arith.addi %mul3A_188, %add3A_448 : i32
      %add3A_450 = arith.constant 6 : i32
      %add3A_451 = arith.addi %add3A_449, %add3A_450 : i32
      %mul3A_452 = arith.constant 8 : i32
      %mul3A_453 = arith.muli %add3A_451, %mul3A_452 : i32
      %dma_start3A_454 = tpu.memref_slice %arg5[%mul3A_453] : memref<1280xi32, #tpu.memory_space<vmem>> -> memref<8xi32, #tpu.memory_space<vmem>>
      %dma_start3A_455 = arith.constant 0 : i32
      %dma_start3A_456 = arith.constant 0 : i32
      %dma_start3A_457 = tpu.memref_slice %arg30[%dma_start3A_455, %dma_start3A_456] : memref<1000x1000xf32, #tpu.memory_space<vmem_shared>> -> memref<1000x1000xf32, #tpu.memory_space<vmem_shared>>
      tpu.enqueue_indirect_dma source(%dma_start3A_457 : memref<1000x1000xf32, #tpu.memory_space<vmem_shared>>) target(%arg12 : memref<8x1000xf32, #tpu.memory_space<vmem>>) offsets(%dma_start3A_454 : memref<8xi32, #tpu.memory_space<vmem>>) semaphore(%arg20 : memref<!tpu.dma_semaphore, #tpu.memory_space<semaphore_mem>>)
      %add3A_458 = arith.constant 7 : i32
      %add3A_459 = arith.addi %mul3A_188, %add3A_458 : i32
      %mul3A_460 = arith.constant 8 : i32
      %mul3A_461 = arith.muli %add3A_459, %mul3A_460 : i32
      %add3A_462 = arith.addi %mul3A_2, %mul3A_461 : i32
      %dma_wait3A_463 = arith.constant 0 : i32
      %dma_wait3A_464 = tpu.memref_slice %arg4[%add3A_462, %dma_wait3A_463] : memref<40960x1000xf32, #tpu.memory_space<hbm>> -> memref<8x1000xf32, #tpu.memory_space<hbm>>
      %dma_wait3A_465 = arith.constant 0 : i32
      %dma_wait3A_466 = tpu.memref_slice %arg4[%add3A_462, %dma_wait3A_465] : memref<40960x1000xf32, #tpu.memory_space<hbm>> -> memref<8x1000xf32, #tpu.memory_space<hbm>>
      tpu.wait_dma2 semaphore(%arg29 : memref<!tpu.dma_semaphore, #tpu.memory_space<semaphore_mem>>) src(%arg13 : memref<8x1000xf32, #tpu.memory_space<vmem>>) dst(%dma_wait3A_466 : memref<8x1000xf32, #tpu.memory_space<hbm>>)
      %add3A_467 = arith.constant 8 : i32
      %add3A_468 = arith.addi %mul3A_188, %add3A_467 : i32
      %add3A_469 = arith.constant 7 : i32
      %add3A_470 = arith.addi %add3A_468, %add3A_469 : i32
      %mul3A_471 = arith.constant 8 : i32
      %mul3A_472 = arith.muli %add3A_470, %mul3A_471 : i32
      %dma_start3A_473 = tpu.memref_slice %arg5[%mul3A_472] : memref<1280xi32, #tpu.memory_space<vmem>> -> memref<8xi32, #tpu.memory_space<vmem>>
      %dma_start3A_474 = arith.constant 0 : i32
      %dma_start3A_475 = arith.constant 0 : i32
      %dma_start3A_476 = tpu.memref_slice %arg30[%dma_start3A_474, %dma_start3A_475] : memref<1000x1000xf32, #tpu.memory_space<vmem_shared>> -> memref<1000x1000xf32, #tpu.memory_space<vmem_shared>>
      tpu.enqueue_indirect_dma source(%dma_start3A_476 : memref<1000x1000xf32, #tpu.memory_space<vmem_shared>>) target(%arg13 : memref<8x1000xf32, #tpu.memory_space<vmem>>) offsets(%dma_start3A_473 : memref<8xi32, #tpu.memory_space<vmem>>) semaphore(%arg21 : memref<!tpu.dma_semaphore, #tpu.memory_space<semaphore_mem>>)
      %scan3A_477 = arith.constant 0 : i32
      scf.yield %scan3A_477 : i32
    }
    %scan3A_49 = arith.constant 19 : i32
    %dma_wait3A = arith.constant 1216 : i32
    %dma_wait3A_50 = tpu.memref_slice %arg5[%dma_wait3A] : memref<1280xi32, #tpu.memory_space<vmem>> -> memref<8xi32, #tpu.memory_space<vmem>>
    %dma_wait3A_51 = arith.constant 0 : i32
    %dma_wait3A_52 = arith.constant 0 : i32
    %dma_wait3A_53 = tpu.memref_slice %arg30[%dma_wait3A_51, %dma_wait3A_52] : memref<1000x1000xf32, #tpu.memory_space<vmem_shared>> -> memref<1000x1000xf32, #tpu.memory_space<vmem_shared>>
    tpu.wait_indirect_dma semaphore(%arg14 : memref<!tpu.dma_semaphore, #tpu.memory_space<semaphore_mem>>) src(%dma_wait3A_53 : memref<1000x1000xf32, #tpu.memory_space<vmem_shared>>) dst(%arg6 : memref<8x1000xf32, #tpu.memory_space<vmem>>)
    %add3A_54 = arith.constant 1216 : i32
    %add3A_55 = arith.addi %mul3A_2, %add3A_54 : i32
    %dma_start3A_56 = arith.constant 0 : i32
    %dma_start3A_57 = tpu.memref_slice %arg4[%add3A_55, %dma_start3A_56] : memref<40960x1000xf32, #tpu.memory_space<hbm>> -> memref<8x1000xf32, #tpu.memory_space<hbm>>
    %dma_start3A_58 = arith.constant 0 : i32
    %dma_start3A_59 = tpu.memref_slice %arg4[%add3A_55, %dma_start3A_58] : memref<40960x1000xf32, #tpu.memory_space<hbm>> -> memref<8x1000xf32, #tpu.memory_space<hbm>>
    tpu.enqueue_dma source(%arg6 : memref<8x1000xf32, #tpu.memory_space<vmem>>) target(%dma_start3A_59 : memref<8x1000xf32, #tpu.memory_space<hbm>>) target_semaphore(%arg22 : memref<!tpu.dma_semaphore, #tpu.memory_space<semaphore_mem>>)
    %dma_wait3A_60 = arith.constant 1224 : i32
    %dma_wait3A_61 = tpu.memref_slice %arg5[%dma_wait3A_60] : memref<1280xi32, #tpu.memory_space<vmem>> -> memref<8xi32, #tpu.memory_space<vmem>>
    %dma_wait3A_62 = arith.constant 0 : i32
    %dma_wait3A_63 = arith.constant 0 : i32
    %dma_wait3A_64 = tpu.memref_slice %arg30[%dma_wait3A_62, %dma_wait3A_63] : memref<1000x1000xf32, #tpu.memory_space<vmem_shared>> -> memref<1000x1000xf32, #tpu.memory_space<vmem_shared>>
    tpu.wait_indirect_dma semaphore(%arg15 : memref<!tpu.dma_semaphore, #tpu.memory_space<semaphore_mem>>) src(%dma_wait3A_64 : memref<1000x1000xf32, #tpu.memory_space<vmem_shared>>) dst(%arg7 : memref<8x1000xf32, #tpu.memory_space<vmem>>)
    %add3A_65 = arith.constant 1224 : i32
    %add3A_66 = arith.addi %mul3A_2, %add3A_65 : i32
    %dma_start3A_67 = arith.constant 0 : i32
    %dma_start3A_68 = tpu.memref_slice %arg4[%add3A_66, %dma_start3A_67] : memref<40960x1000xf32, #tpu.memory_space<hbm>> -> memref<8x1000xf32, #tpu.memory_space<hbm>>
    %dma_start3A_69 = arith.constant 0 : i32
    %dma_start3A_70 = tpu.memref_slice %arg4[%add3A_66, %dma_start3A_69] : memref<40960x1000xf32, #tpu.memory_space<hbm>> -> memref<8x1000xf32, #tpu.memory_space<hbm>>
    tpu.enqueue_dma source(%arg7 : memref<8x1000xf32, #tpu.memory_space<vmem>>) target(%dma_start3A_70 : memref<8x1000xf32, #tpu.memory_space<hbm>>) target_semaphore(%arg23 : memref<!tpu.dma_semaphore, #tpu.memory_space<semaphore_mem>>)
    %dma_wait3A_71 = arith.constant 1232 : i32
    %dma_wait3A_72 = tpu.memref_slice %arg5[%dma_wait3A_71] : memref<1280xi32, #tpu.memory_space<vmem>> -> memref<8xi32, #tpu.memory_space<vmem>>
    %dma_wait3A_73 = arith.constant 0 : i32
    %dma_wait3A_74 = arith.constant 0 : i32
    %dma_wait3A_75 = tpu.memref_slice %arg30[%dma_wait3A_73, %dma_wait3A_74] : memref<1000x1000xf32, #tpu.memory_space<vmem_shared>> -> memref<1000x1000xf32, #tpu.memory_space<vmem_shared>>
    tpu.wait_indirect_dma semaphore(%arg16 : memref<!tpu.dma_semaphore, #tpu.memory_space<semaphore_mem>>) src(%dma_wait3A_75 : memref<1000x1000xf32, #tpu.memory_space<vmem_shared>>) dst(%arg8 : memref<8x1000xf32, #tpu.memory_space<vmem>>)
    %add3A_76 = arith.constant 1232 : i32
    %add3A_77 = arith.addi %mul3A_2, %add3A_76 : i32
    %dma_start3A_78 = arith.constant 0 : i32
    %dma_start3A_79 = tpu.memref_slice %arg4[%add3A_77, %dma_start3A_78] : memref<40960x1000xf32, #tpu.memory_space<hbm>> -> memref<8x1000xf32, #tpu.memory_space<hbm>>
    %dma_start3A_80 = arith.constant 0 : i32
    %dma_start3A_81 = tpu.memref_slice %arg4[%add3A_77, %dma_start3A_80] : memref<40960x1000xf32, #tpu.memory_space<hbm>> -> memref<8x1000xf32, #tpu.memory_space<hbm>>
    tpu.enqueue_dma source(%arg8 : memref<8x1000xf32, #tpu.memory_space<vmem>>) target(%dma_start3A_81 : memref<8x1000xf32, #tpu.memory_space<hbm>>) target_semaphore(%arg24 : memref<!tpu.dma_semaphore, #tpu.memory_space<semaphore_mem>>)
    %dma_wait3A_82 = arith.constant 1240 : i32
    %dma_wait3A_83 = tpu.memref_slice %arg5[%dma_wait3A_82] : memref<1280xi32, #tpu.memory_space<vmem>> -> memref<8xi32, #tpu.memory_space<vmem>>
    %dma_wait3A_84 = arith.constant 0 : i32
    %dma_wait3A_85 = arith.constant 0 : i32
    %dma_wait3A_86 = tpu.memref_slice %arg30[%dma_wait3A_84, %dma_wait3A_85] : memref<1000x1000xf32, #tpu.memory_space<vmem_shared>> -> memref<1000x1000xf32, #tpu.memory_space<vmem_shared>>
    tpu.wait_indirect_dma semaphore(%arg17 : memref<!tpu.dma_semaphore, #tpu.memory_space<semaphore_mem>>) src(%dma_wait3A_86 : memref<1000x1000xf32, #tpu.memory_space<vmem_shared>>) dst(%arg9 : memref<8x1000xf32, #tpu.memory_space<vmem>>)
    %add3A_87 = arith.constant 1240 : i32
    %add3A_88 = arith.addi %mul3A_2, %add3A_87 : i32
    %dma_start3A_89 = arith.constant 0 : i32
    %dma_start3A_90 = tpu.memref_slice %arg4[%add3A_88, %dma_start3A_89] : memref<40960x1000xf32, #tpu.memory_space<hbm>> -> memref<8x1000xf32, #tpu.memory_space<hbm>>
    %dma_start3A_91 = arith.constant 0 : i32
    %dma_start3A_92 = tpu.memref_slice %arg4[%add3A_88, %dma_start3A_91] : memref<40960x1000xf32, #tpu.memory_space<hbm>> -> memref<8x1000xf32, #tpu.memory_space<hbm>>
    tpu.enqueue_dma source(%arg9 : memref<8x1000xf32, #tpu.memory_space<vmem>>) target(%dma_start3A_92 : memref<8x1000xf32, #tpu.memory_space<hbm>>) target_semaphore(%arg25 : memref<!tpu.dma_semaphore, #tpu.memory_space<semaphore_mem>>)
    %dma_wait3A_93 = arith.constant 1248 : i32
    %dma_wait3A_94 = tpu.memref_slice %arg5[%dma_wait3A_93] : memref<1280xi32, #tpu.memory_space<vmem>> -> memref<8xi32, #tpu.memory_space<vmem>>
    %dma_wait3A_95 = arith.constant 0 : i32
    %dma_wait3A_96 = arith.constant 0 : i32
    %dma_wait3A_97 = tpu.memref_slice %arg30[%dma_wait3A_95, %dma_wait3A_96] : memref<1000x1000xf32, #tpu.memory_space<vmem_shared>> -> memref<1000x1000xf32, #tpu.memory_space<vmem_shared>>
    tpu.wait_indirect_dma semaphore(%arg18 : memref<!tpu.dma_semaphore, #tpu.memory_space<semaphore_mem>>) src(%dma_wait3A_97 : memref<1000x1000xf32, #tpu.memory_space<vmem_shared>>) dst(%arg10 : memref<8x1000xf32, #tpu.memory_space<vmem>>)
    %add3A_98 = arith.constant 1248 : i32
    %add3A_99 = arith.addi %mul3A_2, %add3A_98 : i32
    %dma_start3A_100 = arith.constant 0 : i32
    %dma_start3A_101 = tpu.memref_slice %arg4[%add3A_99, %dma_start3A_100] : memref<40960x1000xf32, #tpu.memory_space<hbm>> -> memref<8x1000xf32, #tpu.memory_space<hbm>>
    %dma_start3A_102 = arith.constant 0 : i32
    %dma_start3A_103 = tpu.memref_slice %arg4[%add3A_99, %dma_start3A_102] : memref<40960x1000xf32, #tpu.memory_space<hbm>> -> memref<8x1000xf32, #tpu.memory_space<hbm>>
    tpu.enqueue_dma source(%arg10 : memref<8x1000xf32, #tpu.memory_space<vmem>>) target(%dma_start3A_103 : memref<8x1000xf32, #tpu.memory_space<hbm>>) target_semaphore(%arg26 : memref<!tpu.dma_semaphore, #tpu.memory_space<semaphore_mem>>)
    %dma_wait3A_104 = arith.constant 1256 : i32
    %dma_wait3A_105 = tpu.memref_slice %arg5[%dma_wait3A_104] : memref<1280xi32, #tpu.memory_space<vmem>> -> memref<8xi32, #tpu.memory_space<vmem>>
    %dma_wait3A_106 = arith.constant 0 : i32
    %dma_wait3A_107 = arith.constant 0 : i32
    %dma_wait3A_108 = tpu.memref_slice %arg30[%dma_wait3A_106, %dma_wait3A_107] : memref<1000x1000xf32, #tpu.memory_space<vmem_shared>> -> memref<1000x1000xf32, #tpu.memory_space<vmem_shared>>
    tpu.wait_indirect_dma semaphore(%arg19 : memref<!tpu.dma_semaphore, #tpu.memory_space<semaphore_mem>>) src(%dma_wait3A_108 : memref<1000x1000xf32, #tpu.memory_space<vmem_shared>>) dst(%arg11 : memref<8x1000xf32, #tpu.memory_space<vmem>>)
    %add3A_109 = arith.constant 1256 : i32
    %add3A_110 = arith.addi %mul3A_2, %add3A_109 : i32
    %dma_start3A_111 = arith.constant 0 : i32
    %dma_start3A_112 = tpu.memref_slice %arg4[%add3A_110, %dma_start3A_111] : memref<40960x1000xf32, #tpu.memory_space<hbm>> -> memref<8x1000xf32, #tpu.memory_space<hbm>>
    %dma_start3A_113 = arith.constant 0 : i32
    %dma_start3A_114 = tpu.memref_slice %arg4[%add3A_110, %dma_start3A_113] : memref<40960x1000xf32, #tpu.memory_space<hbm>> -> memref<8x1000xf32, #tpu.memory_space<hbm>>
    tpu.enqueue_dma source(%arg11 : memref<8x1000xf32, #tpu.memory_space<vmem>>) target(%dma_start3A_114 : memref<8x1000xf32, #tpu.memory_space<hbm>>) target_semaphore(%arg27 : memref<!tpu.dma_semaphore, #tpu.memory_space<semaphore_mem>>)
    %dma_wait3A_115 = arith.constant 1264 : i32
    %dma_wait3A_116 = tpu.memref_slice %arg5[%dma_wait3A_115] : memref<1280xi32, #tpu.memory_space<vmem>> -> memref<8xi32, #tpu.memory_space<vmem>>
    %dma_wait3A_117 = arith.constant 0 : i32
    %dma_wait3A_118 = arith.constant 0 : i32
    %dma_wait3A_119 = tpu.memref_slice %arg30[%dma_wait3A_117, %dma_wait3A_118] : memref<1000x1000xf32, #tpu.memory_space<vmem_shared>> -> memref<1000x1000xf32, #tpu.memory_space<vmem_shared>>
    tpu.wait_indirect_dma semaphore(%arg20 : memref<!tpu.dma_semaphore, #tpu.memory_space<semaphore_mem>>) src(%dma_wait3A_119 : memref<1000x1000xf32, #tpu.memory_space<vmem_shared>>) dst(%arg12 : memref<8x1000xf32, #tpu.memory_space<vmem>>)
    %add3A_120 = arith.constant 1264 : i32
    %add3A_121 = arith.addi %mul3A_2, %add3A_120 : i32
    %dma_start3A_122 = arith.constant 0 : i32
    %dma_start3A_123 = tpu.memref_slice %arg4[%add3A_121, %dma_start3A_122] : memref<40960x1000xf32, #tpu.memory_space<hbm>> -> memref<8x1000xf32, #tpu.memory_space<hbm>>
    %dma_start3A_124 = arith.constant 0 : i32
    %dma_start3A_125 = tpu.memref_slice %arg4[%add3A_121, %dma_start3A_124] : memref<40960x1000xf32, #tpu.memory_space<hbm>> -> memref<8x1000xf32, #tpu.memory_space<hbm>>
    tpu.enqueue_dma source(%arg12 : memref<8x1000xf32, #tpu.memory_space<vmem>>) target(%dma_start3A_125 : memref<8x1000xf32, #tpu.memory_space<hbm>>) target_semaphore(%arg28 : memref<!tpu.dma_semaphore, #tpu.memory_space<semaphore_mem>>)
    %dma_wait3A_126 = arith.constant 1272 : i32
    %dma_wait3A_127 = tpu.memref_slice %arg5[%dma_wait3A_126] : memref<1280xi32, #tpu.memory_space<vmem>> -> memref<8xi32, #tpu.memory_space<vmem>>
    %dma_wait3A_128 = arith.constant 0 : i32
    %dma_wait3A_129 = arith.constant 0 : i32
    %dma_wait3A_130 = tpu.memref_slice %arg30[%dma_wait3A_128, %dma_wait3A_129] : memref<1000x1000xf32, #tpu.memory_space<vmem_shared>> -> memref<1000x1000xf32, #tpu.memory_space<vmem_shared>>
    tpu.wait_indirect_dma semaphore(%arg21 : memref<!tpu.dma_semaphore, #tpu.memory_space<semaphore_mem>>) src(%dma_wait3A_130 : memref<1000x1000xf32, #tpu.memory_space<vmem_shared>>) dst(%arg13 : memref<8x1000xf32, #tpu.memory_space<vmem>>)
    %add3A_131 = arith.constant 1272 : i32
    %add3A_132 = arith.addi %mul3A_2, %add3A_131 : i32
    %dma_start3A_133 = arith.constant 0 : i32
    %dma_start3A_134 = tpu.memref_slice %arg4[%add3A_132, %dma_start3A_133] : memref<40960x1000xf32, #tpu.memory_space<hbm>> -> memref<8x1000xf32, #tpu.memory_space<hbm>>
    %dma_start3A_135 = arith.constant 0 : i32
    %dma_start3A_136 = tpu.memref_slice %arg4[%add3A_132, %dma_start3A_135] : memref<40960x1000xf32, #tpu.memory_space<hbm>> -> memref<8x1000xf32, #tpu.memory_space<hbm>>
    tpu.enqueue_dma source(%arg13 : memref<8x1000xf32, #tpu.memory_space<vmem>>) target(%dma_start3A_136 : memref<8x1000xf32, #tpu.memory_space<hbm>>) target_semaphore(%arg29 : memref<!tpu.dma_semaphore, #tpu.memory_space<semaphore_mem>>)
    %add3A_137 = arith.constant 1216 : i32
    %add3A_138 = arith.addi %mul3A_2, %add3A_137 : i32
    %dma_wait3A_139 = arith.constant 0 : i32
    %dma_wait3A_140 = tpu.memref_slice %arg4[%add3A_138, %dma_wait3A_139] : memref<40960x1000xf32, #tpu.memory_space<hbm>> -> memref<8x1000xf32, #tpu.memory_space<hbm>>
    %dma_wait3A_141 = arith.constant 0 : i32
    %dma_wait3A_142 = tpu.memref_slice %arg4[%add3A_138, %dma_wait3A_141] : memref<40960x1000xf32, #tpu.memory_space<hbm>> -> memref<8x1000xf32, #tpu.memory_space<hbm>>
    tpu.wait_dma2 semaphore(%arg22 : memref<!tpu.dma_semaphore, #tpu.memory_space<semaphore_mem>>) src(%arg6 : memref<8x1000xf32, #tpu.memory_space<vmem>>) dst(%dma_wait3A_142 : memref<8x1000xf32, #tpu.memory_space<hbm>>)
    %add3A_143 = arith.constant 1224 : i32
    %add3A_144 = arith.addi %mul3A_2, %add3A_143 : i32
    %dma_wait3A_145 = arith.constant 0 : i32
    %dma_wait3A_146 = tpu.memref_slice %arg4[%add3A_144, %dma_wait3A_145] : memref<40960x1000xf32, #tpu.memory_space<hbm>> -> memref<8x1000xf32, #tpu.memory_space<hbm>>
    %dma_wait3A_147 = arith.constant 0 : i32
    %dma_wait3A_148 = tpu.memref_slice %arg4[%add3A_144, %dma_wait3A_147] : memref<40960x1000xf32, #tpu.memory_space<hbm>> -> memref<8x1000xf32, #tpu.memory_space<hbm>>
    tpu.wait_dma2 semaphore(%arg23 : memref<!tpu.dma_semaphore, #tpu.memory_space<semaphore_mem>>) src(%arg7 : memref<8x1000xf32, #tpu.memory_space<vmem>>) dst(%dma_wait3A_148 : memref<8x1000xf32, #tpu.memory_space<hbm>>)
    %add3A_149 = arith.constant 1232 : i32
    %add3A_150 = arith.addi %mul3A_2, %add3A_149 : i32
    %dma_wait3A_151 = arith.constant 0 : i32
    %dma_wait3A_152 = tpu.memref_slice %arg4[%add3A_150, %dma_wait3A_151] : memref<40960x1000xf32, #tpu.memory_space<hbm>> -> memref<8x1000xf32, #tpu.memory_space<hbm>>
    %dma_wait3A_153 = arith.constant 0 : i32
    %dma_wait3A_154 = tpu.memref_slice %arg4[%add3A_150, %dma_wait3A_153] : memref<40960x1000xf32, #tpu.memory_space<hbm>> -> memref<8x1000xf32, #tpu.memory_space<hbm>>
    tpu.wait_dma2 semaphore(%arg24 : memref<!tpu.dma_semaphore, #tpu.memory_space<semaphore_mem>>) src(%arg8 : memref<8x1000xf32, #tpu.memory_space<vmem>>) dst(%dma_wait3A_154 : memref<8x1000xf32, #tpu.memory_space<hbm>>)
    %add3A_155 = arith.constant 1240 : i32
    %add3A_156 = arith.addi %mul3A_2, %add3A_155 : i32
    %dma_wait3A_157 = arith.constant 0 : i32
    %dma_wait3A_158 = tpu.memref_slice %arg4[%add3A_156, %dma_wait3A_157] : memref<40960x1000xf32, #tpu.memory_space<hbm>> -> memref<8x1000xf32, #tpu.memory_space<hbm>>
    %dma_wait3A_159 = arith.constant 0 : i32
    %dma_wait3A_160 = tpu.memref_slice %arg4[%add3A_156, %dma_wait3A_159] : memref<40960x1000xf32, #tpu.memory_space<hbm>> -> memref<8x1000xf32, #tpu.memory_space<hbm>>
    tpu.wait_dma2 semaphore(%arg25 : memref<!tpu.dma_semaphore, #tpu.memory_space<semaphore_mem>>) src(%arg9 : memref<8x1000xf32, #tpu.memory_space<vmem>>) dst(%dma_wait3A_160 : memref<8x1000xf32, #tpu.memory_space<hbm>>)
    %add3A_161 = arith.constant 1248 : i32
    %add3A_162 = arith.addi %mul3A_2, %add3A_161 : i32
    %dma_wait3A_163 = arith.constant 0 : i32
    %dma_wait3A_164 = tpu.memref_slice %arg4[%add3A_162, %dma_wait3A_163] : memref<40960x1000xf32, #tpu.memory_space<hbm>> -> memref<8x1000xf32, #tpu.memory_space<hbm>>
    %dma_wait3A_165 = arith.constant 0 : i32
    %dma_wait3A_166 = tpu.memref_slice %arg4[%add3A_162, %dma_wait3A_165] : memref<40960x1000xf32, #tpu.memory_space<hbm>> -> memref<8x1000xf32, #tpu.memory_space<hbm>>
    tpu.wait_dma2 semaphore(%arg26 : memref<!tpu.dma_semaphore, #tpu.memory_space<semaphore_mem>>) src(%arg10 : memref<8x1000xf32, #tpu.memory_space<vmem>>) dst(%dma_wait3A_166 : memref<8x1000xf32, #tpu.memory_space<hbm>>)
    %add3A_167 = arith.constant 1256 : i32
    %add3A_168 = arith.addi %mul3A_2, %add3A_167 : i32
    %dma_wait3A_169 = arith.constant 0 : i32
    %dma_wait3A_170 = tpu.memref_slice %arg4[%add3A_168, %dma_wait3A_169] : memref<40960x1000xf32, #tpu.memory_space<hbm>> -> memref<8x1000xf32, #tpu.memory_space<hbm>>
    %dma_wait3A_171 = arith.constant 0 : i32
    %dma_wait3A_172 = tpu.memref_slice %arg4[%add3A_168, %dma_wait3A_171] : memref<40960x1000xf32, #tpu.memory_space<hbm>> -> memref<8x1000xf32, #tpu.memory_space<hbm>>
    tpu.wait_dma2 semaphore(%arg27 : memref<!tpu.dma_semaphore, #tpu.memory_space<semaphore_mem>>) src(%arg11 : memref<8x1000xf32, #tpu.memory_space<vmem>>) dst(%dma_wait3A_172 : memref<8x1000xf32, #tpu.memory_space<hbm>>)
    %add3A_173 = arith.constant 1264 : i32
    %add3A_174 = arith.addi %mul3A_2, %add3A_173 : i32
    %dma_wait3A_175 = arith.constant 0 : i32
    %dma_wait3A_176 = tpu.memref_slice %arg4[%add3A_174, %dma_wait3A_175] : memref<40960x1000xf32, #tpu.memory_space<hbm>> -> memref<8x1000xf32, #tpu.memory_space<hbm>>
    %dma_wait3A_177 = arith.constant 0 : i32
    %dma_wait3A_178 = tpu.memref_slice %arg4[%add3A_174, %dma_wait3A_177] : memref<40960x1000xf32, #tpu.memory_space<hbm>> -> memref<8x1000xf32, #tpu.memory_space<hbm>>
    tpu.wait_dma2 semaphore(%arg28 : memref<!tpu.dma_semaphore, #tpu.memory_space<semaphore_mem>>) src(%arg12 : memref<8x1000xf32, #tpu.memory_space<vmem>>) dst(%dma_wait3A_178 : memref<8x1000xf32, #tpu.memory_space<hbm>>)
    %add3A_179 = arith.constant 1272 : i32
    %add3A_180 = arith.addi %mul3A_2, %add3A_179 : i32
    %dma_wait3A_181 = arith.constant 0 : i32
    %dma_wait3A_182 = tpu.memref_slice %arg4[%add3A_180, %dma_wait3A_181] : memref<40960x1000xf32, #tpu.memory_space<hbm>> -> memref<8x1000xf32, #tpu.memory_space<hbm>>
    %dma_wait3A_183 = arith.constant 0 : i32
    %dma_wait3A_184 = tpu.memref_slice %arg4[%add3A_180, %dma_wait3A_183] : memref<40960x1000xf32, #tpu.memory_space<hbm>> -> memref<8x1000xf32, #tpu.memory_space<hbm>>
    tpu.wait_dma2 semaphore(%arg29 : memref<!tpu.dma_semaphore, #tpu.memory_space<semaphore_mem>>) src(%arg13 : memref<8x1000xf32, #tpu.memory_space<vmem>>) dst(%dma_wait3A_184 : memref<8x1000xf32, #tpu.memory_space<hbm>>)
    return
  }
}

#map = affine_map<(d0, d1) -> (0)>
#map1 = affine_map<(d0, d1) -> (0, 0)>
module attributes {stable_mosaic.version = 14 : i64} {
  func.func @gather_kernel(%arg0: i32, %arg1: i32, %arg2: memref<40960xi32, #tpu.memory_space<hbm>>, %arg3: memref<1000x1000xf32, #tpu.memory_space<hbm>>, %arg4: memref<40960x1000xf32, #tpu.memory_space<hbm>>, %arg5: memref<1280xi32, #tpu.memory_space<vmem>>, %arg6: memref<8x1000xf32, #tpu.memory_space<vmem>>, %arg7: memref<8x1000xf32, #tpu.memory_space<vmem>>, %arg8: memref<8x1000xf32, #tpu.memory_space<vmem>>, %arg9: memref<8x1000xf32, #tpu.memory_space<vmem>>, %arg10: memref<8x1000xf32, #tpu.memory_space<vmem>>, %arg11: memref<8x1000xf32, #tpu.memory_space<vmem>>, %arg12: memref<8x1000xf32, #tpu.memory_space<vmem>>, %arg13: memref<8x1000xf32, #tpu.memory_space<vmem>>, %arg14: memref<!tpu.dma_semaphore, #tpu.memory_space<semaphore_mem>>, %arg15: memref<!tpu.dma_semaphore, #tpu.memory_space<semaphore_mem>>, %arg16: memref<!tpu.dma_semaphore, #tpu.memory_space<semaphore_mem>>, %arg17: memref<!tpu.dma_semaphore, #tpu.memory_space<semaphore_mem>>, %arg18: memref<!tpu.dma_semaphore, #tpu.memory_space<semaphore_mem>>, %arg19: memref<!tpu.dma_semaphore, #tpu.memory_space<semaphore_mem>>, %arg20: memref<!tpu.dma_semaphore, #tpu.memory_space<semaphore_mem>>, %arg21: memref<!tpu.dma_semaphore, #tpu.memory_space<semaphore_mem>>, %arg22: memref<!tpu.dma_semaphore, #tpu.memory_space<semaphore_mem>>, %arg23: memref<!tpu.dma_semaphore, #tpu.memory_space<semaphore_mem>>, %arg24: memref<!tpu.dma_semaphore, #tpu.memory_space<semaphore_mem>>, %arg25: memref<!tpu.dma_semaphore, #tpu.memory_space<semaphore_mem>>, %arg26: memref<!tpu.dma_semaphore, #tpu.memory_space<semaphore_mem>>, %arg27: memref<!tpu.dma_semaphore, #tpu.memory_space<semaphore_mem>>, %arg28: memref<!tpu.dma_semaphore, #tpu.memory_space<semaphore_mem>>, %arg29: memref<!tpu.dma_semaphore, #tpu.memory_space<semaphore_mem>>, %arg30: memref<1000x1000xf32, #tpu.memory_space<vmem_shared>>) attributes {dimension_semantics = [#tpu.dimension_semantics<core_parallel>, #tpu.dimension_semantics<subcore_parallel>], iteration_bounds = array<i64: 2, 16>, scalar_prefetch = 0 : i64, scratch_operands = 26 : i64, tpu.core_type = #tpu.core_type<sc_vector_subcore>, window_params = [{transform_indices = #map}, {transform_indices = #map1}, {transform_indices = #map1}]} {
    %mul3A = arith.constant 2 : i32
    %mul3A_0 = arith.muli %arg1, %mul3A : i32
    %add3A = arith.addi %mul3A_0, %arg0 : i32
    %mul3A_1 = arith.constant 1280 : i32
    %mul3A_2 = arith.muli %add3A, %mul3A_1 : i32
    %eq3A = arith.constant 0 : i32
    %eq3A_3 = arith.cmpi eq, %arg1, %eq3A : i32
    %convert_element_type3A = arith.extui %eq3A_3 : i1 to i32
    %cond3A = arith.constant 0 : i32
    %cond3A_4 = arith.cmpi ne, %convert_element_type3A, %cond3A : i32
    scf.if %cond3A_4 {
      "tpu.region"() ({
        %run_scoped3A = tpu.sem_alloc : memref<!tpu.dma_semaphore, #tpu.memory_space<semaphore_mem>>
        tpu.enqueue_dma source(%arg3 : memref<1000x1000xf32, #tpu.memory_space<hbm>>) target(%arg30 : memref<1000x1000xf32, #tpu.memory_space<vmem_shared>>) target_semaphore(%run_scoped3A : memref<!tpu.dma_semaphore, #tpu.memory_space<semaphore_mem>>)
        tpu.wait_dma2 semaphore(%run_scoped3A : memref<!tpu.dma_semaphore, #tpu.memory_space<semaphore_mem>>) src(%arg3 : memref<1000x1000xf32, #tpu.memory_space<hbm>>) dst(%arg30 : memref<1000x1000xf32, #tpu.memory_space<vmem_shared>>)
        tpu.yield
      }) : () -> ()
    } else {
    }
    "tpu.region"() ({
      %run_scoped3A = tpu.sem_alloc : memref<!tpu.dma_semaphore, #tpu.memory_space<semaphore_mem>>
      %dma_start3A_185 = tpu.memref_slice %arg2[%mul3A_2] : memref<40960xi32, #tpu.memory_space<hbm>> -> memref<1280xi32, #tpu.memory_space<hbm>>
      %dma_start3A_186 = tpu.memref_slice %arg2[%mul3A_2] : memref<40960xi32, #tpu.memory_space<hbm>> -> memref<1280xi32, #tpu.memory_space<hbm>>
      tpu.enqueue_dma source(%dma_start3A_186 : memref<1280xi32, #tpu.memory_space<hbm>>) target(%arg5 : memref<1280xi32, #tpu.memory_space<vmem>>) target_semaphore(%run_scoped3A : memref<!tpu.dma_semaphore, #tpu.memory_space<semaphore_mem>>)
      %dma_wait3A_187 = tpu.memref_slice %arg2[%mul3A_2] : memref<40960xi32, #tpu.memory_space<hbm>> -> memref<1280xi32, #tpu.memory_space<hbm>>
      %dma_wait3A_188 = tpu.memref_slice %arg2[%mul3A_2] : memref<40960xi32, #tpu.memory_space<hbm>> -> memref<1280xi32, #tpu.memory_space<hbm>>
      tpu.wait_dma2 semaphore(%run_scoped3A : memref<!tpu.dma_semaphore, #tpu.memory_space<semaphore_mem>>) src(%dma_wait3A_188 : memref<1280xi32, #tpu.memory_space<hbm>>) dst(%arg5 : memref<1280xi32, #tpu.memory_space<vmem>>)
      tpu.yield
    }) : () -> ()
    %barrier3A = arith.constant 0 : index
    tpu.barrier barrier_id(%barrier3A)
    %dma_start3A = arith.constant 0 : i32
    %dma_start3A_5 = tpu.memref_slice %arg5[%dma_start3A] : memref<1280xi32, #tpu.memory_space<vmem>> -> memref<8xi32, #tpu.memory_space<vmem>>
    %dma_start3A_6 = arith.constant 0 : i32
    %dma_start3A_7 = arith.constant 0 : i32
    %dma_start3A_8 = tpu.memref_slice %arg30[%dma_start3A_6, %dma_start3A_7] : memref<1000x1000xf32, #tpu.memory_space<vmem_shared>> -> memref<1000x1000xf32, #tpu.memory_space<vmem_shared>>
    tpu.enqueue_indirect_dma source(%dma_start3A_8 : memref<1000x1000xf32, #tpu.memory_space<vmem_shared>>) target(%arg6 : memref<8x1000xf32, #tpu.memory_space<vmem>>) offsets(%dma_start3A_5 : memref<8xi32, #tpu.memory_space<vmem>>) semaphore(%arg14 : memref<!tpu.dma_semaphore, #tpu.memory_space<semaphore_mem>>)
    %dma_start3A_9 = arith.constant 8 : i32
    %dma_start3A_10 = tpu.memref_slice %arg5[%dma_start3A_9] : memref<1280xi32, #tpu.memory_space<vmem>> -> memref<8xi32, #tpu.memory_space<vmem>>
    %dma_start3A_11 = arith.constant 0 : i32
    %dma_start3A_12 = arith.constant 0 : i32
    %dma_start3A_13 = tpu.memref_slice %arg30[%dma_start3A_11, %dma_start3A_12] : memref<1000x1000xf32, #tpu.memory_space<vmem_shared>> -> memref<1000x1000xf32, #tpu.memory_space<vmem_shared>>
    tpu.enqueue_indirect_dma source(%dma_start3A_13 : memref<1000x1000xf32, #tpu.memory_space<vmem_shared>>) target(%arg7 : memref<8x1000xf32, #tpu.memory_space<vmem>>) offsets(%dma_start3A_10 : memref<8xi32, #tpu.memory_space<vmem>>) semaphore(%arg15 : memref<!tpu.dma_semaphore, #tpu.memory_space<semaphore_mem>>)
    %dma_start3A_14 = arith.constant 16 : i32
    %dma_start3A_15 = tpu.memref_slice %arg5[%dma_start3A_14] : memref<1280xi32, #tpu.memory_space<vmem>> -> memref<8xi32, #tpu.memory_space<vmem>>
    %dma_start3A_16 = arith.constant 0 : i32
    %dma_start3A_17 = arith.constant 0 : i32
    %dma_start3A_18 = tpu.memref_slice %arg30[%dma_start3A_16, %dma_start3A_17] : memref<1000x1000xf32, #tpu.memory_space<vmem_shared>> -> memref<1000x1000xf32, #tpu.memory_space<vmem_shared>>
    tpu.enqueue_indirect_dma source(%dma_start3A_18 : memref<1000x1000xf32, #tpu.memory_space<vmem_shared>>) target(%arg8 : memref<8x1000xf32, #tpu.memory_space<vmem>>) offsets(%dma_start3A_15 : memref<8xi32, #tpu.memory_space<vmem>>) semaphore(%arg16 : memref<!tpu.dma_semaphore, #tpu.memory_space<semaphore_mem>>)
    %dma_start3A_19 = arith.constant 24 : i32
    %dma_start3A_20 = tpu.memref_slice %arg5[%dma_start3A_19] : memref<1280xi32, #tpu.memory_space<vmem>> -> memref<8xi32, #tpu.memory_space<vmem>>
    %dma_start3A_21 = arith.constant 0 : i32
    %dma_start3A_22 = arith.constant 0 : i32
    %dma_start3A_23 = tpu.memref_slice %arg30[%dma_start3A_21, %dma_start3A_22] : memref<1000x1000xf32, #tpu.memory_space<vmem_shared>> -> memref<1000x1000xf32, #tpu.memory_space<vmem_shared>>
    tpu.enqueue_indirect_dma source(%dma_start3A_23 : memref<1000x1000xf32, #tpu.memory_space<vmem_shared>>) target(%arg9 : memref<8x1000xf32, #tpu.memory_space<vmem>>) offsets(%dma_start3A_20 : memref<8xi32, #tpu.memory_space<vmem>>) semaphore(%arg17 : memref<!tpu.dma_semaphore, #tpu.memory_space<semaphore_mem>>)
    %dma_start3A_24 = arith.constant 32 : i32
    %dma_start3A_25 = tpu.memref_slice %arg5[%dma_start3A_24] : memref<1280xi32, #tpu.memory_space<vmem>> -> memref<8xi32, #tpu.memory_space<vmem>>
    %dma_start3A_26 = arith.constant 0 : i32
    %dma_start3A_27 = arith.constant 0 : i32
    %dma_start3A_28 = tpu.memref_slice %arg30[%dma_start3A_26, %dma_start3A_27] : memref<1000x1000xf32, #tpu.memory_space<vmem_shared>> -> memref<1000x1000xf32, #tpu.memory_space<vmem_shared>>
    tpu.enqueue_indirect_dma source(%dma_start3A_28 : memref<1000x1000xf32, #tpu.memory_space<vmem_shared>>) target(%arg10 : memref<8x1000xf32, #tpu.memory_space<vmem>>) offsets(%dma_start3A_25 : memref<8xi32, #tpu.memory_space<vmem>>) semaphore(%arg18 : memref<!tpu.dma_semaphore, #tpu.memory_space<semaphore_mem>>)
    %dma_start3A_29 = arith.constant 40 : i32
    %dma_start3A_30 = tpu.memref_slice %arg5[%dma_start3A_29] : memref<1280xi32, #tpu.memory_space<vmem>> -> memref<8xi32, #tpu.memory_space<vmem>>
    %dma_start3A_31 = arith.constant 0 : i32
    %dma_start3A_32 = arith.constant 0 : i32
    %dma_start3A_33 = tpu.memref_slice %arg30[%dma_start3A_31, %dma_start3A_32] : memref<1000x1000xf32, #tpu.memory_space<vmem_shared>> -> memref<1000x1000xf32, #tpu.memory_space<vmem_shared>>
    tpu.enqueue_indirect_dma source(%dma_start3A_33 : memref<1000x1000xf32, #tpu.memory_space<vmem_shared>>) target(%arg11 : memref<8x1000xf32, #tpu.memory_space<vmem>>) offsets(%dma_start3A_30 : memref<8xi32, #tpu.memory_space<vmem>>) semaphore(%arg19 : memref<!tpu.dma_semaphore, #tpu.memory_space<semaphore_mem>>)
    %dma_start3A_34 = arith.constant 48 : i32
    %dma_start3A_35 = tpu.memref_slice %arg5[%dma_start3A_34] : memref<1280xi32, #tpu.memory_space<vmem>> -> memref<8xi32, #tpu.memory_space<vmem>>
    %dma_start3A_36 = arith.constant 0 : i32
    %dma_start3A_37 = arith.constant 0 : i32
    %dma_start3A_38 = tpu.memref_slice %arg30[%dma_start3A_36, %dma_start3A_37] : memref<1000x1000xf32, #tpu.memory_space<vmem_shared>> -> memref<1000x1000xf32, #tpu.memory_space<vmem_shared>>
    tpu.enqueue_indirect_dma source(%dma_start3A_38 : memref<1000x1000xf32, #tpu.memory_space<vmem_shared>>) target(%arg12 : memref<8x1000xf32, #tpu.memory_space<vmem>>) offsets(%dma_start3A_35 : memref<8xi32, #tpu.memory_space<vmem>>) semaphore(%arg20 : memref<!tpu.dma_semaphore, #tpu.memory_space<semaphore_mem>>)
    %dma_start3A_39 = arith.constant 56 : i32
    %dma_start3A_40 = tpu.memref_slice %arg5[%dma_start3A_39] : memref<1280xi32, #tpu.memory_space<vmem>> -> memref<8xi32, #tpu.memory_space<vmem>>
    %dma_start3A_41 = arith.constant 0 : i32
    %dma_start3A_42 = arith.constant 0 : i32
    %dma_start3A_43 = tpu.memref_slice %arg30[%dma_start3A_41, %dma_start3A_42] : memref<1000x1000xf32, #tpu.memory_space<vmem_shared>> -> memref<1000x1000xf32, #tpu.memory_space<vmem_shared>>
    tpu.enqueue_indirect_dma source(%dma_start3A_43 : memref<1000x1000xf32, #tpu.memory_space<vmem_shared>>) target(%arg13 : memref<8x1000xf32, #tpu.memory_space<vmem>>) offsets(%dma_start3A_40 : memref<8xi32, #tpu.memory_space<vmem>>) semaphore(%arg21 : memref<!tpu.dma_semaphore, #tpu.memory_space<semaphore_mem>>)
    %scan3A = arith.constant 0 : i32
    %scan3A_44 = arith.constant 0 : i32
    %scan3A_45 = arith.constant 19 : i32
    %scan3A_46 = arith.addi %scan3A_44, %scan3A_45 : i32
    %scan3A_47 = arith.constant 1 : i32
    %scan3A_48 = scf.for %scan3A_185 = %scan3A_44 to %scan3A_46 step %scan3A_47 iter_args(%scan3A_186 = %scan3A) -> (i32)  : i32 {
      %mul3A_187 = arith.constant 8 : i32
      %mul3A_188 = arith.muli %scan3A_185, %mul3A_187 : i32
      %add3A_189 = arith.constant 0 : i32
      %add3A_190 = arith.addi %mul3A_188, %add3A_189 : i32
      %mul3A_191 = arith.constant 8 : i32
      %mul3A_192 = arith.muli %add3A_190, %mul3A_191 : i32
      %dma_wait3A_193 = tpu.memref_slice %arg5[%mul3A_192] : memref<1280xi32, #tpu.memory_space<vmem>> -> memref<8xi32, #tpu.memory_space<vmem>>
      %dma_wait3A_194 = arith.constant 0 : i32
      %dma_wait3A_195 = arith.constant 0 : i32
      %dma_wait3A_196 = tpu.memref_slice %arg30[%dma_wait3A_194, %dma_wait3A_195] : memref<1000x1000xf32, #tpu.memory_space<vmem_shared>> -> memref<1000x1000xf32, #tpu.memory_space<vmem_shared>>
      tpu.wait_indirect_dma semaphore(%arg14 : memref<!tpu.dma_semaphore, #tpu.memory_space<semaphore_mem>>) src(%dma_wait3A_196 : memref<1000x1000xf32, #tpu.memory_space<vmem_shared>>) dst(%arg6 : memref<8x1000xf32, #tpu.memory_space<vmem>>)
      %add3A_197 = arith.constant 0 : i32
      %add3A_198 = arith.addi %mul3A_188, %add3A_197 : i32
      %mul3A_199 = arith.constant 8 : i32
      %mul3A_200 = arith.muli %add3A_198, %mul3A_199 : i32
      %add3A_201 = arith.addi %mul3A_2, %mul3A_200 : i32
      %dma_start3A_202 = arith.constant 0 : i32
      %dma_start3A_203 = tpu.memref_slice %arg4[%add3A_201, %dma_start3A_202] : memref<40960x1000xf32, #tpu.memory_space<hbm>> -> memref<8x1000xf32, #tpu.memory_space<hbm>>
      %dma_start3A_204 = arith.constant 0 : i32
      %dma_start3A_205 = tpu.memref_slice %arg4[%add3A_201, %dma_start3A_204] : memref<40960x1000xf32, #tpu.memory_space<hbm>> -> memref<8x1000xf32, #tpu.memory_space<hbm>>
      tpu.enqueue_dma source(%arg6 : memref<8x1000xf32, #tpu.memory_space<vmem>>) target(%dma_start3A_205 : memref<8x1000xf32, #tpu.memory_space<hbm>>) target_semaphore(%arg22 : memref<!tpu.dma_semaphore, #tpu.memory_space<semaphore_mem>>)
      %add3A_206 = arith.constant 1 : i32
      %add3A_207 = arith.addi %mul3A_188, %add3A_206 : i32
      %mul3A_208 = arith.constant 8 : i32
      %mul3A_209 = arith.muli %add3A_207, %mul3A_208 : i32
      %dma_wait3A_210 = tpu.memref_slice %arg5[%mul3A_209] : memref<1280xi32, #tpu.memory_space<vmem>> -> memref<8xi32, #tpu.memory_space<vmem>>
      %dma_wait3A_211 = arith.constant 0 : i32
      %dma_wait3A_212 = arith.constant 0 : i32
      %dma_wait3A_213 = tpu.memref_slice %arg30[%dma_wait3A_211, %dma_wait3A_212] : memref<1000x1000xf32, #tpu.memory_space<vmem_shared>> -> memref<1000x1000xf32, #tpu.memory_space<vmem_shared>>
      tpu.wait_indirect_dma semaphore(%arg15 : memref<!tpu.dma_semaphore, #tpu.memory_space<semaphore_mem>>) src(%dma_wait3A_213 : memref<1000x1000xf32, #tpu.memory_space<vmem_shared>>) dst(%arg7 : memref<8x1000xf32, #tpu.memory_space<vmem>>)
      %add3A_214 = arith.constant 1 : i32
      %add3A_215 = arith.addi %mul3A_188, %add3A_214 : i32
      %mul3A_216 = arith.constant 8 : i32
      %mul3A_217 = arith.muli %add3A_215, %mul3A_216 : i32
      %add3A_218 = arith.addi %mul3A_2, %mul3A_217 : i32
      %dma_start3A_219 = arith.constant 0 : i32
      %dma_start3A_220 = tpu.memref_slice %arg4[%add3A_218, %dma_start3A_219] : memref<40960x1000xf32, #tpu.memory_space<hbm>> -> memref<8x1000xf32, #tpu.memory_space<hbm>>
      %dma_start3A_221 = arith.constant 0 : i32
      %dma_start3A_222 = tpu.memref_slice %arg4[%add3A_218, %dma_start3A_221] : memref<40960x1000xf32, #tpu.memory_space<hbm>> -> memref<8x1000xf32, #tpu.memory_space<hbm>>
      tpu.enqueue_dma source(%arg7 : memref<8x1000xf32, #tpu.memory_space<vmem>>) target(%dma_start3A_222 : memref<8x1000xf32, #tpu.memory_space<hbm>>) target_semaphore(%arg23 : memref<!tpu.dma_semaphore, #tpu.memory_space<semaphore_mem>>)
      %add3A_223 = arith.constant 2 : i32
      %add3A_224 = arith.addi %mul3A_188, %add3A_223 : i32
      %mul3A_225 = arith.constant 8 : i32
      %mul3A_226 = arith.muli %add3A_224, %mul3A_225 : i32
      %dma_wait3A_227 = tpu.memref_slice %arg5[%mul3A_226] : memref<1280xi32, #tpu.memory_space<vmem>> -> memref<8xi32, #tpu.memory_space<vmem>>
      %dma_wait3A_228 = arith.constant 0 : i32
      %dma_wait3A_229 = arith.constant 0 : i32
      %dma_wait3A_230 = tpu.memref_slice %arg30[%dma_wait3A_228, %dma_wait3A_229] : memref<1000x1000xf32, #tpu.memory_space<vmem_shared>> -> memref<1000x1000xf32, #tpu.memory_space<vmem_shared>>
      tpu.wait_indirect_dma semaphore(%arg16 : memref<!tpu.dma_semaphore, #tpu.memory_space<semaphore_mem>>) src(%dma_wait3A_230 : memref<1000x1000xf32, #tpu.memory_space<vmem_shared>>) dst(%arg8 : memref<8x1000xf32, #tpu.memory_space<vmem>>)
      %add3A_231 = arith.constant 2 : i32
      %add3A_232 = arith.addi %mul3A_188, %add3A_231 : i32
      %mul3A_233 = arith.constant 8 : i32
      %mul3A_234 = arith.muli %add3A_232, %mul3A_233 : i32
      %add3A_235 = arith.addi %mul3A_2, %mul3A_234 : i32
      %dma_start3A_236 = arith.constant 0 : i32
      %dma_start3A_237 = tpu.memref_slice %arg4[%add3A_235, %dma_start3A_236] : memref<40960x1000xf32, #tpu.memory_space<hbm>> -> memref<8x1000xf32, #tpu.memory_space<hbm>>
      %dma_start3A_238 = arith.constant 0 : i32
      %dma_start3A_239 = tpu.memref_slice %arg4[%add3A_235, %dma_start3A_238] : memref<40960x1000xf32, #tpu.memory_space<hbm>> -> memref<8x1000xf32, #tpu.memory_space<hbm>>
      tpu.enqueue_dma source(%arg8 : memref<8x1000xf32, #tpu.memory_space<vmem>>) target(%dma_start3A_239 : memref<8x1000xf32, #tpu.memory_space<hbm>>) target_semaphore(%arg24 : memref<!tpu.dma_semaphore, #tpu.memory_space<semaphore_mem>>)
      %add3A_240 = arith.constant 3 : i32
      %add3A_241 = arith.addi %mul3A_188, %add3A_240 : i32
      %mul3A_242 = arith.constant 8 : i32
      %mul3A_243 = arith.muli %add3A_241, %mul3A_242 : i32
      %dma_wait3A_244 = tpu.memref_slice %arg5[%mul3A_243] : memref<1280xi32, #tpu.memory_space<vmem>> -> memref<8xi32, #tpu.memory_space<vmem>>
      %dma_wait3A_245 = arith.constant 0 : i32
      %dma_wait3A_246 = arith.constant 0 : i32
      %dma_wait3A_247 = tpu.memref_slice %arg30[%dma_wait3A_245, %dma_wait3A_246] : memref<1000x1000xf32, #tpu.memory_space<vmem_shared>> -> memref<1000x1000xf32, #tpu.memory_space<vmem_shared>>
      tpu.wait_indirect_dma semaphore(%arg17 : memref<!tpu.dma_semaphore, #tpu.memory_space<semaphore_mem>>) src(%dma_wait3A_247 : memref<1000x1000xf32, #tpu.memory_space<vmem_shared>>) dst(%arg9 : memref<8x1000xf32, #tpu.memory_space<vmem>>)
      %add3A_248 = arith.constant 3 : i32
      %add3A_249 = arith.addi %mul3A_188, %add3A_248 : i32
      %mul3A_250 = arith.constant 8 : i32
      %mul3A_251 = arith.muli %add3A_249, %mul3A_250 : i32
      %add3A_252 = arith.addi %mul3A_2, %mul3A_251 : i32
      %dma_start3A_253 = arith.constant 0 : i32
      %dma_start3A_254 = tpu.memref_slice %arg4[%add3A_252, %dma_start3A_253] : memref<40960x1000xf32, #tpu.memory_space<hbm>> -> memref<8x1000xf32, #tpu.memory_space<hbm>>
      %dma_start3A_255 = arith.constant 0 : i32
      %dma_start3A_256 = tpu.memref_slice %arg4[%add3A_252, %dma_start3A_255] : memref<40960x1000xf32, #tpu.memory_space<hbm>> -> memref<8x1000xf32, #tpu.memory_space<hbm>>
      tpu.enqueue_dma source(%arg9 : memref<8x1000xf32, #tpu.memory_space<vmem>>) target(%dma_start3A_256 : memref<8x1000xf32, #tpu.memory_space<hbm>>) target_semaphore(%arg25 : memref<!tpu.dma_semaphore, #tpu.memory_space<semaphore_mem>>)
      %add3A_257 = arith.constant 4 : i32
      %add3A_258 = arith.addi %mul3A_188, %add3A_257 : i32
      %mul3A_259 = arith.constant 8 : i32
      %mul3A_260 = arith.muli %add3A_258, %mul3A_259 : i32
      %dma_wait3A_261 = tpu.memref_slice %arg5[%mul3A_260] : memref<1280xi32, #tpu.memory_space<vmem>> -> memref<8xi32, #tpu.memory_space<vmem>>
      %dma_wait3A_262 = arith.constant 0 : i32
      %dma_wait3A_263 = arith.constant 0 : i32
      %dma_wait3A_264 = tpu.memref_slice %arg30[%dma_wait3A_262, %dma_wait3A_263] : memref<1000x1000xf32, #tpu.memory_space<vmem_shared>> -> memref<1000x1000xf32, #tpu.memory_space<vmem_shared>>
      tpu.wait_indirect_dma semaphore(%arg18 : memref<!tpu.dma_semaphore, #tpu.memory_space<semaphore_mem>>) src(%dma_wait3A_264 : memref<1000x1000xf32, #tpu.memory_space<vmem_shared>>) dst(%arg10 : memref<8x1000xf32, #tpu.memory_space<vmem>>)
      %add3A_265 = arith.constant 4 : i32
      %add3A_266 = arith.addi %mul3A_188, %add3A_265 : i32
      %mul3A_267 = arith.constant 8 : i32
      %mul3A_268 = arith.muli %add3A_266, %mul3A_267 : i32
      %add3A_269 = arith.addi %mul3A_2, %mul3A_268 : i32
      %dma_start3A_270 = arith.constant 0 : i32
      %dma_start3A_271 = tpu.memref_slice %arg4[%add3A_269, %dma_start3A_270] : memref<40960x1000xf32, #tpu.memory_space<hbm>> -> memref<8x1000xf32, #tpu.memory_space<hbm>>
      %dma_start3A_272 = arith.constant 0 : i32
      %dma_start3A_273 = tpu.memref_slice %arg4[%add3A_269, %dma_start3A_272] : memref<40960x1000xf32, #tpu.memory_space<hbm>> -> memref<8x1000xf32, #tpu.memory_space<hbm>>
      tpu.enqueue_dma source(%arg10 : memref<8x1000xf32, #tpu.memory_space<vmem>>) target(%dma_start3A_273 : memref<8x1000xf32, #tpu.memory_space<hbm>>) target_semaphore(%arg26 : memref<!tpu.dma_semaphore, #tpu.memory_space<semaphore_mem>>)
      %add3A_274 = arith.constant 5 : i32
      %add3A_275 = arith.addi %mul3A_188, %add3A_274 : i32
      %mul3A_276 = arith.constant 8 : i32
      %mul3A_277 = arith.muli %add3A_275, %mul3A_276 : i32
      %dma_wait3A_278 = tpu.memref_slice %arg5[%mul3A_277] : memref<1280xi32, #tpu.memory_space<vmem>> -> memref<8xi32, #tpu.memory_space<vmem>>
      %dma_wait3A_279 = arith.constant 0 : i32
      %dma_wait3A_280 = arith.constant 0 : i32
      %dma_wait3A_281 = tpu.memref_slice %arg30[%dma_wait3A_279, %dma_wait3A_280] : memref<1000x1000xf32, #tpu.memory_space<vmem_shared>> -> memref<1000x1000xf32, #tpu.memory_space<vmem_shared>>
      tpu.wait_indirect_dma semaphore(%arg19 : memref<!tpu.dma_semaphore, #tpu.memory_space<semaphore_mem>>) src(%dma_wait3A_281 : memref<1000x1000xf32, #tpu.memory_space<vmem_shared>>) dst(%arg11 : memref<8x1000xf32, #tpu.memory_space<vmem>>)
      %add3A_282 = arith.constant 5 : i32
      %add3A_283 = arith.addi %mul3A_188, %add3A_282 : i32
      %mul3A_284 = arith.constant 8 : i32
      %mul3A_285 = arith.muli %add3A_283, %mul3A_284 : i32
      %add3A_286 = arith.addi %mul3A_2, %mul3A_285 : i32
      %dma_start3A_287 = arith.constant 0 : i32
      %dma_start3A_288 = tpu.memref_slice %arg4[%add3A_286, %dma_start3A_287] : memref<40960x1000xf32, #tpu.memory_space<hbm>> -> memref<8x1000xf32, #tpu.memory_space<hbm>>
      %dma_start3A_289 = arith.constant 0 : i32
      %dma_start3A_290 = tpu.memref_slice %arg4[%add3A_286, %dma_start3A_289] : memref<40960x1000xf32, #tpu.memory_space<hbm>> -> memref<8x1000xf32, #tpu.memory_space<hbm>>
      tpu.enqueue_dma source(%arg11 : memref<8x1000xf32, #tpu.memory_space<vmem>>) target(%dma_start3A_290 : memref<8x1000xf32, #tpu.memory_space<hbm>>) target_semaphore(%arg27 : memref<!tpu.dma_semaphore, #tpu.memory_space<semaphore_mem>>)
      %add3A_291 = arith.constant 6 : i32
      %add3A_292 = arith.addi %mul3A_188, %add3A_291 : i32
      %mul3A_293 = arith.constant 8 : i32
      %mul3A_294 = arith.muli %add3A_292, %mul3A_293 : i32
      %dma_wait3A_295 = tpu.memref_slice %arg5[%mul3A_294] : memref<1280xi32, #tpu.memory_space<vmem>> -> memref<8xi32, #tpu.memory_space<vmem>>
      %dma_wait3A_296 = arith.constant 0 : i32
      %dma_wait3A_297 = arith.constant 0 : i32
      %dma_wait3A_298 = tpu.memref_slice %arg30[%dma_wait3A_296, %dma_wait3A_297] : memref<1000x1000xf32, #tpu.memory_space<vmem_shared>> -> memref<1000x1000xf32, #tpu.memory_space<vmem_shared>>
      tpu.wait_indirect_dma semaphore(%arg20 : memref<!tpu.dma_semaphore, #tpu.memory_space<semaphore_mem>>) src(%dma_wait3A_298 : memref<1000x1000xf32, #tpu.memory_space<vmem_shared>>) dst(%arg12 : memref<8x1000xf32, #tpu.memory_space<vmem>>)
      %add3A_299 = arith.constant 6 : i32
      %add3A_300 = arith.addi %mul3A_188, %add3A_299 : i32
      %mul3A_301 = arith.constant 8 : i32
      %mul3A_302 = arith.muli %add3A_300, %mul3A_301 : i32
      %add3A_303 = arith.addi %mul3A_2, %mul3A_302 : i32
      %dma_start3A_304 = arith.constant 0 : i32
      %dma_start3A_305 = tpu.memref_slice %arg4[%add3A_303, %dma_start3A_304] : memref<40960x1000xf32, #tpu.memory_space<hbm>> -> memref<8x1000xf32, #tpu.memory_space<hbm>>
      %dma_start3A_306 = arith.constant 0 : i32
      %dma_start3A_307 = tpu.memref_slice %arg4[%add3A_303, %dma_start3A_306] : memref<40960x1000xf32, #tpu.memory_space<hbm>> -> memref<8x1000xf32, #tpu.memory_space<hbm>>
      tpu.enqueue_dma source(%arg12 : memref<8x1000xf32, #tpu.memory_space<vmem>>) target(%dma_start3A_307 : memref<8x1000xf32, #tpu.memory_space<hbm>>) target_semaphore(%arg28 : memref<!tpu.dma_semaphore, #tpu.memory_space<semaphore_mem>>)
      %add3A_308 = arith.constant 7 : i32
      %add3A_309 = arith.addi %mul3A_188, %add3A_308 : i32
      %mul3A_310 = arith.constant 8 : i32
      %mul3A_311 = arith.muli %add3A_309, %mul3A_310 : i32
      %dma_wait3A_312 = tpu.memref_slice %arg5[%mul3A_311] : memref<1280xi32, #tpu.memory_space<vmem>> -> memref<8xi32, #tpu.memory_space<vmem>>
      %dma_wait3A_313 = arith.constant 0 : i32
      %dma_wait3A_314 = arith.constant 0 : i32
      %dma_wait3A_315 = tpu.memref_slice %arg30[%dma_wait3A_313, %dma_wait3A_314] : memref<1000x1000xf32, #tpu.memory_space<vmem_shared>> -> memref<1000x1000xf32, #tpu.memory_space<vmem_shared>>
      tpu.wait_indirect_dma semaphore(%arg21 : memref<!tpu.dma_semaphore, #tpu.memory_space<semaphore_mem>>) src(%dma_wait3A_315 : memref<1000x1000xf32, #tpu.memory_space<vmem_shared>>) dst(%arg13 : memref<8x1000xf32, #tpu.memory_space<vmem>>)
      %add3A_316 = arith.constant 7 : i32
      %add3A_317 = arith.addi %mul3A_188, %add3A_316 : i32
      %mul3A_318 = arith.constant 8 : i32
      %mul3A_319 = arith.muli %add3A_317, %mul3A_318 : i32
      %add3A_320 = arith.addi %mul3A_2, %mul3A_319 : i32
      %dma_start3A_321 = arith.constant 0 : i32
      %dma_start3A_322 = tpu.memref_slice %arg4[%add3A_320, %dma_start3A_321] : memref<40960x1000xf32, #tpu.memory_space<hbm>> -> memref<8x1000xf32, #tpu.memory_space<hbm>>
      %dma_start3A_323 = arith.constant 0 : i32
      %dma_start3A_324 = tpu.memref_slice %arg4[%add3A_320, %dma_start3A_323] : memref<40960x1000xf32, #tpu.memory_space<hbm>> -> memref<8x1000xf32, #tpu.memory_space<hbm>>
      tpu.enqueue_dma source(%arg13 : memref<8x1000xf32, #tpu.memory_space<vmem>>) target(%dma_start3A_324 : memref<8x1000xf32, #tpu.memory_space<hbm>>) target_semaphore(%arg29 : memref<!tpu.dma_semaphore, #tpu.memory_space<semaphore_mem>>)
      %add3A_325 = arith.constant 0 : i32
      %add3A_326 = arith.addi %mul3A_188, %add3A_325 : i32
      %mul3A_327 = arith.constant 8 : i32
      %mul3A_328 = arith.muli %add3A_326, %mul3A_327 : i32
      %add3A_329 = arith.addi %mul3A_2, %mul3A_328 : i32
      %dma_wait3A_330 = arith.constant 0 : i32
      %dma_wait3A_331 = tpu.memref_slice %arg4[%add3A_329, %dma_wait3A_330] : memref<40960x1000xf32, #tpu.memory_space<hbm>> -> memref<8x1000xf32, #tpu.memory_space<hbm>>
      %dma_wait3A_332 = arith.constant 0 : i32
      %dma_wait3A_333 = tpu.memref_slice %arg4[%add3A_329, %dma_wait3A_332] : memref<40960x1000xf32, #tpu.memory_space<hbm>> -> memref<8x1000xf32, #tpu.memory_space<hbm>>
      tpu.wait_dma2 semaphore(%arg22 : memref<!tpu.dma_semaphore, #tpu.memory_space<semaphore_mem>>) src(%arg6 : memref<8x1000xf32, #tpu.memory_space<vmem>>) dst(%dma_wait3A_333 : memref<8x1000xf32, #tpu.memory_space<hbm>>)
      %add3A_334 = arith.constant 8 : i32
      %add3A_335 = arith.addi %mul3A_188, %add3A_334 : i32
      %add3A_336 = arith.constant 0 : i32
      %add3A_337 = arith.addi %add3A_335, %add3A_336 : i32
      %mul3A_338 = arith.constant 8 : i32
      %mul3A_339 = arith.muli %add3A_337, %mul3A_338 : i32
      %dma_start3A_340 = tpu.memref_slice %arg5[%mul3A_339] : memref<1280xi32, #tpu.memory_space<vmem>> -> memref<8xi32, #tpu.memory_space<vmem>>
      %dma_start3A_341 = arith.constant 0 : i32
      %dma_start3A_342 = arith.constant 0 : i32
      %dma_start3A_343 = tpu.memref_slice %arg30[%dma_start3A_341, %dma_start3A_342] : memref<1000x1000xf32, #tpu.memory_space<vmem_shared>> -> memref<1000x1000xf32, #tpu.memory_space<vmem_shared>>
      tpu.enqueue_indirect_dma source(%dma_start3A_343 : memref<1000x1000xf32, #tpu.memory_space<vmem_shared>>) target(%arg6 : memref<8x1000xf32, #tpu.memory_space<vmem>>) offsets(%dma_start3A_340 : memref<8xi32, #tpu.memory_space<vmem>>) semaphore(%arg14 : memref<!tpu.dma_semaphore, #tpu.memory_space<semaphore_mem>>)
      %add3A_344 = arith.constant 1 : i32
      %add3A_345 = arith.addi %mul3A_188, %add3A_344 : i32
      %mul3A_346 = arith.constant 8 : i32
      %mul3A_347 = arith.muli %add3A_345, %mul3A_346 : i32
      %add3A_348 = arith.addi %mul3A_2, %mul3A_347 : i32
      %dma_wait3A_349 = arith.constant 0 : i32
      %dma_wait3A_350 = tpu.memref_slice %arg4[%add3A_348, %dma_wait3A_349] : memref<40960x1000xf32, #tpu.memory_space<hbm>> -> memref<8x1000xf32, #tpu.memory_space<hbm>>
      %dma_wait3A_351 = arith.constant 0 : i32
      %dma_wait3A_352 = tpu.memref_slice %arg4[%add3A_348, %dma_wait3A_351] : memref<40960x1000xf32, #tpu.memory_space<hbm>> -> memref<8x1000xf32, #tpu.memory_space<hbm>>
      tpu.wait_dma2 semaphore(%arg23 : memref<!tpu.dma_semaphore, #tpu.memory_space<semaphore_mem>>) src(%arg7 : memref<8x1000xf32, #tpu.memory_space<vmem>>) dst(%dma_wait3A_352 : memref<8x1000xf32, #tpu.memory_space<hbm>>)
      %add3A_353 = arith.constant 8 : i32
      %add3A_354 = arith.addi %mul3A_188, %add3A_353 : i32
      %add3A_355 = arith.constant 1 : i32
      %add3A_356 = arith.addi %add3A_354, %add3A_355 : i32
      %mul3A_357 = arith.constant 8 : i32
      %mul3A_358 = arith.muli %add3A_356, %mul3A_357 : i32
      %dma_start3A_359 = tpu.memref_slice %arg5[%mul3A_358] : memref<1280xi32, #tpu.memory_space<vmem>> -> memref<8xi32, #tpu.memory_space<vmem>>
      %dma_start3A_360 = arith.constant 0 : i32
      %dma_start3A_361 = arith.constant 0 : i32
      %dma_start3A_362 = tpu.memref_slice %arg30[%dma_start3A_360, %dma_start3A_361] : memref<1000x1000xf32, #tpu.memory_space<vmem_shared>> -> memref<1000x1000xf32, #tpu.memory_space<vmem_shared>>
      tpu.enqueue_indirect_dma source(%dma_start3A_362 : memref<1000x1000xf32, #tpu.memory_space<vmem_shared>>) target(%arg7 : memref<8x1000xf32, #tpu.memory_space<vmem>>) offsets(%dma_start3A_359 : memref<8xi32, #tpu.memory_space<vmem>>) semaphore(%arg15 : memref<!tpu.dma_semaphore, #tpu.memory_space<semaphore_mem>>)
      %add3A_363 = arith.constant 2 : i32
      %add3A_364 = arith.addi %mul3A_188, %add3A_363 : i32
      %mul3A_365 = arith.constant 8 : i32
      %mul3A_366 = arith.muli %add3A_364, %mul3A_365 : i32
      %add3A_367 = arith.addi %mul3A_2, %mul3A_366 : i32
      %dma_wait3A_368 = arith.constant 0 : i32
      %dma_wait3A_369 = tpu.memref_slice %arg4[%add3A_367, %dma_wait3A_368] : memref<40960x1000xf32, #tpu.memory_space<hbm>> -> memref<8x1000xf32, #tpu.memory_space<hbm>>
      %dma_wait3A_370 = arith.constant 0 : i32
      %dma_wait3A_371 = tpu.memref_slice %arg4[%add3A_367, %dma_wait3A_370] : memref<40960x1000xf32, #tpu.memory_space<hbm>> -> memref<8x1000xf32, #tpu.memory_space<hbm>>
      tpu.wait_dma2 semaphore(%arg24 : memref<!tpu.dma_semaphore, #tpu.memory_space<semaphore_mem>>) src(%arg8 : memref<8x1000xf32, #tpu.memory_space<vmem>>) dst(%dma_wait3A_371 : memref<8x1000xf32, #tpu.memory_space<hbm>>)
      %add3A_372 = arith.constant 8 : i32
      %add3A_373 = arith.addi %mul3A_188, %add3A_372 : i32
      %add3A_374 = arith.constant 2 : i32
      %add3A_375 = arith.addi %add3A_373, %add3A_374 : i32
      %mul3A_376 = arith.constant 8 : i32
      %mul3A_377 = arith.muli %add3A_375, %mul3A_376 : i32
      %dma_start3A_378 = tpu.memref_slice %arg5[%mul3A_377] : memref<1280xi32, #tpu.memory_space<vmem>> -> memref<8xi32, #tpu.memory_space<vmem>>
      %dma_start3A_379 = arith.constant 0 : i32
      %dma_start3A_380 = arith.constant 0 : i32
      %dma_start3A_381 = tpu.memref_slice %arg30[%dma_start3A_379, %dma_start3A_380] : memref<1000x1000xf32, #tpu.memory_space<vmem_shared>> -> memref<1000x1000xf32, #tpu.memory_space<vmem_shared>>
      tpu.enqueue_indirect_dma source(%dma_start3A_381 : memref<1000x1000xf32, #tpu.memory_space<vmem_shared>>) target(%arg8 : memref<8x1000xf32, #tpu.memory_space<vmem>>) offsets(%dma_start3A_378 : memref<8xi32, #tpu.memory_space<vmem>>) semaphore(%arg16 : memref<!tpu.dma_semaphore, #tpu.memory_space<semaphore_mem>>)
      %add3A_382 = arith.constant 3 : i32
      %add3A_383 = arith.addi %mul3A_188, %add3A_382 : i32
      %mul3A_384 = arith.constant 8 : i32
      %mul3A_385 = arith.muli %add3A_383, %mul3A_384 : i32
      %add3A_386 = arith.addi %mul3A_2, %mul3A_385 : i32
      %dma_wait3A_387 = arith.constant 0 : i32
      %dma_wait3A_388 = tpu.memref_slice %arg4[%add3A_386, %dma_wait3A_387] : memref<40960x1000xf32, #tpu.memory_space<hbm>> -> memref<8x1000xf32, #tpu.memory_space<hbm>>
      %dma_wait3A_389 = arith.constant 0 : i32
      %dma_wait3A_390 = tpu.memref_slice %arg4[%add3A_386, %dma_wait3A_389] : memref<40960x1000xf32, #tpu.memory_space<hbm>> -> memref<8x1000xf32, #tpu.memory_space<hbm>>
      tpu.wait_dma2 semaphore(%arg25 : memref<!tpu.dma_semaphore, #tpu.memory_space<semaphore_mem>>) src(%arg9 : memref<8x1000xf32, #tpu.memory_space<vmem>>) dst(%dma_wait3A_390 : memref<8x1000xf32, #tpu.memory_space<hbm>>)
      %add3A_391 = arith.constant 8 : i32
      %add3A_392 = arith.addi %mul3A_188, %add3A_391 : i32
      %add3A_393 = arith.constant 3 : i32
      %add3A_394 = arith.addi %add3A_392, %add3A_393 : i32
      %mul3A_395 = arith.constant 8 : i32
      %mul3A_396 = arith.muli %add3A_394, %mul3A_395 : i32
      %dma_start3A_397 = tpu.memref_slice %arg5[%mul3A_396] : memref<1280xi32, #tpu.memory_space<vmem>> -> memref<8xi32, #tpu.memory_space<vmem>>
      %dma_start3A_398 = arith.constant 0 : i32
      %dma_start3A_399 = arith.constant 0 : i32
      %dma_start3A_400 = tpu.memref_slice %arg30[%dma_start3A_398, %dma_start3A_399] : memref<1000x1000xf32, #tpu.memory_space<vmem_shared>> -> memref<1000x1000xf32, #tpu.memory_space<vmem_shared>>
      tpu.enqueue_indirect_dma source(%dma_start3A_400 : memref<1000x1000xf32, #tpu.memory_space<vmem_shared>>) target(%arg9 : memref<8x1000xf32, #tpu.memory_space<vmem>>) offsets(%dma_start3A_397 : memref<8xi32, #tpu.memory_space<vmem>>) semaphore(%arg17 : memref<!tpu.dma_semaphore, #tpu.memory_space<semaphore_mem>>)
      %add3A_401 = arith.constant 4 : i32
      %add3A_402 = arith.addi %mul3A_188, %add3A_401 : i32
      %mul3A_403 = arith.constant 8 : i32
      %mul3A_404 = arith.muli %add3A_402, %mul3A_403 : i32
      %add3A_405 = arith.addi %mul3A_2, %mul3A_404 : i32
      %dma_wait3A_406 = arith.constant 0 : i32
      %dma_wait3A_407 = tpu.memref_slice %arg4[%add3A_405, %dma_wait3A_406] : memref<40960x1000xf32, #tpu.memory_space<hbm>> -> memref<8x1000xf32, #tpu.memory_space<hbm>>
      %dma_wait3A_408 = arith.constant 0 : i32
      %dma_wait3A_409 = tpu.memref_slice %arg4[%add3A_405, %dma_wait3A_408] : memref<40960x1000xf32, #tpu.memory_space<hbm>> -> memref<8x1000xf32, #tpu.memory_space<hbm>>
      tpu.wait_dma2 semaphore(%arg26 : memref<!tpu.dma_semaphore, #tpu.memory_space<semaphore_mem>>) src(%arg10 : memref<8x1000xf32, #tpu.memory_space<vmem>>) dst(%dma_wait3A_409 : memref<8x1000xf32, #tpu.memory_space<hbm>>)
      %add3A_410 = arith.constant 8 : i32
      %add3A_411 = arith.addi %mul3A_188, %add3A_410 : i32
      %add3A_412 = arith.constant 4 : i32
      %add3A_413 = arith.addi %add3A_411, %add3A_412 : i32
      %mul3A_414 = arith.constant 8 : i32
      %mul3A_415 = arith.muli %add3A_413, %mul3A_414 : i32
      %dma_start3A_416 = tpu.memref_slice %arg5[%mul3A_415] : memref<1280xi32, #tpu.memory_space<vmem>> -> memref<8xi32, #tpu.memory_space<vmem>>
      %dma_start3A_417 = arith.constant 0 : i32
      %dma_start3A_418 = arith.constant 0 : i32
      %dma_start3A_419 = tpu.memref_slice %arg30[%dma_start3A_417, %dma_start3A_418] : memref<1000x1000xf32, #tpu.memory_space<vmem_shared>> -> memref<1000x1000xf32, #tpu.memory_space<vmem_shared>>
      tpu.enqueue_indirect_dma source(%dma_start3A_419 : memref<1000x1000xf32, #tpu.memory_space<vmem_shared>>) target(%arg10 : memref<8x1000xf32, #tpu.memory_space<vmem>>) offsets(%dma_start3A_416 : memref<8xi32, #tpu.memory_space<vmem>>) semaphore(%arg18 : memref<!tpu.dma_semaphore, #tpu.memory_space<semaphore_mem>>)
      %add3A_420 = arith.constant 5 : i32
      %add3A_421 = arith.addi %mul3A_188, %add3A_420 : i32
      %mul3A_422 = arith.constant 8 : i32
      %mul3A_423 = arith.muli %add3A_421, %mul3A_422 : i32
      %add3A_424 = arith.addi %mul3A_2, %mul3A_423 : i32
      %dma_wait3A_425 = arith.constant 0 : i32
      %dma_wait3A_426 = tpu.memref_slice %arg4[%add3A_424, %dma_wait3A_425] : memref<40960x1000xf32, #tpu.memory_space<hbm>> -> memref<8x1000xf32, #tpu.memory_space<hbm>>
      %dma_wait3A_427 = arith.constant 0 : i32
      %dma_wait3A_428 = tpu.memref_slice %arg4[%add3A_424, %dma_wait3A_427] : memref<40960x1000xf32, #tpu.memory_space<hbm>> -> memref<8x1000xf32, #tpu.memory_space<hbm>>
      tpu.wait_dma2 semaphore(%arg27 : memref<!tpu.dma_semaphore, #tpu.memory_space<semaphore_mem>>) src(%arg11 : memref<8x1000xf32, #tpu.memory_space<vmem>>) dst(%dma_wait3A_428 : memref<8x1000xf32, #tpu.memory_space<hbm>>)
      %add3A_429 = arith.constant 8 : i32
      %add3A_430 = arith.addi %mul3A_188, %add3A_429 : i32
      %add3A_431 = arith.constant 5 : i32
      %add3A_432 = arith.addi %add3A_430, %add3A_431 : i32
      %mul3A_433 = arith.constant 8 : i32
      %mul3A_434 = arith.muli %add3A_432, %mul3A_433 : i32
      %dma_start3A_435 = tpu.memref_slice %arg5[%mul3A_434] : memref<1280xi32, #tpu.memory_space<vmem>> -> memref<8xi32, #tpu.memory_space<vmem>>
      %dma_start3A_436 = arith.constant 0 : i32
      %dma_start3A_437 = arith.constant 0 : i32
      %dma_start3A_438 = tpu.memref_slice %arg30[%dma_start3A_436, %dma_start3A_437] : memref<1000x1000xf32, #tpu.memory_space<vmem_shared>> -> memref<1000x1000xf32, #tpu.memory_space<vmem_shared>>
      tpu.enqueue_indirect_dma source(%dma_start3A_438 : memref<1000x1000xf32, #tpu.memory_space<vmem_shared>>) target(%arg11 : memref<8x1000xf32, #tpu.memory_space<vmem>>) offsets(%dma_start3A_435 : memref<8xi32, #tpu.memory_space<vmem>>) semaphore(%arg19 : memref<!tpu.dma_semaphore, #tpu.memory_space<semaphore_mem>>)
      %add3A_439 = arith.constant 6 : i32
      %add3A_440 = arith.addi %mul3A_188, %add3A_439 : i32
      %mul3A_441 = arith.constant 8 : i32
      %mul3A_442 = arith.muli %add3A_440, %mul3A_441 : i32
      %add3A_443 = arith.addi %mul3A_2, %mul3A_442 : i32
      %dma_wait3A_444 = arith.constant 0 : i32
      %dma_wait3A_445 = tpu.memref_slice %arg4[%add3A_443, %dma_wait3A_444] : memref<40960x1000xf32, #tpu.memory_space<hbm>> -> memref<8x1000xf32, #tpu.memory_space<hbm>>
      %dma_wait3A_446 = arith.constant 0 : i32
      %dma_wait3A_447 = tpu.memref_slice %arg4[%add3A_443, %dma_wait3A_446] : memref<40960x1000xf32, #tpu.memory_space<hbm>> -> memref<8x1000xf32, #tpu.memory_space<hbm>>
      tpu.wait_dma2 semaphore(%arg28 : memref<!tpu.dma_semaphore, #tpu.memory_space<semaphore_mem>>) src(%arg12 : memref<8x1000xf32, #tpu.memory_space<vmem>>) dst(%dma_wait3A_447 : memref<8x1000xf32, #tpu.memory_space<hbm>>)
      %add3A_448 = arith.constant 8 : i32
      %add3A_449 = arith.addi %mul3A_188, %add3A_448 : i32
      %add3A_450 = arith.constant 6 : i32
      %add3A_451 = arith.addi %add3A_449, %add3A_450 : i32
      %mul3A_452 = arith.constant 8 : i32
      %mul3A_453 = arith.muli %add3A_451, %mul3A_452 : i32
      %dma_start3A_454 = tpu.memref_slice %arg5[%mul3A_453] : memref<1280xi32, #tpu.memory_space<vmem>> -> memref<8xi32, #tpu.memory_space<vmem>>
      %dma_start3A_455 = arith.constant 0 : i32
      %dma_start3A_456 = arith.constant 0 : i32
      %dma_start3A_457 = tpu.memref_slice %arg30[%dma_start3A_455, %dma_start3A_456] : memref<1000x1000xf32, #tpu.memory_space<vmem_shared>> -> memref<1000x1000xf32, #tpu.memory_space<vmem_shared>>
      tpu.enqueue_indirect_dma source(%dma_start3A_457 : memref<1000x1000xf32, #tpu.memory_space<vmem_shared>>) target(%arg12 : memref<8x1000xf32, #tpu.memory_space<vmem>>) offsets(%dma_start3A_454 : memref<8xi32, #tpu.memory_space<vmem>>) semaphore(%arg20 : memref<!tpu.dma_semaphore, #tpu.memory_space<semaphore_mem>>)
      %add3A_458 = arith.constant 7 : i32
      %add3A_459 = arith.addi %mul3A_188, %add3A_458 : i32
      %mul3A_460 = arith.constant 8 : i32
      %mul3A_461 = arith.muli %add3A_459, %mul3A_460 : i32
      %add3A_462 = arith.addi %mul3A_2, %mul3A_461 : i32
      %dma_wait3A_463 = arith.constant 0 : i32
      %dma_wait3A_464 = tpu.memref_slice %arg4[%add3A_462, %dma_wait3A_463] : memref<40960x1000xf32, #tpu.memory_space<hbm>> -> memref<8x1000xf32, #tpu.memory_space<hbm>>
      %dma_wait3A_465 = arith.constant 0 : i32
      %dma_wait3A_466 = tpu.memref_slice %arg4[%add3A_462, %dma_wait3A_465] : memref<40960x1000xf32, #tpu.memory_space<hbm>> -> memref<8x1000xf32, #tpu.memory_space<hbm>>
      tpu.wait_dma2 semaphore(%arg29 : memref<!tpu.dma_semaphore, #tpu.memory_space<semaphore_mem>>) src(%arg13 : memref<8x1000xf32, #tpu.memory_space<vmem>>) dst(%dma_wait3A_466 : memref<8x1000xf32, #tpu.memory_space<hbm>>)
      %add3A_467 = arith.constant 8 : i32
      %add3A_468 = arith.addi %mul3A_188, %add3A_467 : i32
      %add3A_469 = arith.constant 7 : i32
      %add3A_470 = arith.addi %add3A_468, %add3A_469 : i32
      %mul3A_471 = arith.constant 8 : i32
      %mul3A_472 = arith.muli %add3A_470, %mul3A_471 : i32
      %dma_start3A_473 = tpu.memref_slice %arg5[%mul3A_472] : memref<1280xi32, #tpu.memory_space<vmem>> -> memref<8xi32, #tpu.memory_space<vmem>>
      %dma_start3A_474 = arith.constant 0 : i32
      %dma_start3A_475 = arith.constant 0 : i32
      %dma_start3A_476 = tpu.memref_slice %arg30[%dma_start3A_474, %dma_start3A_475] : memref<1000x1000xf32, #tpu.memory_space<vmem_shared>> -> memref<1000x1000xf32, #tpu.memory_space<vmem_shared>>
      tpu.enqueue_indirect_dma source(%dma_start3A_476 : memref<1000x1000xf32, #tpu.memory_space<vmem_shared>>) target(%arg13 : memref<8x1000xf32, #tpu.memory_space<vmem>>) offsets(%dma_start3A_473 : memref<8xi32, #tpu.memory_space<vmem>>) semaphore(%arg21 : memref<!tpu.dma_semaphore, #tpu.memory_space<semaphore_mem>>)
      %scan3A_477 = arith.constant 0 : i32
      scf.yield %scan3A_477 : i32
    }
    %scan3A_49 = arith.constant 19 : i32
    %dma_wait3A = arith.constant 1216 : i32
    %dma_wait3A_50 = tpu.memref_slice %arg5[%dma_wait3A] : memref<1280xi32, #tpu.memory_space<vmem>> -> memref<8xi32, #tpu.memory_space<vmem>>
    %dma_wait3A_51 = arith.constant 0 : i32
    %dma_wait3A_52 = arith.constant 0 : i32
    %dma_wait3A_53 = tpu.memref_slice %arg30[%dma_wait3A_51, %dma_wait3A_52] : memref<1000x1000xf32, #tpu.memory_space<vmem_shared>> -> memref<1000x1000xf32, #tpu.memory_space<vmem_shared>>
    tpu.wait_indirect_dma semaphore(%arg14 : memref<!tpu.dma_semaphore, #tpu.memory_space<semaphore_mem>>) src(%dma_wait3A_53 : memref<1000x1000xf32, #tpu.memory_space<vmem_shared>>) dst(%arg6 : memref<8x1000xf32, #tpu.memory_space<vmem>>)
    %add3A_54 = arith.constant 1216 : i32
    %add3A_55 = arith.addi %mul3A_2, %add3A_54 : i32
    %dma_start3A_56 = arith.constant 0 : i32
    %dma_start3A_57 = tpu.memref_slice %arg4[%add3A_55, %dma_start3A_56] : memref<40960x1000xf32, #tpu.memory_space<hbm>> -> memref<8x1000xf32, #tpu.memory_space<hbm>>
    %dma_start3A_58 = arith.constant 0 : i32
    %dma_start3A_59 = tpu.memref_slice %arg4[%add3A_55, %dma_start3A_58] : memref<40960x1000xf32, #tpu.memory_space<hbm>> -> memref<8x1000xf32, #tpu.memory_space<hbm>>
    tpu.enqueue_dma source(%arg6 : memref<8x1000xf32, #tpu.memory_space<vmem>>) target(%dma_start3A_59 : memref<8x1000xf32, #tpu.memory_space<hbm>>) target_semaphore(%arg22 : memref<!tpu.dma_semaphore, #tpu.memory_space<semaphore_mem>>)
    %dma_wait3A_60 = arith.constant 1224 : i32
    %dma_wait3A_61 = tpu.memref_slice %arg5[%dma_wait3A_60] : memref<1280xi32, #tpu.memory_space<vmem>> -> memref<8xi32, #tpu.memory_space<vmem>>
    %dma_wait3A_62 = arith.constant 0 : i32
    %dma_wait3A_63 = arith.constant 0 : i32
    %dma_wait3A_64 = tpu.memref_slice %arg30[%dma_wait3A_62, %dma_wait3A_63] : memref<1000x1000xf32, #tpu.memory_space<vmem_shared>> -> memref<1000x1000xf32, #tpu.memory_space<vmem_shared>>
    tpu.wait_indirect_dma semaphore(%arg15 : memref<!tpu.dma_semaphore, #tpu.memory_space<semaphore_mem>>) src(%dma_wait3A_64 : memref<1000x1000xf32, #tpu.memory_space<vmem_shared>>) dst(%arg7 : memref<8x1000xf32, #tpu.memory_space<vmem>>)
    %add3A_65 = arith.constant 1224 : i32
    %add3A_66 = arith.addi %mul3A_2, %add3A_65 : i32
    %dma_start3A_67 = arith.constant 0 : i32
    %dma_start3A_68 = tpu.memref_slice %arg4[%add3A_66, %dma_start3A_67] : memref<40960x1000xf32, #tpu.memory_space<hbm>> -> memref<8x1000xf32, #tpu.memory_space<hbm>>
    %dma_start3A_69 = arith.constant 0 : i32
    %dma_start3A_70 = tpu.memref_slice %arg4[%add3A_66, %dma_start3A_69] : memref<40960x1000xf32, #tpu.memory_space<hbm>> -> memref<8x1000xf32, #tpu.memory_space<hbm>>
    tpu.enqueue_dma source(%arg7 : memref<8x1000xf32, #tpu.memory_space<vmem>>) target(%dma_start3A_70 : memref<8x1000xf32, #tpu.memory_space<hbm>>) target_semaphore(%arg23 : memref<!tpu.dma_semaphore, #tpu.memory_space<semaphore_mem>>)
    %dma_wait3A_71 = arith.constant 1232 : i32
    %dma_wait3A_72 = tpu.memref_slice %arg5[%dma_wait3A_71] : memref<1280xi32, #tpu.memory_space<vmem>> -> memref<8xi32, #tpu.memory_space<vmem>>
    %dma_wait3A_73 = arith.constant 0 : i32
    %dma_wait3A_74 = arith.constant 0 : i32
    %dma_wait3A_75 = tpu.memref_slice %arg30[%dma_wait3A_73, %dma_wait3A_74] : memref<1000x1000xf32, #tpu.memory_space<vmem_shared>> -> memref<1000x1000xf32, #tpu.memory_space<vmem_shared>>
    tpu.wait_indirect_dma semaphore(%arg16 : memref<!tpu.dma_semaphore, #tpu.memory_space<semaphore_mem>>) src(%dma_wait3A_75 : memref<1000x1000xf32, #tpu.memory_space<vmem_shared>>) dst(%arg8 : memref<8x1000xf32, #tpu.memory_space<vmem>>)
    %add3A_76 = arith.constant 1232 : i32
    %add3A_77 = arith.addi %mul3A_2, %add3A_76 : i32
    %dma_start3A_78 = arith.constant 0 : i32
    %dma_start3A_79 = tpu.memref_slice %arg4[%add3A_77, %dma_start3A_78] : memref<40960x1000xf32, #tpu.memory_space<hbm>> -> memref<8x1000xf32, #tpu.memory_space<hbm>>
    %dma_start3A_80 = arith.constant 0 : i32
    %dma_start3A_81 = tpu.memref_slice %arg4[%add3A_77, %dma_start3A_80] : memref<40960x1000xf32, #tpu.memory_space<hbm>> -> memref<8x1000xf32, #tpu.memory_space<hbm>>
    tpu.enqueue_dma source(%arg8 : memref<8x1000xf32, #tpu.memory_space<vmem>>) target(%dma_start3A_81 : memref<8x1000xf32, #tpu.memory_space<hbm>>) target_semaphore(%arg24 : memref<!tpu.dma_semaphore, #tpu.memory_space<semaphore_mem>>)
    %dma_wait3A_82 = arith.constant 1240 : i32
    %dma_wait3A_83 = tpu.memref_slice %arg5[%dma_wait3A_82] : memref<1280xi32, #tpu.memory_space<vmem>> -> memref<8xi32, #tpu.memory_space<vmem>>
    %dma_wait3A_84 = arith.constant 0 : i32
    %dma_wait3A_85 = arith.constant 0 : i32
    %dma_wait3A_86 = tpu.memref_slice %arg30[%dma_wait3A_84, %dma_wait3A_85] : memref<1000x1000xf32, #tpu.memory_space<vmem_shared>> -> memref<1000x1000xf32, #tpu.memory_space<vmem_shared>>
    tpu.wait_indirect_dma semaphore(%arg17 : memref<!tpu.dma_semaphore, #tpu.memory_space<semaphore_mem>>) src(%dma_wait3A_86 : memref<1000x1000xf32, #tpu.memory_space<vmem_shared>>) dst(%arg9 : memref<8x1000xf32, #tpu.memory_space<vmem>>)
    %add3A_87 = arith.constant 1240 : i32
    %add3A_88 = arith.addi %mul3A_2, %add3A_87 : i32
    %dma_start3A_89 = arith.constant 0 : i32
    %dma_start3A_90 = tpu.memref_slice %arg4[%add3A_88, %dma_start3A_89] : memref<40960x1000xf32, #tpu.memory_space<hbm>> -> memref<8x1000xf32, #tpu.memory_space<hbm>>
    %dma_start3A_91 = arith.constant 0 : i32
    %dma_start3A_92 = tpu.memref_slice %arg4[%add3A_88, %dma_start3A_91] : memref<40960x1000xf32, #tpu.memory_space<hbm>> -> memref<8x1000xf32, #tpu.memory_space<hbm>>
    tpu.enqueue_dma source(%arg9 : memref<8x1000xf32, #tpu.memory_space<vmem>>) target(%dma_start3A_92 : memref<8x1000xf32, #tpu.memory_space<hbm>>) target_semaphore(%arg25 : memref<!tpu.dma_semaphore, #tpu.memory_space<semaphore_mem>>)
    %dma_wait3A_93 = arith.constant 1248 : i32
    %dma_wait3A_94 = tpu.memref_slice %arg5[%dma_wait3A_93] : memref<1280xi32, #tpu.memory_space<vmem>> -> memref<8xi32, #tpu.memory_space<vmem>>
    %dma_wait3A_95 = arith.constant 0 : i32
    %dma_wait3A_96 = arith.constant 0 : i32
    %dma_wait3A_97 = tpu.memref_slice %arg30[%dma_wait3A_95, %dma_wait3A_96] : memref<1000x1000xf32, #tpu.memory_space<vmem_shared>> -> memref<1000x1000xf32, #tpu.memory_space<vmem_shared>>
    tpu.wait_indirect_dma semaphore(%arg18 : memref<!tpu.dma_semaphore, #tpu.memory_space<semaphore_mem>>) src(%dma_wait3A_97 : memref<1000x1000xf32, #tpu.memory_space<vmem_shared>>) dst(%arg10 : memref<8x1000xf32, #tpu.memory_space<vmem>>)
    %add3A_98 = arith.constant 1248 : i32
    %add3A_99 = arith.addi %mul3A_2, %add3A_98 : i32
    %dma_start3A_100 = arith.constant 0 : i32
    %dma_start3A_101 = tpu.memref_slice %arg4[%add3A_99, %dma_start3A_100] : memref<40960x1000xf32, #tpu.memory_space<hbm>> -> memref<8x1000xf32, #tpu.memory_space<hbm>>
    %dma_start3A_102 = arith.constant 0 : i32
    %dma_start3A_103 = tpu.memref_slice %arg4[%add3A_99, %dma_start3A_102] : memref<40960x1000xf32, #tpu.memory_space<hbm>> -> memref<8x1000xf32, #tpu.memory_space<hbm>>
    tpu.enqueue_dma source(%arg10 : memref<8x1000xf32, #tpu.memory_space<vmem>>) target(%dma_start3A_103 : memref<8x1000xf32, #tpu.memory_space<hbm>>) target_semaphore(%arg26 : memref<!tpu.dma_semaphore, #tpu.memory_space<semaphore_mem>>)
    %dma_wait3A_104 = arith.constant 1256 : i32
    %dma_wait3A_105 = tpu.memref_slice %arg5[%dma_wait3A_104] : memref<1280xi32, #tpu.memory_space<vmem>> -> memref<8xi32, #tpu.memory_space<vmem>>
    %dma_wait3A_106 = arith.constant 0 : i32
    %dma_wait3A_107 = arith.constant 0 : i32
    %dma_wait3A_108 = tpu.memref_slice %arg30[%dma_wait3A_106, %dma_wait3A_107] : memref<1000x1000xf32, #tpu.memory_space<vmem_shared>> -> memref<1000x1000xf32, #tpu.memory_space<vmem_shared>>
    tpu.wait_indirect_dma semaphore(%arg19 : memref<!tpu.dma_semaphore, #tpu.memory_space<semaphore_mem>>) src(%dma_wait3A_108 : memref<1000x1000xf32, #tpu.memory_space<vmem_shared>>) dst(%arg11 : memref<8x1000xf32, #tpu.memory_space<vmem>>)
    %add3A_109 = arith.constant 1256 : i32
    %add3A_110 = arith.addi %mul3A_2, %add3A_109 : i32
    %dma_start3A_111 = arith.constant 0 : i32
    %dma_start3A_112 = tpu.memref_slice %arg4[%add3A_110, %dma_start3A_111] : memref<40960x1000xf32, #tpu.memory_space<hbm>> -> memref<8x1000xf32, #tpu.memory_space<hbm>>
    %dma_start3A_113 = arith.constant 0 : i32
    %dma_start3A_114 = tpu.memref_slice %arg4[%add3A_110, %dma_start3A_113] : memref<40960x1000xf32, #tpu.memory_space<hbm>> -> memref<8x1000xf32, #tpu.memory_space<hbm>>
    tpu.enqueue_dma source(%arg11 : memref<8x1000xf32, #tpu.memory_space<vmem>>) target(%dma_start3A_114 : memref<8x1000xf32, #tpu.memory_space<hbm>>) target_semaphore(%arg27 : memref<!tpu.dma_semaphore, #tpu.memory_space<semaphore_mem>>)
    %dma_wait3A_115 = arith.constant 1264 : i32
    %dma_wait3A_116 = tpu.memref_slice %arg5[%dma_wait3A_115] : memref<1280xi32, #tpu.memory_space<vmem>> -> memref<8xi32, #tpu.memory_space<vmem>>
    %dma_wait3A_117 = arith.constant 0 : i32
    %dma_wait3A_118 = arith.constant 0 : i32
    %dma_wait3A_119 = tpu.memref_slice %arg30[%dma_wait3A_117, %dma_wait3A_118] : memref<1000x1000xf32, #tpu.memory_space<vmem_shared>> -> memref<1000x1000xf32, #tpu.memory_space<vmem_shared>>
    tpu.wait_indirect_dma semaphore(%arg20 : memref<!tpu.dma_semaphore, #tpu.memory_space<semaphore_mem>>) src(%dma_wait3A_119 : memref<1000x1000xf32, #tpu.memory_space<vmem_shared>>) dst(%arg12 : memref<8x1000xf32, #tpu.memory_space<vmem>>)
    %add3A_120 = arith.constant 1264 : i32
    %add3A_121 = arith.addi %mul3A_2, %add3A_120 : i32
    %dma_start3A_122 = arith.constant 0 : i32
    %dma_start3A_123 = tpu.memref_slice %arg4[%add3A_121, %dma_start3A_122] : memref<40960x1000xf32, #tpu.memory_space<hbm>> -> memref<8x1000xf32, #tpu.memory_space<hbm>>
    %dma_start3A_124 = arith.constant 0 : i32
    %dma_start3A_125 = tpu.memref_slice %arg4[%add3A_121, %dma_start3A_124] : memref<40960x1000xf32, #tpu.memory_space<hbm>> -> memref<8x1000xf32, #tpu.memory_space<hbm>>
    tpu.enqueue_dma source(%arg12 : memref<8x1000xf32, #tpu.memory_space<vmem>>) target(%dma_start3A_125 : memref<8x1000xf32, #tpu.memory_space<hbm>>) target_semaphore(%arg28 : memref<!tpu.dma_semaphore, #tpu.memory_space<semaphore_mem>>)
    %dma_wait3A_126 = arith.constant 1272 : i32
    %dma_wait3A_127 = tpu.memref_slice %arg5[%dma_wait3A_126] : memref<1280xi32, #tpu.memory_space<vmem>> -> memref<8xi32, #tpu.memory_space<vmem>>
    %dma_wait3A_128 = arith.constant 0 : i32
    %dma_wait3A_129 = arith.constant 0 : i32
    %dma_wait3A_130 = tpu.memref_slice %arg30[%dma_wait3A_128, %dma_wait3A_129] : memref<1000x1000xf32, #tpu.memory_space<vmem_shared>> -> memref<1000x1000xf32, #tpu.memory_space<vmem_shared>>
    tpu.wait_indirect_dma semaphore(%arg21 : memref<!tpu.dma_semaphore, #tpu.memory_space<semaphore_mem>>) src(%dma_wait3A_130 : memref<1000x1000xf32, #tpu.memory_space<vmem_shared>>) dst(%arg13 : memref<8x1000xf32, #tpu.memory_space<vmem>>)
    %add3A_131 = arith.constant 1272 : i32
    %add3A_132 = arith.addi %mul3A_2, %add3A_131 : i32
    %dma_start3A_133 = arith.constant 0 : i32
    %dma_start3A_134 = tpu.memref_slice %arg4[%add3A_132, %dma_start3A_133] : memref<40960x1000xf32, #tpu.memory_space<hbm>> -> memref<8x1000xf32, #tpu.memory_space<hbm>>
    %dma_start3A_135 = arith.constant 0 : i32
    %dma_start3A_136 = tpu.memref_slice %arg4[%add3A_132, %dma_start3A_135] : memref<40960x1000xf32, #tpu.memory_space<hbm>> -> memref<8x1000xf32, #tpu.memory_space<hbm>>
    tpu.enqueue_dma source(%arg13 : memref<8x1000xf32, #tpu.memory_space<vmem>>) target(%dma_start3A_136 : memref<8x1000xf32, #tpu.memory_space<hbm>>) target_semaphore(%arg29 : memref<!tpu.dma_semaphore, #tpu.memory_space<semaphore_mem>>)
    %add3A_137 = arith.constant 1216 : i32
    %add3A_138 = arith.addi %mul3A_2, %add3A_137 : i32
    %dma_wait3A_139 = arith.constant 0 : i32
    %dma_wait3A_140 = tpu.memref_slice %arg4[%add3A_138, %dma_wait3A_139] : memref<40960x1000xf32, #tpu.memory_space<hbm>> -> memref<8x1000xf32, #tpu.memory_space<hbm>>
    %dma_wait3A_141 = arith.constant 0 : i32
    %dma_wait3A_142 = tpu.memref_slice %arg4[%add3A_138, %dma_wait3A_141] : memref<40960x1000xf32, #tpu.memory_space<hbm>> -> memref<8x1000xf32, #tpu.memory_space<hbm>>
    tpu.wait_dma2 semaphore(%arg22 : memref<!tpu.dma_semaphore, #tpu.memory_space<semaphore_mem>>) src(%arg6 : memref<8x1000xf32, #tpu.memory_space<vmem>>) dst(%dma_wait3A_142 : memref<8x1000xf32, #tpu.memory_space<hbm>>)
    %add3A_143 = arith.constant 1224 : i32
    %add3A_144 = arith.addi %mul3A_2, %add3A_143 : i32
    %dma_wait3A_145 = arith.constant 0 : i32
    %dma_wait3A_146 = tpu.memref_slice %arg4[%add3A_144, %dma_wait3A_145] : memref<40960x1000xf32, #tpu.memory_space<hbm>> -> memref<8x1000xf32, #tpu.memory_space<hbm>>
    %dma_wait3A_147 = arith.constant 0 : i32
    %dma_wait3A_148 = tpu.memref_slice %arg4[%add3A_144, %dma_wait3A_147] : memref<40960x1000xf32, #tpu.memory_space<hbm>> -> memref<8x1000xf32, #tpu.memory_space<hbm>>
    tpu.wait_dma2 semaphore(%arg23 : memref<!tpu.dma_semaphore, #tpu.memory_space<semaphore_mem>>) src(%arg7 : memref<8x1000xf32, #tpu.memory_space<vmem>>) dst(%dma_wait3A_148 : memref<8x1000xf32, #tpu.memory_space<hbm>>)
    %add3A_149 = arith.constant 1232 : i32
    %add3A_150 = arith.addi %mul3A_2, %add3A_149 : i32
    %dma_wait3A_151 = arith.constant 0 : i32
    %dma_wait3A_152 = tpu.memref_slice %arg4[%add3A_150, %dma_wait3A_151] : memref<40960x1000xf32, #tpu.memory_space<hbm>> -> memref<8x1000xf32, #tpu.memory_space<hbm>>
    %dma_wait3A_153 = arith.constant 0 : i32
    %dma_wait3A_154 = tpu.memref_slice %arg4[%add3A_150, %dma_wait3A_153] : memref<40960x1000xf32, #tpu.memory_space<hbm>> -> memref<8x1000xf32, #tpu.memory_space<hbm>>
    tpu.wait_dma2 semaphore(%arg24 : memref<!tpu.dma_semaphore, #tpu.memory_space<semaphore_mem>>) src(%arg8 : memref<8x1000xf32, #tpu.memory_space<vmem>>) dst(%dma_wait3A_154 : memref<8x1000xf32, #tpu.memory_space<hbm>>)
    %add3A_155 = arith.constant 1240 : i32
    %add3A_156 = arith.addi %mul3A_2, %add3A_155 : i32
    %dma_wait3A_157 = arith.constant 0 : i32
    %dma_wait3A_158 = tpu.memref_slice %arg4[%add3A_156, %dma_wait3A_157] : memref<40960x1000xf32, #tpu.memory_space<hbm>> -> memref<8x1000xf32, #tpu.memory_space<hbm>>
    %dma_wait3A_159 = arith.constant 0 : i32
    %dma_wait3A_160 = tpu.memref_slice %arg4[%add3A_156, %dma_wait3A_159] : memref<40960x1000xf32, #tpu.memory_space<hbm>> -> memref<8x1000xf32, #tpu.memory_space<hbm>>
    tpu.wait_dma2 semaphore(%arg25 : memref<!tpu.dma_semaphore, #tpu.memory_space<semaphore_mem>>) src(%arg9 : memref<8x1000xf32, #tpu.memory_space<vmem>>) dst(%dma_wait3A_160 : memref<8x1000xf32, #tpu.memory_space<hbm>>)
    %add3A_161 = arith.constant 1248 : i32
    %add3A_162 = arith.addi %mul3A_2, %add3A_161 : i32
    %dma_wait3A_163 = arith.constant 0 : i32
    %dma_wait3A_164 = tpu.memref_slice %arg4[%add3A_162, %dma_wait3A_163] : memref<40960x1000xf32, #tpu.memory_space<hbm>> -> memref<8x1000xf32, #tpu.memory_space<hbm>>
    %dma_wait3A_165 = arith.constant 0 : i32
    %dma_wait3A_166 = tpu.memref_slice %arg4[%add3A_162, %dma_wait3A_165] : memref<40960x1000xf32, #tpu.memory_space<hbm>> -> memref<8x1000xf32, #tpu.memory_space<hbm>>
    tpu.wait_dma2 semaphore(%arg26 : memref<!tpu.dma_semaphore, #tpu.memory_space<semaphore_mem>>) src(%arg10 : memref<8x1000xf32, #tpu.memory_space<vmem>>) dst(%dma_wait3A_166 : memref<8x1000xf32, #tpu.memory_space<hbm>>)
    %add3A_167 = arith.constant 1256 : i32
    %add3A_168 = arith.addi %mul3A_2, %add3A_167 : i32
    %dma_wait3A_169 = arith.constant 0 : i32
    %dma_wait3A_170 = tpu.memref_slice %arg4[%add3A_168, %dma_wait3A_169] : memref<40960x1000xf32, #tpu.memory_space<hbm>> -> memref<8x1000xf32, #tpu.memory_space<hbm>>
    %dma_wait3A_171 = arith.constant 0 : i32
    %dma_wait3A_172 = tpu.memref_slice %arg4[%add3A_168, %dma_wait3A_171] : memref<40960x1000xf32, #tpu.memory_space<hbm>> -> memref<8x1000xf32, #tpu.memory_space<hbm>>
    tpu.wait_dma2 semaphore(%arg27 : memref<!tpu.dma_semaphore, #tpu.memory_space<semaphore_mem>>) src(%arg11 : memref<8x1000xf32, #tpu.memory_space<vmem>>) dst(%dma_wait3A_172 : memref<8x1000xf32, #tpu.memory_space<hbm>>)
    %add3A_173 = arith.constant 1264 : i32
    %add3A_174 = arith.addi %mul3A_2, %add3A_173 : i32
    %dma_wait3A_175 = arith.constant 0 : i32
    %dma_wait3A_176 = tpu.memref_slice %arg4[%add3A_174, %dma_wait3A_175] : memref<40960x1000xf32, #tpu.memory_space<hbm>> -> memref<8x1000xf32, #tpu.memory_space<hbm>>
    %dma_wait3A_177 = arith.constant 0 : i32
    %dma_wait3A_178 = tpu.memref_slice %arg4[%add3A_174, %dma_wait3A_177] : memref<40960x1000xf32, #tpu.memory_space<hbm>> -> memref<8x1000xf32, #tpu.memory_space<hbm>>
    tpu.wait_dma2 semaphore(%arg28 : memref<!tpu.dma_semaphore, #tpu.memory_space<semaphore_mem>>) src(%arg12 : memref<8x1000xf32, #tpu.memory_space<vmem>>) dst(%dma_wait3A_178 : memref<8x1000xf32, #tpu.memory_space<hbm>>)
    %add3A_179 = arith.constant 1272 : i32
    %add3A_180 = arith.addi %mul3A_2, %add3A_179 : i32
    %dma_wait3A_181 = arith.constant 0 : i32
    %dma_wait3A_182 = tpu.memref_slice %arg4[%add3A_180, %dma_wait3A_181] : memref<40960x1000xf32, #tpu.memory_space<hbm>> -> memref<8x1000xf32, #tpu.memory_space<hbm>>
    %dma_wait3A_183 = arith.constant 0 : i32
    %dma_wait3A_184 = tpu.memref_slice %arg4[%add3A_180, %dma_wait3A_183] : memref<40960x1000xf32, #tpu.memory_space<hbm>> -> memref<8x1000xf32, #tpu.memory_space<hbm>>
    tpu.wait_dma2 semaphore(%arg29 : memref<!tpu.dma_semaphore, #tpu.memory_space<semaphore_mem>>) src(%arg13 : memref<8x1000xf32, #tpu.memory_space<vmem>>) dst(%dma_wait3A_184 : memref<8x1000xf32, #tpu.memory_space<hbm>>)
    return
  }
}

</mosaic_0001>

<sc_bundles>
// kernel: kernel.4.cloned.1.call-start
scs
__scs_entry_jumppad:
0x0: {  	(pc) =	sbr.rel $0x88, $3  }
0x1: {  	(tag) =	ssettag $0x0;
	lr =	simm.s32 $0x1  }
0x2: {  	[smem:$0x3F9F] =	sst lr;
	_ =	strace $0xD0000000  }
0x3: {  	_ = 	snop  }
0x4: {  	_ = 	snop  }
0x5: {  	_ = 	snop  }
0x6: {  	_ = 	snop  }
0x7: {  	_ = 	snop  }
__scs_overlays_trampoline_lowered:
0x8: {  	[smem:$0x3FAE] =	sst s0  }
0x9: {  	[smem:$0x3FAF] =	sst s1  }
0xa: {  	[smem:$0x3FB0] =	sst s2  }
0xb: {  	[smem:$0x3FB1] =	sst s3  }
0xc: {  	[smem:$0x3FB2] =	sst s4  }
0xd: {  	[smem:$0x3FB3] =	sst s5  }
0xe: {  	[smem:$0x3FB4] =	sst s6  }
0xf: {  	[smem:$0x3FB5] =	sst s7  }
0x10: {  	[smem:$0x3FB6] =	sst s8  }
0x11: {  	[smem:$0x3FB7] =	sst s9;
	s0 =	simm.s32 @!p0 $0x0  }
0x12: {  	s1 =	sld [smem:$0x3F9D];
	s0 =	simm.s32 @p0 $0x1  }
0x13: {  	[smem:$0x3FB8] =	sst s0;
	s0 =	simm.s32 @!p1 $0x0  }
0x14: {  	s2 =	sld [smem:$0x3F9C];
	s0 =	simm.s32 @p1 $0x1  }
0x15: {  	[smem:$0x3FB9] =	sst s0;
	s0 =	simm.s32 @!p2 $0x0  }
0x16: {  	s3 =	sld [smem:$0x3FDB];
	s0 =	simm.s32 @p2 $0x1  }
0x17: {  	s4 =	simm.s32 $0x1BF5;
	[smem:$0x3FBB] =	sst s0  }
0x18: {  	s0 =	sld [smem:$0x3F9E];
	_ =	swait.ge [sflag:s4], $0x0  }
0x19: {  	s7 =	sld [smem:$0x3F9F]  }
0x1a: {  	s8 =	sadd.s32 $0xFFFFE003, lr  }
0x1b: {  	s9 =	sadd.s32 $0xFFFFFEF7, lr;
	s5 =	simm.s32 $0xFFFFFFFF;
	p2 =	slt.u32 s8, $0xFFFFF086  }
0x1c: {  	p1 =	slt.u32 s9, $0xF7A;
	s5 =	simm.s32 @!p2 $0x0  }
0x1d: {  	s5 =	simm.s32 @p1 $0x1;
	p0 =	seq.s32 s7, s2  }
0x1e: {  	s7 =	smul.u32 @!p0 $0xF7A, s2;
	p2 =	seq.s32 @!p0 s5, $0x0  }
0x1f: {  	s9 =	smul.u32 $0xF7A, s1;
	s8 =	simm.s32 @!p0 $0x1BF5;
	p2 =	por !p2, p0  }
0x20: {  	[sflag:s8] =	ssyncset.s32 @!p0 $0xFFFFF086;
	s6 =	sadd.s32 @!p0 s3, s7;
	s7 =	simm.s32 @!p0 $0x108  }
0x21: {  	s3 =	sadd.s32 s3, s9;
	s6 =	sadd.s32 @!p0 $0x88, s6;
	s7 =	simm.s32 @p2 $0x1082  }
0x22: {  	[simem:s7], [sflag:s8] =	dma.local @!p0 [hbm:s6], $0xF7A  }
0x23: {  	s9 =	sor.u32 $0xD0000000, s2;
	s6 =	simm.s32 $0x108;
	_ =	swait.ge @!p0 [sflag:s8], $0x0  }
0x24: {  	s3 =	sadd.s32 $0x88, s3;
	s6 =	simm.s32 @!p1 $0x1082;
	[sflag:s4] =	ssyncset.s32 $0xFFFFF086  }
0x25: {  	[simem:s6], [sflag:s4] =	dma.local [hbm:s3], $0xF7A  }
0x26: {  	[smem:$0x3F9F] =	sst s1;
	(tag) =	ssettag s2;
	_ =	strace s9  }
0x27: {  	s1 =	sld [smem:$0x3FAF]  }
0x28: {  	s2 =	sld [smem:$0x3FB0]  }
0x29: {  	s4 =	sld [smem:$0x3FB2]  }
0x2a: {  	p0 =	seq.s32 s5, $0x0;
	s5 =	sld [smem:$0x3FB3]  }
0x2b: {  	s6 =	sld [smem:$0x3FB4]  }
0x2c: {  	s7 =	sld [smem:$0x3FB5]  }
0x2d: {  	s3 =	simm.s32 $0x108;
	s8 =	sld [smem:$0x3FB6]  }
0x2e: {  	s3 =	simm.s32 @!p0 $0x1082;
	s9 =	sld [smem:$0x3FB7]  }
0x2f: {  	lr =	sadd.s32 s0, s3;
	s0 =	sld [smem:$0x3FAE]  }
0x30: {  	s3 =	sld [smem:$0x3FB1]  }
0x31: {  	[smem:$0x3FBA] =	sst s10  }
0x32: {  	s10 =	sld [smem:$0x3FB8];
	_ =	sdelay $0x3  }
0x33: {  	p0 =	seq.s32 s10, $0x1;
	s10 =	sld [smem:$0x3FBA];
	_ =	sdelay $0x3  }
0x34: {  	[smem:$0x3FBA] =	sst s10  }
0x35: {  	s10 =	sld [smem:$0x3FB9];
	_ =	sdelay $0x3  }
0x36: {  	p1 =	seq.s32 s10, $0x1;
	s10 =	sld [smem:$0x3FBA];
	_ =	sdelay $0x3  }
0x37: {  	[smem:$0x3FBA] =	sst s10  }
0x38: {  	s10 =	sld [smem:$0x3FBB]  }
0x39: {  	_ = 	snop;
	(pc) =	sbr.ind lr, $3  }
0x3a: {  	_ = 	snop  }
0x3b: {  	_ = 	snop  }
0x3c: {  	p2 =	seq.s32 s10, $0x1;
	s10 =	sld [smem:$0x3FBA]  }
0x3d: {  	_ =	shalt  }
0x3e: {  	_ =	shalt  }
0x3f: {  	_ =	shalt  }
0x40: {  	_ =	shalt  }
0x41: {  	_ =	shalt  }
0x42: {  	_ =	shalt  }
0x43: {  	_ =	shalt  }
0x44: {  	_ =	shalt  }
0x45: {  	_ =	shalt  }
0x46: {  	_ =	shalt  }
0x47: {  	_ =	shalt  }
0x48: {  	_ =	shalt  }
0x49: {  	_ =	shalt  }
0x4a: {  	_ =	shalt  }
0x4b: {  	_ =	shalt  }
0x4c: {  	_ =	shalt  }
0x4d: {  	_ =	shalt  }
0x4e: {  	_ =	shalt  }
0x4f: {  	_ =	shalt  }
0x50: {  	_ =	shalt  }
0x51: {  	_ =	shalt  }
0x52: {  	_ =	shalt  }
0x53: {  	_ =	shalt  }
0x54: {  	_ =	shalt  }
0x55: {  	_ =	shalt  }
0x56: {  	_ =	shalt  }
0x57: {  	_ =	shalt  }
0x58: {  	_ =	shalt  }
0x59: {  	_ =	shalt  }
0x5a: {  	_ =	shalt  }
0x5b: {  	_ =	shalt  }
0x5c: {  	_ =	shalt  }
0x5d: {  	_ =	shalt  }
0x5e: {  	_ =	shalt  }
0x5f: {  	_ =	shalt  }
0x60: {  	_ =	shalt  }
0x61: {  	_ =	shalt  }
0x62: {  	_ =	shalt  }
0x63: {  	_ =	shalt  }
0x64: {  	_ =	shalt  }
0x65: {  	_ =	shalt  }
0x66: {  	_ =	shalt  }
0x67: {  	_ =	shalt  }
0x68: {  	_ =	shalt  }
0x69: {  	_ =	shalt  }
0x6a: {  	_ =	shalt  }
0x6b: {  	_ =	shalt  }
0x6c: {  	_ =	shalt  }
0x6d: {  	_ =	shalt  }
0x6e: {  	_ =	shalt  }
0x6f: {  	_ =	shalt  }
0x70: {  	_ =	shalt  }
0x71: {  	_ =	shalt  }
0x72: {  	_ =	shalt  }
0x73: {  	_ =	shalt  }
0x74: {  	_ =	shalt  }
0x75: {  	_ =	shalt  }
0x76: {  	_ =	shalt  }
0x77: {  	_ =	shalt  }
0x78: {  	_ =	shalt  }
0x79: {  	_ =	shalt  }
0x7a: {  	_ =	shalt  }
0x7b: {  	_ =	shalt  }
0x7c: {  	_ =	shalt  }
0x7d: {  	_ =	shalt  }
0x7e: {  	_ =	shalt  }
0x7f: {  	_ =	shalt  }
0x80: {  	_ =	shalt  }
0x81: {  	_ =	shalt  }
0x82: {  	_ =	shalt  }
0x83: {  	_ =	shalt  }
0x84: {  	_ =	shalt  }
0x85: {  	_ =	shalt  }
0x86: {  	_ =	shalt  }
0x87: {  	_ =	shalt  }
.Lfunc_end0:
.L_simem_size_0:
called_computation.1_lowered:
.L_overlay_start_0:
0x88: {  	s2 =	sld [smem:$0x3FD9]  }
0x89: {  	s3 =	sld [smem:$0x3FFE];
	_ =	sdelay $0x1  }
0x8a: {  	s1 =	srdreg.scid  }
0x8b: {  	s0 =	sand.u32 $0x1, s1  }
0x8c: {  	s17 =	sshll.u32 s0, $0xA;
	s2 =	sadd.s32 s3, s2  }
0x8d: {  	s2 =	sadd.s32 s2, s17  }
0x8e: {  	[smem:$0x3FC6] =	sst s2  }
0x8f: {  	_ = 	snop  }
0x90: {  	(tm) =	ssettm $0x1  }
0x91: {  	s18 =	sld [smem:$0x3FFB];
	_ =	sdelay $0x3  }
0x92: {  	_ =	strace s18  }
0x93: {  	s2 =	sld [smem:$0x3FFC];
	_ =	sdelay $0x3  }
0x94: {  	_ =	strace s2  }
0x95: {  	s2 =	sld [smem:$0x3FFD];
	_ =	sdelay $0x3  }
0x96: {  	_ =	strace s2  }
0x97: {  	_ =	strace $0x8FFFFFFF  }
0x98: {  	s19 =	sld [smem:$0x3FDB];
	_ =	sdelay $0x1  }
0x99: {  	s20 =	simm.s32 $_scs_section_size  }
0x9a: {  	s4 =	simm.s32 $_size__tile_overlayer_lowered;
	s5 =	simm.s32 $_tile_overlayer_lowered  }
0x9b: {  	s6 =	simm.s32 $0x1BFF;
	s21 =	sshll.u32 s5, $0x1;
	s3 =	sadd.s32 s20, s19  }
0x9c: {  	s22 =	simm.s32 $0x0;
	s4 =	sshll.u32 s4, $0x1;
	s5 =	sadd.s32 s21, s3  }
0x9d: {  	[timem:s22], [sflag:s6] =	dma.local [hbm:s5], s4  }
0x9e: {  	_ =	swait.ge [sflag:s6], s4  }
0x9f: {  	s4 =	ssub.s32 $0x0, s4;
	[sflag:s6] =	ssyncset.done $0x0  }
0xa0: {  	[sflag:s6] =	ssyncadd.s32 s4;
	_ =	sdelay $0x1  }
0xa1: {  	s23 =	simm.s32 $0x1B8B  }
0xa2: {  	_ =	swait.ge [sflag:s23], $0x1  }
0xa3: {  	[sflag:s23] =	ssyncset.done $0x0  }
0xa4: {  	[sflag:s23] =	ssyncadd.s32 $0xFFFFFFFF  }
0xa5: {  	s4 =	sld [smem:$0x0]  }
0xa6: {  	s5 =	sand.u32 $0xFFFFFFFE, s1  }
0xa7: {  	p0 =	sne.s32 s1, s5  }
0xa8: {  	s5 =	sshll.u32 @p0 s5, $0xE  }
0xa9: {  	s5 =	sadd.s32 @p0 $0x11B8D, s5;
	s6 =	sshll.u32 @p0 s4, $0x11  }
0xaa: {  	s5 =	sor.u32 @p0 s6, s5  }
0xab: {  	[sflag:s5] =	ssyncadd.remote.s32 @p0 $0x1;
	_ =	sdelay $0x1  }
0xac: {  	s5 =	simm.s32 @p0 $0x1B8D  }
0xad: {  	_ =	swait.eq @p0 [sflag:s5], $0x1  }
0xae: {  	[sflag:s5] =	ssyncadd.s32 @p0 $0xFFFFFFFF  }
0xaf: {  	s6 =	sshll.u32 @!p0 s1, $0xE  }
0xb0: {  	s6 =	sor.u32 @!p0 $0x4000, s6;
	s5 =	simm.s32 @!p0 $0x1B8D  }
0xb1: {  	s4 =	sshll.u32 @!p0 s4, $0x11;
	s6 =	sadd.s32 @!p0 $0x11B8D, s6;
	_ =	swait.eq @!p0 [sflag:s5], $0x1  }
0xb2: {  	s4 =	sor.u32 @!p0 s4, s6;
	[sflag:s5] =	ssyncadd.s32 @!p0 $0xFFFFFFFF  }
0xb3: {  	s25 =	simm.s32 $0x1B8E;
	s24 =	sld [smem:$0x3FFE];
	[sflag:s4] =	ssyncadd.remote.s32 @!p0 $0x1  }
0xb4: {  	s26 =	simm.s32 $execute0_lowered;
	[smem:$0x3FD2] =	sst s25  }
0xb5: {  	s5 =	sshll.u32 s26, $0x1;
	_ =	strace $0x80000049;
	[dreg:$0x1] =	wrdreg $0xFFFFFFFF  }
0xb6: {  	s28 =	simm.s32 $_size_execute0_lowered;
	s3 =	sadd.s32 s3, s5;
	[dreg:$0x0] =	wrdreg $0x0  }
0xb7: {  	s5 =	sshll.u32 s28, $0x1;
	[dreg:$0x2] =	wrdreg s3  }
0xb8: {  	[dreg:$0x3] =	wrdreg s5  }
0xb9: {  	[dreg:$0x4] =	wrdreg $0xC0  }
0xba: {  	_ =	task [dreg:s22], $0x5FFFF  }
0xbb: {  	[dreg:$0x1] =	wrdreg $0xFFFFFFFF  }
0xbc: {  	[dreg:$0x0] =	wrdreg $0x60  }
0xbd: {  	[dreg:$0x2] =	wrdreg s24  }
0xbe: {  	[dreg:$0x3] =	wrdreg $0xFF000  }
0xbf: {  	[dreg:$0x4] =	wrdreg $0x9  }
0xc0: {  	_ =	task.clear_ibuf [dreg:s22], $0x5FFFF;
	_ =	strace $0x90000049  }
0xc1: {  	s29 =	simm.s32 $0x9;
	_ =	strace $0x8000004B  }
0xc2: {  	_ =	swait.ge [sflag:s29], $0x1  }
0xc3: {  	[sflag:s29] =	ssyncadd.s32 $0xFFFFFFFF  }
0xc4: {  	_ =	strace $0x9000004B  }
0xc5: {  	_ =	sfence  }
0xc6: {  	s30 =	sld [smem:$0x0];
	_ =	sdelay $0x2  }
0xc7: {  	s31 =	sshll.u32 s1, $0xD;
	s1 =	sshrl.u32 s1, $0x2  }
0xc8: {  	s4 =	sand.u32 $0x4000, s31;
	s1 =	sadd.s32 s1, s30  }
0xc9: {  	s0 =	sor.u32 s4, s0;
	s1 =	sshll.u32 s1, $0x11  }
0xca: {  	s0 =	sor.u32 s1, s0  }
0xcb: {  	s0 =	sadd.s32 $0x8F2B, s0  }
0xcc: {  	[sflag:s0] =	ssyncadd.remote.s32 $0x1  }
0xcd: {  	_ =	sfence.sel $0xFFFF  }
0xce: {  	[dreg:$0x0] =	wrdreg $0xFFFFFFFF;
	(pc) =	sbr.abs _section_cstart, $3  }
0xcf: {  	[dreg:$0x1] =	wrdreg $0xFFFFFFFF  }
0xd0: {  	_ =	task.clear_ibuf [dreg:s22], $0x2FFFF;
	_ =	strace $0x9FFFFFFF  }
0xd1: {  	(tm) =	ssettm $0x7FFFFFFF  }
tec
execute0_lowered:
.L_overlay_start_1:
0x0: {  	(tag) =	ssettag $0x1  }
0x1: {  	s0 =	srdreg.scid  }
0x2: {  	s3 =	stileid.u32;
	s4 =	rddreg [dreg:$0x0]  }
0x3: {  	s2 =	simm.s32 $0x0;
	s28 =	simm.s32 $0xA140;
	s30 =	simm.s32 $0xC080  }
0x4: {  	s29 =	simm.s32 $0x4;
	s31 =	simm.s32 $0x5;
	s10 =	simm.s32 $0xE  }
0x5: {  	s11 =	simm.s32 $0xF;
	s13 =	simm.s32 $0x0;
	s0 =	sand.u32 $0x1, s0  }
0x6: {  	s1 =	sshll.u32 s3, $0x1;
	[smem:$0x7FF] =	sst s2;
	s22 =	smul.u32 $0x4E200, s3  }
0x7: {  	s5 =	sor.u32 s0, s1;
	s7 =	ssub.s32 $0x2, s0;
	s0 =	smul.u32 $0x27100, s0  }
0x8: {  	s8 =	sadd.s32 $0x504200, s4;
	p0 =	sne.s32 s3, $0x0;
	s6 =	smul.u32 $0x500, s5  }
0x9: {  	s1 =	rddreg [dreg:$0x1];
	s5 =	smul.u32 $0x138800, s5;
	s26 =	sadd.s32 s22, s8  }
0xa: {  	_ =	strace $0x8000004A;
	s0 =	sadd.s32 s0, s26;
	s6 =	sshrl.u32 s6, $0x3  }
0xb: {  	s5 =	sshrl.u32 s5, $0x3;
	s14 =	sadd.s32 $0x1B58, s0;
	s0 =	sshrl.u32 @!p0 s1, $0x3  }
0xc: {  	s6 =	sadd.s32 s6, s4;
	s4 =	sadd.s32 $0x2400, s4;
	[dreg:$0xe] =	wrdreg s0  }
0xd: {  	s5 =	sadd.s32 s8, s5;
	[dreg:$0x3] =	wrdreg s4;
	s6 =	sadd.s32 $0x502E00, s6  }
0xe: {  	s3 =	simm.s32 $0x6;
	s18 =	sadd.s32 $0x251C0, s5;
	[dreg:$0x4] =	wrdreg s6  }
0xf: {  	s9 =	sshrl.u32 s7, $0x1;
	s19 =	sadd.s32 $0x255A8, s5;
	[dreg:$0x5] =	wrdreg s18  }
0x10: {  	s22 =	simm.s32 $0x1;
	s20 =	sadd.s32 $0x25990, s5;
	[dreg:$0x6] =	wrdreg s19  }
0x11: {  	s17 =	ssub.s32 s7, s9;
	s21 =	sadd.s32 $0x25D78, s5;
	[dreg:$0x7] =	wrdreg s20  }
0x12: {  	s26 =	simm.s32 $0x3;
	s23 =	sadd.s32 $0x26160, s5;
	[dreg:$0x8] =	wrdreg s21  }
0x13: {  	s7 =	simm.s32 $0xB;
	s24 =	sadd.s32 $0x26548, s5;
	[dreg:$0x9] =	wrdreg s23  }
0x14: {  	s9 =	simm.s32 $0xD;
	s25 =	sadd.s32 $0x26930, s5;
	[dreg:$0xa] =	wrdreg s24  }
0x15: {  	s0 =	simm.s32 $0xDFC0;
	s5 =	sadd.s32 $0x26D18, s5;
	[dreg:$0xb] =	wrdreg s25  }
0x16: {  	s8 =	simm.s32 $0xC;
	s4 =	smax.u32 s17, $0x1;
	[dreg:$0xc] =	wrdreg s5  }
0x17: {  	s17 =	simm.s32 $0x8;
	[dreg:$0xd] =	wrdreg s4;
	s18 =	simm.s32 $0x500  }
0x18: {  	s19 =	simm.s32 $0x2440;
	s20 =	simm.s32 $0x10;
	s21 =	simm.s32 $0x4380  }
0x19: {  	s23 =	simm.s32 $0x62C0;
	s25 =	simm.s32 $0x8200;
	s24 =	simm.s32 $0x2  }
0x1a: {  	s4 =	simm.s32 $0x7;
	s5 =	simm.s32 $0x9;
	s6 =	simm.s32 $0xA  }
.LBB2_1:
0x1b: {  	[dreg:$0xf] =	wrdreg s13  }
0x1c: {  	s12 =	rddreg [dreg:$0x3]  }
0x1d: {  	s13 =	simm.s32 @!p0 $0x1C11;
	s15 =	rddreg [dreg:$0xe]  }
0x1e: {  	[spmem:s15], [sflag:s13] =	dma.local @!p0 [hbm:s12], $0x1E848  }
0x1f: {  	s13 =	simm.s32 @!p0 $0x11  }
0x20: {  	_ =	swait.ge @!p0 [sflag:s13], $0x1E848  }
0x21: {  	[sflag:s13] =	ssyncset.done @!p0 $0x0  }
0x22: {  	s15 =	simm.s32 $0x11;
	[sflag:s13] =	ssyncadd.s32 @!p0 $0xFFFE17B8;
	s13 =	rddreg [dreg:$0x4]  }
0x23: {  	[tilespmem:s2], [sflag:$0x11] =	stream.linear.gather [hbm4b:s13+s2], $0x500, $0x38;
	[tilespmem:$0x1F328] =	vst v63  }
0x24: {  	_ =	swait.ge [sflag:s15], $0x500  }
0x25: {  	[sflag:s15] =	ssyncset.done $0x0  }
0x26: {  	[sflag:s15] =	ssyncadd.s32 $0xFFFFFB00  }
0x27: {  	[bflag:$0x0] =	sbarrier.arrive $0xFFFF  }
0x28: {  	[tilespmem:s18], [sflag:$0x1] =	stream.indirect.gather [spmem:s1], $0x3E8, s2, s17, $0xb8;
	[tilespmem:$0x1F328] =	vst v63  }
0x29: {  	_ = 	snop  }
0x2a: {  	[tilespmem:s19], [sflag:$0x2] =	stream.indirect.gather [spmem:s1], $0x3E8, s17, s17, $0xb8;
	[tilespmem:$0x1F328] =	vst v63  }
0x2b: {  	_ = 	snop  }
0x2c: {  	[tilespmem:s21], [sflag:$0x3] =	stream.indirect.gather [spmem:s1], $0x3E8, s20, s17, $0xb8;
	[tilespmem:$0x1F328] =	vst v63  }
0x2d: {  	s16 =	simm.s32 $0x18  }
0x2e: {  	[tilespmem:s23], [sflag:$0x4] =	stream.indirect.gather [spmem:s1], $0x3E8, s16, s17, $0xb8;
	[tilespmem:$0x1F328] =	vst v63  }
0x2f: {  	s13 =	simm.s32 $0x20  }
0x30: {  	[tilespmem:s25], [sflag:$0x5] =	stream.indirect.gather [spmem:s1], $0x3E8, s13, s17, $0xb8;
	[tilespmem:$0x1F328] =	vst v63  }
0x31: {  	s15 =	simm.s32 $0x28  }
0x32: {  	[tilespmem:s28], [sflag:$0x6] =	stream.indirect.gather [spmem:s1], $0x3E8, s15, s17, $0xb8;
	[tilespmem:$0x1F328] =	vst v63  }
0x33: {  	s16 =	simm.s32 $0x30  }
0x34: {  	[tilespmem:s30], [sflag:$0x7] =	stream.indirect.gather [spmem:s1], $0x3E8, s16, s17, $0xb8;
	[tilespmem:$0x1F328] =	vst v63  }
0x35: {  	s13 =	simm.s32 $0x38  }
0x36: {  	[tilespmem:s0], [sflag:$0x8] =	stream.indirect.gather [spmem:s1], $0x3E8, s13, s17, $0xb8;
	[tilespmem:$0x1F328] =	vst v63  }
0x37: {  	_ =	swait.ge [sflag:s22], $0x1F40  }
0x38: {  	[sflag:s22] =	ssyncset.done $0x0  }
0x39: {  	s15 =	sadd.s32 $0xFFFFE4A8, s14;
	[sflag:s22] =	ssyncadd.s32 $0xFFFFE0C0  }
0x3a: {  	[hbm4b:s15+s2] =	stream.linear.scatter [tilespmem:s18], [sflag:$0x9], $0x1F40, $0x38;
	[tilespmem:$0x1F328] =	vst v63  }
0x3b: {  	_ =	swait.ge [sflag:s24], $0x1F40  }
0x3c: {  	[sflag:s24] =	ssyncset.done $0x0  }
0x3d: {  	s16 =	sadd.s32 $0xFFFFE890, s14;
	[sflag:s24] =	ssyncadd.s32 $0xFFFFE0C0  }
0x3e: {  	[hbm4b:s16+s2] =	stream.linear.scatter [tilespmem:s19], [sflag:$0xA], $0x1F40, $0x38;
	[tilespmem:$0x1F328] =	vst v63  }
0x3f: {  	_ =	swait.ge [sflag:s26], $0x1F40  }
0x40: {  	[sflag:s26] =	ssyncset.done $0x0  }
0x41: {  	s12 =	sadd.s32 $0xFFFFEC78, s14;
	[sflag:s26] =	ssyncadd.s32 $0xFFFFE0C0  }
0x42: {  	[hbm4b:s12+s2] =	stream.linear.scatter [tilespmem:s21], [sflag:$0xB], $0x1F40, $0x38;
	[tilespmem:$0x1F328] =	vst v63  }
0x43: {  	_ =	swait.ge [sflag:s29], $0x1F40  }
0x44: {  	[sflag:s29] =	ssyncset.done $0x0  }
0x45: {  	s15 =	sadd.s32 $0xFFFFF060, s14;
	[sflag:s29] =	ssyncadd.s32 $0xFFFFE0C0  }
0x46: {  	[hbm4b:s15+s2] =	stream.linear.scatter [tilespmem:s23], [sflag:$0xC], $0x1F40, $0x38;
	[tilespmem:$0x1F328] =	vst v63  }
0x47: {  	_ =	swait.ge [sflag:s31], $0x1F40  }
0x48: {  	[sflag:s31] =	ssyncset.done $0x0  }
0x49: {  	s16 =	sadd.s32 $0xFFFFF448, s14;
	[sflag:s31] =	ssyncadd.s32 $0xFFFFE0C0  }
0x4a: {  	[hbm4b:s16+s2] =	stream.linear.scatter [tilespmem:s25], [sflag:$0xD], $0x1F40, $0x38;
	[tilespmem:$0x1F328] =	vst v63  }
0x4b: {  	_ =	swait.ge [sflag:s3], $0x1F40  }
0x4c: {  	[sflag:s3] =	ssyncset.done $0x0  }
0x4d: {  	s12 =	sadd.s32 $0xFFFFF830, s14;
	[sflag:s3] =	ssyncadd.s32 $0xFFFFE0C0  }
0x4e: {  	[hbm4b:s12+s2] =	stream.linear.scatter [tilespmem:s28], [sflag:$0xE], $0x1F40, $0x38;
	[tilespmem:$0x1F328] =	vst v63  }
0x4f: {  	_ =	swait.ge [sflag:s4], $0x1F40  }
0x50: {  	[sflag:s4] =	ssyncset.done $0x0  }
0x51: {  	s15 =	sadd.s32 $0xFFFFFC18, s14;
	[sflag:s4] =	ssyncadd.s32 $0xFFFFE0C0  }
0x52: {  	[hbm4b:s15+s2] =	stream.linear.scatter [tilespmem:s30], [sflag:$0xF], $0x1F40, $0x38;
	[tilespmem:$0x1F328] =	vst v63  }
0x53: {  	_ =	swait.ge [sflag:s17], $0x1F40  }
0x54: {  	[sflag:s17] =	ssyncset.done $0x0  }
0x55: {  	[sflag:s17] =	ssyncadd.s32 $0xFFFFE0C0  }
0x56: {  	[hbm4b:s14+s2] =	stream.linear.scatter [tilespmem:s0], [sflag:$0x10], $0x1F40, $0x38;
	[tilespmem:$0x1F328] =	vst v63  }
0x57: {  	_ =	swait.ge [sflag:s5], $0x1F40  }
0x58: {  	[sflag:s5] =	ssyncset.done $0x0  }
0x59: {  	s16 =	simm.s32 $0x40;
	[sflag:s5] =	ssyncadd.s32 $0xFFFFE0C0  }
0x5a: {  	[tilespmem:s18], [sflag:$0x1] =	stream.indirect.gather [spmem:s1], $0x3E8, s16, s17, $0xb8;
	[tilespmem:$0x1F328] =	vst v63  }
0x5b: {  	_ =	swait.ge [sflag:s6], $0x1F40  }
0x5c: {  	[sflag:s6] =	ssyncset.done $0x0  }
0x5d: {  	s12 =	simm.s32 $0x48;
	[sflag:s6] =	ssyncadd.s32 $0xFFFFE0C0  }
0x5e: {  	[tilespmem:s19], [sflag:$0x2] =	stream.indirect.gather [spmem:s1], $0x3E8, s12, s17, $0xb8;
	[tilespmem:$0x1F328] =	vst v63  }
0x5f: {  	_ =	swait.ge [sflag:s7], $0x1F40  }
0x60: {  	[sflag:s7] =	ssyncset.done $0x0  }
0x61: {  	s15 =	simm.s32 $0x50;
	[sflag:s7] =	ssyncadd.s32 $0xFFFFE0C0  }
0x62: {  	[tilespmem:s21], [sflag:$0x3] =	stream.indirect.gather [spmem:s1], $0x3E8, s15, s17, $0xb8;
	[tilespmem:$0x1F328] =	vst v63  }
0x63: {  	_ =	swait.ge [sflag:s8], $0x1F40  }
0x64: {  	[sflag:s8] =	ssyncset.done $0x0  }
0x65: {  	s16 =	simm.s32 $0x58;
	[sflag:s8] =	ssyncadd.s32 $0xFFFFE0C0  }
0x66: {  	[tilespmem:s23], [sflag:$0x4] =	stream.indirect.gather [spmem:s1], $0x3E8, s16, s17, $0xb8;
	[tilespmem:$0x1F328] =	vst v63  }
0x67: {  	_ =	swait.ge [sflag:s9], $0x1F40  }
0x68: {  	[sflag:s9] =	ssyncset.done $0x0  }
0x69: {  	s12 =	simm.s32 $0x60;
	[sflag:s9] =	ssyncadd.s32 $0xFFFFE0C0  }
0x6a: {  	[tilespmem:s25], [sflag:$0x5] =	stream.indirect.gather [spmem:s1], $0x3E8, s12, s17, $0xb8;
	[tilespmem:$0x1F328] =	vst v63  }
0x6b: {  	_ =	swait.ge [sflag:s10], $0x1F40  }
0x6c: {  	[sflag:s10] =	ssyncset.done $0x0  }
0x6d: {  	s15 =	simm.s32 $0x68;
	[sflag:s10] =	ssyncadd.s32 $0xFFFFE0C0  }
0x6e: {  	[tilespmem:s28], [sflag:$0x6] =	stream.indirect.gather [spmem:s1], $0x3E8, s15, s17, $0xb8;
	[tilespmem:$0x1F328] =	vst v63  }
0x6f: {  	_ =	swait.ge [sflag:s11], $0x1F40  }
0x70: {  	[sflag:s11] =	ssyncset.done $0x0  }
0x71: {  	s16 =	simm.s32 $0x70;
	[sflag:s11] =	ssyncadd.s32 $0xFFFFE0C0  }
0x72: {  	[tilespmem:s30], [sflag:$0x7] =	stream.indirect.gather [spmem:s1], $0x3E8, s16, s17, $0xb8;
	[tilespmem:$0x1F328] =	vst v63  }
0x73: {  	_ =	swait.ge [sflag:s20], $0x1F40  }
0x74: {  	s13 =	simm.s32 $0x100;
	[sflag:s20] =	ssyncset.done $0x0  }
0x75: {  	s15 =	sadd.s32 $0x1F40, s14;
	s16 =	simm.s32 $0x78;
	[sflag:s20] =	ssyncadd.s32 $0xFFFFE0C0  }
.LBB2_2:
0x76: {  	[tilespmem:s0], [sflag:$0x8] =	stream.indirect.gather [spmem:s1], $0x3E8, s16, s17, $0xb8;
	[tilespmem:$0x1F328] =	vst v63  }
0x77: {  	s16 =	smov.u32 s13  }
0x78: {  	p1 =	sne.s32 s13, $0x1200;
	s13 =	sadd.s32 $0x100, s13;
	_ =	swait.ge [sflag:s22], $0x1F40  }
0x79: {  	[sflag:s22] =	ssyncset.done $0x0  }
0x7a: {  	s12 =	sadd.s32 $0xFFFFE4A8, s15;
	[sflag:s22] =	ssyncadd.s32 $0xFFFFE0C0  }
0x7b: {  	[hbm4b:s12+s2] =	stream.linear.scatter [tilespmem:s18], [sflag:$0x9], $0x1F40, $0x38;
	[tilespmem:$0x1F328] =	vst v63  }
0x7c: {  	_ =	swait.ge [sflag:s24], $0x1F40  }
0x7d: {  	[sflag:s24] =	ssyncset.done $0x0  }
0x7e: {  	s12 =	sadd.s32 $0xFFFFE890, s15;
	[sflag:s24] =	ssyncadd.s32 $0xFFFFE0C0  }
0x7f: {  	[hbm4b:s12+s2] =	stream.linear.scatter [tilespmem:s19], [sflag:$0xA], $0x1F40, $0x38;
	[tilespmem:$0x1F328] =	vst v63  }
0x80: {  	_ =	swait.ge [sflag:s26], $0x1F40  }
0x81: {  	[sflag:s26] =	ssyncset.done $0x0  }
0x82: {  	s12 =	sadd.s32 $0xFFFFEC78, s15;
	[sflag:s26] =	ssyncadd.s32 $0xFFFFE0C0  }
0x83: {  	[hbm4b:s12+s2] =	stream.linear.scatter [tilespmem:s21], [sflag:$0xB], $0x1F40, $0x38;
	[tilespmem:$0x1F328] =	vst v63  }
0x84: {  	_ =	swait.ge [sflag:s29], $0x1F40  }
0x85: {  	[sflag:s29] =	ssyncset.done $0x0  }
0x86: {  	s12 =	sadd.s32 $0xFFFFF060, s15;
	[sflag:s29] =	ssyncadd.s32 $0xFFFFE0C0  }
0x87: {  	[hbm4b:s12+s2] =	stream.linear.scatter [tilespmem:s23], [sflag:$0xC], $0x1F40, $0x38;
	[tilespmem:$0x1F328] =	vst v63  }
0x88: {  	_ =	swait.ge [sflag:s31], $0x1F40  }
0x89: {  	[sflag:s31] =	ssyncset.done $0x0  }
0x8a: {  	s12 =	sadd.s32 $0xFFFFF448, s15;
	[sflag:s31] =	ssyncadd.s32 $0xFFFFE0C0  }
0x8b: {  	[hbm4b:s12+s2] =	stream.linear.scatter [tilespmem:s25], [sflag:$0xD], $0x1F40, $0x38;
	[tilespmem:$0x1F328] =	vst v63  }
0x8c: {  	_ =	swait.ge [sflag:s3], $0x1F40  }
0x8d: {  	[sflag:s3] =	ssyncset.done $0x0  }
0x8e: {  	s12 =	sadd.s32 $0xFFFFF830, s15;
	[sflag:s3] =	ssyncadd.s32 $0xFFFFE0C0  }
0x8f: {  	[hbm4b:s12+s2] =	stream.linear.scatter [tilespmem:s28], [sflag:$0xE], $0x1F40, $0x38;
	[tilespmem:$0x1F328] =	vst v63  }
0x90: {  	_ =	swait.ge [sflag:s4], $0x1F40  }
0x91: {  	[sflag:s4] =	ssyncset.done $0x0  }
0x92: {  	s12 =	sadd.s32 $0xFFFFFC18, s15;
	[sflag:s4] =	ssyncadd.s32 $0xFFFFE0C0  }
0x93: {  	[hbm4b:s12+s2] =	stream.linear.scatter [tilespmem:s30], [sflag:$0xF], $0x1F40, $0x38;
	[tilespmem:$0x1F328] =	vst v63  }
0x94: {  	_ =	swait.ge [sflag:s17], $0x1F40  }
0x95: {  	[sflag:s17] =	ssyncset.done $0x0  }
0x96: {  	[sflag:s17] =	ssyncadd.s32 $0xFFFFE0C0  }
0x97: {  	[hbm4b:s15+s2] =	stream.linear.scatter [tilespmem:s0], [sflag:$0x10], $0x1F40, $0x38;
	[tilespmem:$0x1F328] =	vst v63  }
0x98: {  	_ =	swait.ge [sflag:s5], $0x1F40  }
0x99: {  	s16 =	sshra.s32 s16, $0x2;
	[sflag:s5] =	ssyncset.done $0x0  }
0x9a: {  	s12 =	sadd.s32 $0x40, s16;
	[sflag:s5] =	ssyncadd.s32 $0xFFFFE0C0  }
0x9b: {  	[tilespmem:s18], [sflag:$0x1] =	stream.indirect.gather [spmem:s1], $0x3E8, s12, s17, $0xb8;
	[tilespmem:$0x1F328] =	vst v63  }
0x9c: {  	_ =	swait.ge [sflag:s6], $0x1F40  }
0x9d: {  	[sflag:s6] =	ssyncset.done $0x0  }
0x9e: {  	s12 =	sadd.s32 $0x48, s16;
	[sflag:s6] =	ssyncadd.s32 $0xFFFFE0C0  }
0x9f: {  	[tilespmem:s19], [sflag:$0x2] =	stream.indirect.gather [spmem:s1], $0x3E8, s12, s17, $0xb8;
	[tilespmem:$0x1F328] =	vst v63  }
0xa0: {  	_ =	swait.ge [sflag:s7], $0x1F40  }
0xa1: {  	[sflag:s7] =	ssyncset.done $0x0  }
0xa2: {  	s12 =	sadd.s32 $0x50, s16;
	[sflag:s7] =	ssyncadd.s32 $0xFFFFE0C0  }
0xa3: {  	[tilespmem:s21], [sflag:$0x3] =	stream.indirect.gather [spmem:s1], $0x3E8, s12, s17, $0xb8;
	[tilespmem:$0x1F328] =	vst v63  }
0xa4: {  	_ =	swait.ge [sflag:s8], $0x1F40  }
0xa5: {  	[sflag:s8] =	ssyncset.done $0x0  }
0xa6: {  	s12 =	sadd.s32 $0x58, s16;
	[sflag:s8] =	ssyncadd.s32 $0xFFFFE0C0  }
0xa7: {  	[tilespmem:s23], [sflag:$0x4] =	stream.indirect.gather [spmem:s1], $0x3E8, s12, s17, $0xb8;
	[tilespmem:$0x1F328] =	vst v63  }
0xa8: {  	_ =	swait.ge [sflag:s9], $0x1F40  }
0xa9: {  	[sflag:s9] =	ssyncset.done $0x0  }
0xaa: {  	s12 =	sadd.s32 $0x60, s16;
	[sflag:s9] =	ssyncadd.s32 $0xFFFFE0C0  }
0xab: {  	[tilespmem:s25], [sflag:$0x5] =	stream.indirect.gather [spmem:s1], $0x3E8, s12, s17, $0xb8;
	[tilespmem:$0x1F328] =	vst v63  }
0xac: {  	_ =	swait.ge [sflag:s10], $0x1F40  }
0xad: {  	[sflag:s10] =	ssyncset.done $0x0  }
0xae: {  	s12 =	sadd.s32 $0x68, s16;
	[sflag:s10] =	ssyncadd.s32 $0xFFFFE0C0  }
0xaf: {  	[tilespmem:s28], [sflag:$0x6] =	stream.indirect.gather [spmem:s1], $0x3E8, s12, s17, $0xb8;
	[tilespmem:$0x1F328] =	vst v63  }
0xb0: {  	_ =	swait.ge [sflag:s11], $0x1F40  }
0xb1: {  	[sflag:s11] =	ssyncset.done $0x0  }
.Ltmp0:
0xb2: {  	s12 =	sadd.s32 $0x70, s16;
	[sflag:s11] =	ssyncadd.s32 $0xFFFFE0C0;
	(pc) =	sbr.rel @p1 .LBB2_2-.Ltmp0, $4  }
0xb3: {  	[tilespmem:s30], [sflag:$0x7] =	stream.indirect.gather [spmem:s1], $0x3E8, s12, s17, $0xb8;
	[tilespmem:$0x1F328] =	vst v63  }
0xb4: {  	_ =	swait.ge [sflag:s20], $0x1F40  }
0xb5: {  	[sflag:s20] =	ssyncset.done $0x0  }
0xb6: {  	s15 =	sadd.s32 $0x1F40, s15;
	s16 =	sadd.s32 $0x78, s16;
	[sflag:s20] =	ssyncadd.s32 $0xFFFFE0C0  }
0xb7: {  	[tilespmem:s0], [sflag:$0x8] =	stream.indirect.gather [spmem:s1], $0x3E8, s16, s17, $0xb8;
	[tilespmem:$0x1F328] =	vst v63  }
0xb8: {  	_ =	swait.ge [sflag:s22], $0x1F40  }
0xb9: {  	[sflag:s22] =	ssyncset.done $0x0  }
0xba: {  	s12 =	rddreg [dreg:$0x5];
	[sflag:s22] =	ssyncadd.s32 $0xFFFFE0C0  }
0xbb: {  	[hbm4b:s12+s2] =	stream.linear.scatter [tilespmem:s18], [sflag:$0x9], $0x1F40, $0x38;
	[tilespmem:$0x1F328] =	vst v63  }
0xbc: {  	_ =	swait.ge [sflag:s24], $0x1F40  }
0xbd: {  	[sflag:s24] =	ssyncset.done $0x0  }
0xbe: {  	s15 =	rddreg [dreg:$0x6];
	[sflag:s24] =	ssyncadd.s32 $0xFFFFE0C0  }
0xbf: {  	[hbm4b:s15+s2] =	stream.linear.scatter [tilespmem:s19], [sflag:$0xA], $0x1F40, $0x38;
	[tilespmem:$0x1F328] =	vst v63  }
0xc0: {  	_ =	swait.ge [sflag:s26], $0x1F40  }
0xc1: {  	[sflag:s26] =	ssyncset.done $0x0  }
0xc2: {  	s16 =	rddreg [dreg:$0x7];
	[sflag:s26] =	ssyncadd.s32 $0xFFFFE0C0  }
0xc3: {  	[hbm4b:s16+s2] =	stream.linear.scatter [tilespmem:s21], [sflag:$0xB], $0x1F40, $0x38;
	[tilespmem:$0x1F328] =	vst v63  }
0xc4: {  	_ =	swait.ge [sflag:s29], $0x1F40  }
0xc5: {  	[sflag:s29] =	ssyncset.done $0x0  }
0xc6: {  	s13 =	rddreg [dreg:$0x8];
	[sflag:s29] =	ssyncadd.s32 $0xFFFFE0C0  }
0xc7: {  	[hbm4b:s13+s2] =	stream.linear.scatter [tilespmem:s23], [sflag:$0xC], $0x1F40, $0x38;
	[tilespmem:$0x1F328] =	vst v63  }
0xc8: {  	_ =	swait.ge [sflag:s31], $0x1F40  }
0xc9: {  	[sflag:s31] =	ssyncset.done $0x0  }
0xca: {  	s15 =	rddreg [dreg:$0x9];
	[sflag:s31] =	ssyncadd.s32 $0xFFFFE0C0  }
0xcb: {  	[hbm4b:s15+s2] =	stream.linear.scatter [tilespmem:s25], [sflag:$0xD], $0x1F40, $0x38;
	[tilespmem:$0x1F328] =	vst v63  }
0xcc: {  	_ =	swait.ge [sflag:s3], $0x1F40  }
0xcd: {  	[sflag:s3] =	ssyncset.done $0x0  }
0xce: {  	s16 =	rddreg [dreg:$0xa];
	[sflag:s3] =	ssyncadd.s32 $0xFFFFE0C0  }
0xcf: {  	[hbm4b:s16+s2] =	stream.linear.scatter [tilespmem:s28], [sflag:$0xE], $0x1F40, $0x38;
	[tilespmem:$0x1F328] =	vst v63  }
0xd0: {  	_ =	swait.ge [sflag:s4], $0x1F40  }
0xd1: {  	[sflag:s4] =	ssyncset.done $0x0  }
0xd2: {  	s13 =	rddreg [dreg:$0xb];
	[sflag:s4] =	ssyncadd.s32 $0xFFFFE0C0  }
0xd3: {  	[hbm4b:s13+s2] =	stream.linear.scatter [tilespmem:s30], [sflag:$0xF], $0x1F40, $0x38;
	[tilespmem:$0x1F328] =	vst v63  }
0xd4: {  	_ =	swait.ge [sflag:s17], $0x1F40  }
0xd5: {  	[sflag:s17] =	ssyncset.done $0x0  }
0xd6: {  	s15 =	rddreg [dreg:$0xc];
	[sflag:s17] =	ssyncadd.s32 $0xFFFFE0C0  }
0xd7: {  	[hbm4b:s15+s2] =	stream.linear.scatter [tilespmem:s0], [sflag:$0x10], $0x1F40, $0x38;
	[tilespmem:$0x1F328] =	vst v63  }
0xd8: {  	_ =	swait.ge [sflag:s5], $0x1F40  }
0xd9: {  	[sflag:s5] =	ssyncset.done $0x0  }
0xda: {  	[sflag:s5] =	ssyncadd.s32 $0xFFFFE0C0  }
0xdb: {  	_ =	swait.ge [sflag:s6], $0x1F40  }
0xdc: {  	[sflag:s6] =	ssyncset.done $0x0  }
0xdd: {  	[sflag:s6] =	ssyncadd.s32 $0xFFFFE0C0  }
0xde: {  	_ =	swait.ge [sflag:s7], $0x1F40  }
0xdf: {  	[sflag:s7] =	ssyncset.done $0x0  }
0xe0: {  	[sflag:s7] =	ssyncadd.s32 $0xFFFFE0C0  }
0xe1: {  	_ =	swait.ge [sflag:s8], $0x1F40  }
0xe2: {  	[sflag:s8] =	ssyncset.done $0x0  }
0xe3: {  	[sflag:s8] =	ssyncadd.s32 $0xFFFFE0C0  }
0xe4: {  	_ =	swait.ge [sflag:s9], $0x1F40  }
0xe5: {  	[sflag:s9] =	ssyncset.done $0x0  }
0xe6: {  	[sflag:s9] =	ssyncadd.s32 $0xFFFFE0C0  }
0xe7: {  	_ =	swait.ge [sflag:s10], $0x1F40  }
0xe8: {  	[sflag:s10] =	ssyncset.done $0x0  }
0xe9: {  	[sflag:s10] =	ssyncadd.s32 $0xFFFFE0C0  }
0xea: {  	_ =	swait.ge [sflag:s11], $0x1F40  }
0xeb: {  	[sflag:s11] =	ssyncset.done $0x0  }
0xec: {  	[sflag:s11] =	ssyncadd.s32 $0xFFFFE0C0  }
0xed: {  	_ =	swait.ge [sflag:s20], $0x1F40  }
0xee: {  	s13 =	rddreg [dreg:$0xf]  }
0xef: {  	s16 =	rddreg [dreg:$0xd];
	s13 =	sadd.s32 $0x1, s13  }
0xf0: {  	p1 =	sne.s32 s13, s16  }
.Ltmp1:
0xf1: {  	_ = 	snop;
	(pc) =	sbr.rel @p1 .LBB2_1-.Ltmp1, $3  }
0xf2: {  	_ =	sdelay $0x1  }
0xf3: {  	[sflag:s20] =	ssyncset.done $0x0  }
0xf4: {  	[sflag:s20] =	ssyncadd.s32 $0xFFFFE0C0  }
0xf5: {  	_ =	sfence.sel $0x180000  }
0xf6: {  	[bflag:$0x0] =	sbarrier.arrive $0xFFFF  }
0xf7: {  	_ =	strace $0x9000004A  }
0xf8: {  	[bflag:$0x2] =	sbarrier.arrive $0xFFFF  }
0xf9: {  	s0 =	rddreg [dreg:$0x2]  }
0xfa: {  	s0 =	sadd.s32 @!p0 $0x100000, s0  }
0xfb: {  	[sflag:s0] =	ssyncadd.tile.s32 @!p0 $0x1;
	_ =	shalt  }
.Lfunc_end2:
_tile_overlayer_lowered:
.L_overlay_start_2:
0xfc: {  	(tag) =	ssettag $0x2  }
0xfd: {  	s0 =	rddreg [dreg:$0x0];
	s2 =	stileid.u32  }
0xfe: {  	s1 =	rddreg [dreg:$0x1];
	p0 =	sne.s32 s2, $0x0  }
0xff: {  	s3 =	rddreg [dreg:$0x2];
	[bflag:$0x3] =	sbarrier.arrive $0xFFFF;
	s2 =	simm.s32 @!p0 $0x1C11  }
0x100: {  	[timem:s3], [sflag:s2] =	dma.local @!p0 [hbm:s0], s1  }
0x101: {  	s0 =	simm.s32 @!p0 $0x11  }
0x102: {  	_ =	swait.ge @!p0 [sflag:s0], s1  }
0x103: {  	s1 =	ssub.s32 @!p0 $0x0, s1;
	[sflag:s0] =	ssyncset.done @!p0 $0x0  }
0x104: {  	[sflag:s0] =	ssyncadd.s32 @!p0 s1  }
0x105: {  	[bflag:$0x3] =	sbarrier.arrive $0xFFFF  }
0x106: {  	_ =	shalt  }

// kernel: kernel.7.cloned.1.call-start
scs
__scs_entry_jumppad:
0x0: {  	(pc) =	sbr.rel $0x88, $3  }
0x1: {  	(tag) =	ssettag $0x0;
	lr =	simm.s32 $0x1  }
0x2: {  	[smem:$0x3F9F] =	sst lr;
	_ =	strace $0xD0000000  }
0x3: {  	_ = 	snop  }
0x4: {  	_ = 	snop  }
0x5: {  	_ = 	snop  }
0x6: {  	_ = 	snop  }
0x7: {  	_ = 	snop  }
__scs_overlays_trampoline_lowered:
0x8: {  	[smem:$0x3FAE] =	sst s0  }
0x9: {  	[smem:$0x3FAF] =	sst s1  }
0xa: {  	[smem:$0x3FB0] =	sst s2  }
0xb: {  	[smem:$0x3FB1] =	sst s3  }
0xc: {  	[smem:$0x3FB2] =	sst s4  }
0xd: {  	[smem:$0x3FB3] =	sst s5  }
0xe: {  	[smem:$0x3FB4] =	sst s6  }
0xf: {  	[smem:$0x3FB5] =	sst s7  }
0x10: {  	[smem:$0x3FB6] =	sst s8  }
0x11: {  	[smem:$0x3FB7] =	sst s9;
	s0 =	simm.s32 @!p0 $0x0  }
0x12: {  	s1 =	sld [smem:$0x3F9D];
	s0 =	simm.s32 @p0 $0x1  }
0x13: {  	[smem:$0x3FB8] =	sst s0;
	s0 =	simm.s32 @!p1 $0x0  }
0x14: {  	s2 =	sld [smem:$0x3F9C];
	s0 =	simm.s32 @p1 $0x1  }
0x15: {  	[smem:$0x3FB9] =	sst s0;
	s0 =	simm.s32 @!p2 $0x0  }
0x16: {  	s3 =	sld [smem:$0x3FDB];
	s0 =	simm.s32 @p2 $0x1  }
0x17: {  	s4 =	simm.s32 $0x1BF5;
	[smem:$0x3FBB] =	sst s0  }
0x18: {  	s0 =	sld [smem:$0x3F9E];
	_ =	swait.ge [sflag:s4], $0x0  }
0x19: {  	s7 =	sld [smem:$0x3F9F]  }
0x1a: {  	s8 =	sadd.s32 $0xFFFFE003, lr  }
0x1b: {  	s9 =	sadd.s32 $0xFFFFFEF7, lr;
	s5 =	simm.s32 $0xFFFFFFFF;
	p2 =	slt.u32 s8, $0xFFFFF086  }
0x1c: {  	p1 =	slt.u32 s9, $0xF7A;
	s5 =	simm.s32 @!p2 $0x0  }
0x1d: {  	s5 =	simm.s32 @p1 $0x1;
	p0 =	seq.s32 s7, s2  }
0x1e: {  	s7 =	smul.u32 @!p0 $0xF7A, s2;
	p2 =	seq.s32 @!p0 s5, $0x0  }
0x1f: {  	s9 =	smul.u32 $0xF7A, s1;
	s8 =	simm.s32 @!p0 $0x1BF5;
	p2 =	por !p2, p0  }
0x20: {  	[sflag:s8] =	ssyncset.s32 @!p0 $0xFFFFF086;
	s6 =	sadd.s32 @!p0 s3, s7;
	s7 =	simm.s32 @!p0 $0x108  }
0x21: {  	s3 =	sadd.s32 s3, s9;
	s6 =	sadd.s32 @!p0 $0x88, s6;
	s7 =	simm.s32 @p2 $0x1082  }
0x22: {  	[simem:s7], [sflag:s8] =	dma.local @!p0 [hbm:s6], $0xF7A  }
0x23: {  	s9 =	sor.u32 $0xD0000000, s2;
	s6 =	simm.s32 $0x108;
	_ =	swait.ge @!p0 [sflag:s8], $0x0  }
0x24: {  	s3 =	sadd.s32 $0x88, s3;
	s6 =	simm.s32 @!p1 $0x1082;
	[sflag:s4] =	ssyncset.s32 $0xFFFFF086  }
0x25: {  	[simem:s6], [sflag:s4] =	dma.local [hbm:s3], $0xF7A  }
0x26: {  	[smem:$0x3F9F] =	sst s1;
	(tag) =	ssettag s2;
	_ =	strace s9  }
0x27: {  	s1 =	sld [smem:$0x3FAF]  }
0x28: {  	s2 =	sld [smem:$0x3FB0]  }
0x29: {  	s4 =	sld [smem:$0x3FB2]  }
0x2a: {  	p0 =	seq.s32 s5, $0x0;
	s5 =	sld [smem:$0x3FB3]  }
0x2b: {  	s6 =	sld [smem:$0x3FB4]  }
0x2c: {  	s7 =	sld [smem:$0x3FB5]  }
0x2d: {  	s3 =	simm.s32 $0x108;
	s8 =	sld [smem:$0x3FB6]  }
0x2e: {  	s3 =	simm.s32 @!p0 $0x1082;
	s9 =	sld [smem:$0x3FB7]  }
0x2f: {  	lr =	sadd.s32 s0, s3;
	s0 =	sld [smem:$0x3FAE]  }
0x30: {  	s3 =	sld [smem:$0x3FB1]  }
0x31: {  	[smem:$0x3FBA] =	sst s10  }
0x32: {  	s10 =	sld [smem:$0x3FB8];
	_ =	sdelay $0x3  }
0x33: {  	p0 =	seq.s32 s10, $0x1;
	s10 =	sld [smem:$0x3FBA];
	_ =	sdelay $0x3  }
0x34: {  	[smem:$0x3FBA] =	sst s10  }
0x35: {  	s10 =	sld [smem:$0x3FB9];
	_ =	sdelay $0x3  }
0x36: {  	p1 =	seq.s32 s10, $0x1;
	s10 =	sld [smem:$0x3FBA];
	_ =	sdelay $0x3  }
0x37: {  	[smem:$0x3FBA] =	sst s10  }
0x38: {  	s10 =	sld [smem:$0x3FBB]  }
0x39: {  	_ = 	snop;
	(pc) =	sbr.ind lr, $3  }
0x3a: {  	_ = 	snop  }
0x3b: {  	_ = 	snop  }
0x3c: {  	p2 =	seq.s32 s10, $0x1;
	s10 =	sld [smem:$0x3FBA]  }
0x3d: {  	_ =	shalt  }
0x3e: {  	_ =	shalt  }
0x3f: {  	_ =	shalt  }
0x40: {  	_ =	shalt  }
0x41: {  	_ =	shalt  }
0x42: {  	_ =	shalt  }
0x43: {  	_ =	shalt  }
0x44: {  	_ =	shalt  }
0x45: {  	_ =	shalt  }
0x46: {  	_ =	shalt  }
0x47: {  	_ =	shalt  }
0x48: {  	_ =	shalt  }
0x49: {  	_ =	shalt  }
0x4a: {  	_ =	shalt  }
0x4b: {  	_ =	shalt  }
0x4c: {  	_ =	shalt  }
0x4d: {  	_ =	shalt  }
0x4e: {  	_ =	shalt  }
0x4f: {  	_ =	shalt  }
0x50: {  	_ =	shalt  }
0x51: {  	_ =	shalt  }
0x52: {  	_ =	shalt  }
0x53: {  	_ =	shalt  }
0x54: {  	_ =	shalt  }
0x55: {  	_ =	shalt  }
0x56: {  	_ =	shalt  }
0x57: {  	_ =	shalt  }
0x58: {  	_ =	shalt  }
0x59: {  	_ =	shalt  }
0x5a: {  	_ =	shalt  }
0x5b: {  	_ =	shalt  }
0x5c: {  	_ =	shalt  }
0x5d: {  	_ =	shalt  }
0x5e: {  	_ =	shalt  }
0x5f: {  	_ =	shalt  }
0x60: {  	_ =	shalt  }
0x61: {  	_ =	shalt  }
0x62: {  	_ =	shalt  }
0x63: {  	_ =	shalt  }
0x64: {  	_ =	shalt  }
0x65: {  	_ =	shalt  }
0x66: {  	_ =	shalt  }
0x67: {  	_ =	shalt  }
0x68: {  	_ =	shalt  }
0x69: {  	_ =	shalt  }
0x6a: {  	_ =	shalt  }
0x6b: {  	_ =	shalt  }
0x6c: {  	_ =	shalt  }
0x6d: {  	_ =	shalt  }
0x6e: {  	_ =	shalt  }
0x6f: {  	_ =	shalt  }
0x70: {  	_ =	shalt  }
0x71: {  	_ =	shalt  }
0x72: {  	_ =	shalt  }
0x73: {  	_ =	shalt  }
0x74: {  	_ =	shalt  }
0x75: {  	_ =	shalt  }
0x76: {  	_ =	shalt  }
0x77: {  	_ =	shalt  }
0x78: {  	_ =	shalt  }
0x79: {  	_ =	shalt  }
0x7a: {  	_ =	shalt  }
0x7b: {  	_ =	shalt  }
0x7c: {  	_ =	shalt  }
0x7d: {  	_ =	shalt  }
0x7e: {  	_ =	shalt  }
0x7f: {  	_ =	shalt  }
0x80: {  	_ =	shalt  }
0x81: {  	_ =	shalt  }
0x82: {  	_ =	shalt  }
0x83: {  	_ =	shalt  }
0x84: {  	_ =	shalt  }
0x85: {  	_ =	shalt  }
0x86: {  	_ =	shalt  }
0x87: {  	_ =	shalt  }
.Lfunc_end0:
.L_simem_size_0:
called_computation.2_lowered:
.L_overlay_start_0:
0x88: {  	s2 =	sld [smem:$0x3FD9]  }
0x89: {  	s3 =	sld [smem:$0x3FFE];
	_ =	sdelay $0x1  }
0x8a: {  	s1 =	srdreg.scid  }
0x8b: {  	s0 =	sand.u32 $0x1, s1  }
0x8c: {  	s16 =	sshll.u32 s0, $0xA;
	s2 =	sadd.s32 s3, s2  }
0x8d: {  	s2 =	sadd.s32 s2, s16  }
0x8e: {  	[smem:$0x3FC6] =	sst s2  }
0x8f: {  	_ = 	snop  }
0x90: {  	(tm) =	ssettm $0x1  }
0x91: {  	s17 =	sld [smem:$0x3FFB];
	_ =	sdelay $0x3  }
0x92: {  	_ =	strace s17  }
0x93: {  	s2 =	sld [smem:$0x3FFC];
	_ =	sdelay $0x3  }
0x94: {  	_ =	strace s2  }
0x95: {  	s2 =	sld [smem:$0x3FFD];
	_ =	sdelay $0x3  }
0x96: {  	_ =	strace s2  }
0x97: {  	_ =	strace $0x8FFFFFFF  }
0x98: {  	s18 =	sld [smem:$0x3FDB];
	_ =	sdelay $0x1  }
0x99: {  	s19 =	simm.s32 $_scs_section_size  }
0x9a: {  	s4 =	simm.s32 $_size__tile_overlayer_lowered;
	s5 =	simm.s32 $_tile_overlayer_lowered  }
0x9b: {  	s22 =	simm.s32 $0x1BFF;
	s21 =	sshll.u32 s5, $0x1;
	s2 =	sadd.s32 s19, s18  }
0x9c: {  	s6 =	simm.s32 $0x0;
	s20 =	sshll.u32 s4, $0x1;
	s4 =	sadd.s32 s21, s2  }
0x9d: {  	[timem:s6], [sflag:s22] =	dma.local [hbm:s4], s20  }
0x9e: {  	_ =	swait.ge [sflag:s22], s20  }
0x9f: {  	s3 =	ssub.s32 $0x0, s20;
	[sflag:s22] =	ssyncset.done $0x0  }
0xa0: {  	[sflag:s22] =	ssyncadd.s32 s3;
	_ =	sdelay $0x1  }
0xa1: {  	s23 =	simm.s32 $0x1B8B  }
0xa2: {  	_ =	swait.ge [sflag:s23], $0x1  }
0xa3: {  	[sflag:s23] =	ssyncset.done $0x0  }
0xa4: {  	s25 =	simm.s32 $0x1B8E;
	s24 =	sld [smem:$0x3FFE];
	[sflag:s23] =	ssyncadd.s32 $0xFFFFFFFF  }
0xa5: {  	s26 =	simm.s32 $execute0_lowered;
	[smem:$0x3FD2] =	sst s25  }
0xa6: {  	s4 =	sshll.u32 s26, $0x1;
	_ =	strace $0x80000046;
	[dreg:$0x1] =	wrdreg $0xFFFFFFFF  }
0xa7: {  	s28 =	simm.s32 $_size_execute0_lowered;
	s2 =	sadd.s32 s2, s4;
	[dreg:$0x0] =	wrdreg $0x0  }
0xa8: {  	s4 =	sshll.u32 s28, $0x1;
	[dreg:$0x2] =	wrdreg s2  }
0xa9: {  	[dreg:$0x3] =	wrdreg s4  }
0xaa: {  	[dreg:$0x4] =	wrdreg $0xC0  }
0xab: {  	_ =	task [dreg:s6], $0x5FFFF  }
0xac: {  	[dreg:$0x1] =	wrdreg $0xFFFFFFFF  }
0xad: {  	[dreg:$0x0] =	wrdreg $0x60  }
0xae: {  	[dreg:$0x2] =	wrdreg s24  }
0xaf: {  	[dreg:$0x3] =	wrdreg $0xFF000  }
0xb0: {  	[dreg:$0x4] =	wrdreg $0xA  }
0xb1: {  	_ =	task.clear_ibuf [dreg:s6], $0x5FFFF;
	_ =	strace $0x90000046  }
0xb2: {  	s29 =	simm.s32 $0xA;
	_ =	strace $0x80000048  }
0xb3: {  	_ =	swait.ge [sflag:s29], $0x1  }
0xb4: {  	[sflag:s29] =	ssyncadd.s32 $0xFFFFFFFF  }
0xb5: {  	_ =	strace $0x90000048  }
0xb6: {  	_ =	sfence  }
0xb7: {  	s30 =	sld [smem:$0x0];
	_ =	sdelay $0x2  }
0xb8: {  	s31 =	sshll.u32 s1, $0xD;
	s1 =	sshrl.u32 s1, $0x2  }
0xb9: {  	s3 =	sand.u32 $0x4000, s31;
	s1 =	sadd.s32 s1, s30  }
0xba: {  	s0 =	sor.u32 s3, s0;
	s1 =	sshll.u32 s1, $0x11  }
0xbb: {  	s0 =	sor.u32 s1, s0  }
0xbc: {  	s0 =	sadd.s32 $0x8F2B, s0  }
0xbd: {  	[sflag:s0] =	ssyncadd.remote.s32 $0x1  }
0xbe: {  	_ =	sfence.sel $0xFFFF  }
0xbf: {  	[dreg:$0x0] =	wrdreg $0xFFFFFFFF;
	(pc) =	sbr.abs _section_cstart, $3  }
0xc0: {  	[dreg:$0x1] =	wrdreg $0xFFFFFFFF  }
0xc1: {  	_ =	task.clear_ibuf [dreg:s6], $0x2FFFF;
	_ =	strace $0x9FFFFFFF  }
0xc2: {  	(tm) =	ssettm $0x7FFFFFFF  }
0xc3: {  	_ =	shalt  }
tec
execute0_lowered:
.L_overlay_start_1:
0x0: {  	(tag) =	ssettag $0x1  }
0x1: {  	s0 =	srdreg.scid  }
0x2: {  	s3 =	stileid.u32;
	s4 =	rddreg [dreg:$0x0]  }
0x3: {  	s2 =	simm.s32 $0x0;
	s28 =	simm.s32 $0xA140;
	s30 =	simm.s32 $0xC080  }
0x4: {  	s29 =	simm.s32 $0x4;
	s31 =	simm.s32 $0x5;
	s10 =	simm.s32 $0xE  }
0x5: {  	s11 =	simm.s32 $0xF;
	s13 =	simm.s32 $0x0;
	s0 =	sand.u32 $0x1, s0  }
0x6: {  	s1 =	sshll.u32 s3, $0x1;
	[smem:$0x7FF] =	sst s2;
	s22 =	smul.u32 $0x4E200, s3  }
0x7: {  	s5 =	sor.u32 s0, s1;
	s7 =	ssub.s32 $0x2, s0;
	s0 =	smul.u32 $0x27100, s0  }
0x8: {  	s8 =	sadd.s32 $0x20E00, s4;
	p0 =	sne.s32 s3, $0x0;
	s6 =	smul.u32 $0x500, s5  }
0x9: {  	s1 =	rddreg [dreg:$0x1];
	s5 =	smul.u32 $0x138800, s5;
	s26 =	sadd.s32 s22, s8  }
0xa: {  	_ =	strace $0x80000047;
	s0 =	sadd.s32 s0, s26;
	s6 =	sshrl.u32 s6, $0x3  }
0xb: {  	s5 =	sshrl.u32 s5, $0x3;
	s14 =	sadd.s32 $0x1B58, s0;
	s0 =	sshrl.u32 @!p0 s1, $0x3  }
0xc: {  	s6 =	sadd.s32 s6, s4;
	s4 =	sadd.s32 $0x2400, s4;
	[dreg:$0xe] =	wrdreg s0  }
0xd: {  	s5 =	sadd.s32 s8, s5;
	[dreg:$0x3] =	wrdreg s4;
	s6 =	sadd.s32 $0x1000, s6  }
0xe: {  	s3 =	simm.s32 $0x6;
	s18 =	sadd.s32 $0x251C0, s5;
	[dreg:$0x4] =	wrdreg s6  }
0xf: {  	s9 =	sshrl.u32 s7, $0x1;
	s19 =	sadd.s32 $0x255A8, s5;
	[dreg:$0x5] =	wrdreg s18  }
0x10: {  	s22 =	simm.s32 $0x1;
	s20 =	sadd.s32 $0x25990, s5;
	[dreg:$0x6] =	wrdreg s19  }
0x11: {  	s17 =	ssub.s32 s7, s9;
	s21 =	sadd.s32 $0x25D78, s5;
	[dreg:$0x7] =	wrdreg s20  }
0x12: {  	s26 =	simm.s32 $0x3;
	s23 =	sadd.s32 $0x26160, s5;
	[dreg:$0x8] =	wrdreg s21  }
0x13: {  	s7 =	simm.s32 $0xB;
	s24 =	sadd.s32 $0x26548, s5;
	[dreg:$0x9] =	wrdreg s23  }
0x14: {  	s9 =	simm.s32 $0xD;
	s25 =	sadd.s32 $0x26930, s5;
	[dreg:$0xa] =	wrdreg s24  }
0x15: {  	s0 =	simm.s32 $0xDFC0;
	s5 =	sadd.s32 $0x26D18, s5;
	[dreg:$0xb] =	wrdreg s25  }
0x16: {  	s8 =	simm.s32 $0xC;
	s4 =	smax.u32 s17, $0x1;
	[dreg:$0xc] =	wrdreg s5  }
0x17: {  	s17 =	simm.s32 $0x8;
	[dreg:$0xd] =	wrdreg s4;
	s18 =	simm.s32 $0x500  }
0x18: {  	s19 =	simm.s32 $0x2440;
	s20 =	simm.s32 $0x10;
	s21 =	simm.s32 $0x4380  }
0x19: {  	s23 =	simm.s32 $0x62C0;
	s25 =	simm.s32 $0x8200;
	s24 =	simm.s32 $0x2  }
0x1a: {  	s4 =	simm.s32 $0x7;
	s5 =	simm.s32 $0x9;
	s6 =	simm.s32 $0xA  }
.LBB2_1:
0x1b: {  	[dreg:$0xf] =	wrdreg s13  }
0x1c: {  	s12 =	rddreg [dreg:$0x3]  }
0x1d: {  	s13 =	simm.s32 @!p0 $0x1C11;
	s15 =	rddreg [dreg:$0xe]  }
0x1e: {  	[spmem:s15], [sflag:s13] =	dma.local @!p0 [hbm:s12], $0x1E848  }
0x1f: {  	s13 =	simm.s32 @!p0 $0x11  }
0x20: {  	_ =	swait.ge @!p0 [sflag:s13], $0x1E848  }
0x21: {  	[sflag:s13] =	ssyncset.done @!p0 $0x0  }
0x22: {  	s15 =	simm.s32 $0x11;
	[sflag:s13] =	ssyncadd.s32 @!p0 $0xFFFE17B8;
	s13 =	rddreg [dreg:$0x4]  }
0x23: {  	[tilespmem:s2], [sflag:$0x11] =	stream.linear.gather [hbm4b:s13+s2], $0x500, $0x38;
	[tilespmem:$0x1F328] =	vst v63  }
0x24: {  	_ =	swait.ge [sflag:s15], $0x500  }
0x25: {  	[sflag:s15] =	ssyncset.done $0x0  }
0x26: {  	[sflag:s15] =	ssyncadd.s32 $0xFFFFFB00  }
0x27: {  	[bflag:$0x0] =	sbarrier.arrive $0xFFFF  }
0x28: {  	[tilespmem:s18], [sflag:$0x1] =	stream.indirect.gather [spmem:s1], $0x3E8, s2, s17, $0xb8;
	[tilespmem:$0x1F328] =	vst v63  }
0x29: {  	_ = 	snop  }
0x2a: {  	[tilespmem:s19], [sflag:$0x2] =	stream.indirect.gather [spmem:s1], $0x3E8, s17, s17, $0xb8;
	[tilespmem:$0x1F328] =	vst v63  }
0x2b: {  	_ = 	snop  }
0x2c: {  	[tilespmem:s21], [sflag:$0x3] =	stream.indirect.gather [spmem:s1], $0x3E8, s20, s17, $0xb8;
	[tilespmem:$0x1F328] =	vst v63  }
0x2d: {  	s16 =	simm.s32 $0x18  }
0x2e: {  	[tilespmem:s23], [sflag:$0x4] =	stream.indirect.gather [spmem:s1], $0x3E8, s16, s17, $0xb8;
	[tilespmem:$0x1F328] =	vst v63  }
0x2f: {  	s13 =	simm.s32 $0x20  }
0x30: {  	[tilespmem:s25], [sflag:$0x5] =	stream.indirect.gather [spmem:s1], $0x3E8, s13, s17, $0xb8;
	[tilespmem:$0x1F328] =	vst v63  }
0x31: {  	s15 =	simm.s32 $0x28  }
0x32: {  	[tilespmem:s28], [sflag:$0x6] =	stream.indirect.gather [spmem:s1], $0x3E8, s15, s17, $0xb8;
	[tilespmem:$0x1F328] =	vst v63  }
0x33: {  	s16 =	simm.s32 $0x30  }
0x34: {  	[tilespmem:s30], [sflag:$0x7] =	stream.indirect.gather [spmem:s1], $0x3E8, s16, s17, $0xb8;
	[tilespmem:$0x1F328] =	vst v63  }
0x35: {  	s13 =	simm.s32 $0x38  }
0x36: {  	[tilespmem:s0], [sflag:$0x8] =	stream.indirect.gather [spmem:s1], $0x3E8, s13, s17, $0xb8;
	[tilespmem:$0x1F328] =	vst v63  }
0x37: {  	_ =	swait.ge [sflag:s22], $0x1F40  }
0x38: {  	[sflag:s22] =	ssyncset.done $0x0  }
0x39: {  	s15 =	sadd.s32 $0xFFFFE4A8, s14;
	[sflag:s22] =	ssyncadd.s32 $0xFFFFE0C0  }
0x3a: {  	[hbm4b:s15+s2] =	stream.linear.scatter [tilespmem:s18], [sflag:$0x9], $0x1F40, $0x38;
	[tilespmem:$0x1F328] =	vst v63  }
0x3b: {  	_ =	swait.ge [sflag:s24], $0x1F40  }
0x3c: {  	[sflag:s24] =	ssyncset.done $0x0  }
0x3d: {  	s16 =	sadd.s32 $0xFFFFE890, s14;
	[sflag:s24] =	ssyncadd.s32 $0xFFFFE0C0  }
0x3e: {  	[hbm4b:s16+s2] =	stream.linear.scatter [tilespmem:s19], [sflag:$0xA], $0x1F40, $0x38;
	[tilespmem:$0x1F328] =	vst v63  }
0x3f: {  	_ =	swait.ge [sflag:s26], $0x1F40  }
0x40: {  	[sflag:s26] =	ssyncset.done $0x0  }
0x41: {  	s12 =	sadd.s32 $0xFFFFEC78, s14;
	[sflag:s26] =	ssyncadd.s32 $0xFFFFE0C0  }
0x42: {  	[hbm4b:s12+s2] =	stream.linear.scatter [tilespmem:s21], [sflag:$0xB], $0x1F40, $0x38;
	[tilespmem:$0x1F328] =	vst v63  }
0x43: {  	_ =	swait.ge [sflag:s29], $0x1F40  }
0x44: {  	[sflag:s29] =	ssyncset.done $0x0  }
0x45: {  	s15 =	sadd.s32 $0xFFFFF060, s14;
	[sflag:s29] =	ssyncadd.s32 $0xFFFFE0C0  }
0x46: {  	[hbm4b:s15+s2] =	stream.linear.scatter [tilespmem:s23], [sflag:$0xC], $0x1F40, $0x38;
	[tilespmem:$0x1F328] =	vst v63  }
0x47: {  	_ =	swait.ge [sflag:s31], $0x1F40  }
0x48: {  	[sflag:s31] =	ssyncset.done $0x0  }
0x49: {  	s16 =	sadd.s32 $0xFFFFF448, s14;
	[sflag:s31] =	ssyncadd.s32 $0xFFFFE0C0  }
0x4a: {  	[hbm4b:s16+s2] =	stream.linear.scatter [tilespmem:s25], [sflag:$0xD], $0x1F40, $0x38;
	[tilespmem:$0x1F328] =	vst v63  }
0x4b: {  	_ =	swait.ge [sflag:s3], $0x1F40  }
0x4c: {  	[sflag:s3] =	ssyncset.done $0x0  }
0x4d: {  	s12 =	sadd.s32 $0xFFFFF830, s14;
	[sflag:s3] =	ssyncadd.s32 $0xFFFFE0C0  }
0x4e: {  	[hbm4b:s12+s2] =	stream.linear.scatter [tilespmem:s28], [sflag:$0xE], $0x1F40, $0x38;
	[tilespmem:$0x1F328] =	vst v63  }
0x4f: {  	_ =	swait.ge [sflag:s4], $0x1F40  }
0x50: {  	[sflag:s4] =	ssyncset.done $0x0  }
0x51: {  	s15 =	sadd.s32 $0xFFFFFC18, s14;
	[sflag:s4] =	ssyncadd.s32 $0xFFFFE0C0  }
0x52: {  	[hbm4b:s15+s2] =	stream.linear.scatter [tilespmem:s30], [sflag:$0xF], $0x1F40, $0x38;
	[tilespmem:$0x1F328] =	vst v63  }
0x53: {  	_ =	swait.ge [sflag:s17], $0x1F40  }
0x54: {  	[sflag:s17] =	ssyncset.done $0x0  }
0x55: {  	[sflag:s17] =	ssyncadd.s32 $0xFFFFE0C0  }
0x56: {  	[hbm4b:s14+s2] =	stream.linear.scatter [tilespmem:s0], [sflag:$0x10], $0x1F40, $0x38;
	[tilespmem:$0x1F328] =	vst v63  }
0x57: {  	_ =	swait.ge [sflag:s5], $0x1F40  }
0x58: {  	[sflag:s5] =	ssyncset.done $0x0  }
0x59: {  	s16 =	simm.s32 $0x40;
	[sflag:s5] =	ssyncadd.s32 $0xFFFFE0C0  }
0x5a: {  	[tilespmem:s18], [sflag:$0x1] =	stream.indirect.gather [spmem:s1], $0x3E8, s16, s17, $0xb8;
	[tilespmem:$0x1F328] =	vst v63  }
0x5b: {  	_ =	swait.ge [sflag:s6], $0x1F40  }
0x5c: {  	[sflag:s6] =	ssyncset.done $0x0  }
0x5d: {  	s12 =	simm.s32 $0x48;
	[sflag:s6] =	ssyncadd.s32 $0xFFFFE0C0  }
0x5e: {  	[tilespmem:s19], [sflag:$0x2] =	stream.indirect.gather [spmem:s1], $0x3E8, s12, s17, $0xb8;
	[tilespmem:$0x1F328] =	vst v63  }
0x5f: {  	_ =	swait.ge [sflag:s7], $0x1F40  }
0x60: {  	[sflag:s7] =	ssyncset.done $0x0  }
0x61: {  	s15 =	simm.s32 $0x50;
	[sflag:s7] =	ssyncadd.s32 $0xFFFFE0C0  }
0x62: {  	[tilespmem:s21], [sflag:$0x3] =	stream.indirect.gather [spmem:s1], $0x3E8, s15, s17, $0xb8;
	[tilespmem:$0x1F328] =	vst v63  }
0x63: {  	_ =	swait.ge [sflag:s8], $0x1F40  }
0x64: {  	[sflag:s8] =	ssyncset.done $0x0  }
0x65: {  	s16 =	simm.s32 $0x58;
	[sflag:s8] =	ssyncadd.s32 $0xFFFFE0C0  }
0x66: {  	[tilespmem:s23], [sflag:$0x4] =	stream.indirect.gather [spmem:s1], $0x3E8, s16, s17, $0xb8;
	[tilespmem:$0x1F328] =	vst v63  }
0x67: {  	_ =	swait.ge [sflag:s9], $0x1F40  }
0x68: {  	[sflag:s9] =	ssyncset.done $0x0  }
0x69: {  	s12 =	simm.s32 $0x60;
	[sflag:s9] =	ssyncadd.s32 $0xFFFFE0C0  }
0x6a: {  	[tilespmem:s25], [sflag:$0x5] =	stream.indirect.gather [spmem:s1], $0x3E8, s12, s17, $0xb8;
	[tilespmem:$0x1F328] =	vst v63  }
0x6b: {  	_ =	swait.ge [sflag:s10], $0x1F40  }
0x6c: {  	[sflag:s10] =	ssyncset.done $0x0  }
0x6d: {  	s15 =	simm.s32 $0x68;
	[sflag:s10] =	ssyncadd.s32 $0xFFFFE0C0  }
0x6e: {  	[tilespmem:s28], [sflag:$0x6] =	stream.indirect.gather [spmem:s1], $0x3E8, s15, s17, $0xb8;
	[tilespmem:$0x1F328] =	vst v63  }
0x6f: {  	_ =	swait.ge [sflag:s11], $0x1F40  }
0x70: {  	[sflag:s11] =	ssyncset.done $0x0  }
0x71: {  	s16 =	simm.s32 $0x70;
	[sflag:s11] =	ssyncadd.s32 $0xFFFFE0C0  }
0x72: {  	[tilespmem:s30], [sflag:$0x7] =	stream.indirect.gather [spmem:s1], $0x3E8, s16, s17, $0xb8;
	[tilespmem:$0x1F328] =	vst v63  }
0x73: {  	_ =	swait.ge [sflag:s20], $0x1F40  }
0x74: {  	s13 =	simm.s32 $0x100;
	[sflag:s20] =	ssyncset.done $0x0  }
0x75: {  	s15 =	sadd.s32 $0x1F40, s14;
	s16 =	simm.s32 $0x78;
	[sflag:s20] =	ssyncadd.s32 $0xFFFFE0C0  }
.LBB2_2:
0x76: {  	[tilespmem:s0], [sflag:$0x8] =	stream.indirect.gather [spmem:s1], $0x3E8, s16, s17, $0xb8;
	[tilespmem:$0x1F328] =	vst v63  }
0x77: {  	s16 =	smov.u32 s13  }
0x78: {  	p1 =	sne.s32 s13, $0x1200;
	s13 =	sadd.s32 $0x100, s13;
	_ =	swait.ge [sflag:s22], $0x1F40  }
0x79: {  	[sflag:s22] =	ssyncset.done $0x0  }
0x7a: {  	s12 =	sadd.s32 $0xFFFFE4A8, s15;
	[sflag:s22] =	ssyncadd.s32 $0xFFFFE0C0  }
0x7b: {  	[hbm4b:s12+s2] =	stream.linear.scatter [tilespmem:s18], [sflag:$0x9], $0x1F40, $0x38;
	[tilespmem:$0x1F328] =	vst v63  }
0x7c: {  	_ =	swait.ge [sflag:s24], $0x1F40  }
0x7d: {  	[sflag:s24] =	ssyncset.done $0x0  }
0x7e: {  	s12 =	sadd.s32 $0xFFFFE890, s15;
	[sflag:s24] =	ssyncadd.s32 $0xFFFFE0C0  }
0x7f: {  	[hbm4b:s12+s2] =	stream.linear.scatter [tilespmem:s19], [sflag:$0xA], $0x1F40, $0x38;
	[tilespmem:$0x1F328] =	vst v63  }
0x80: {  	_ =	swait.ge [sflag:s26], $0x1F40  }
0x81: {  	[sflag:s26] =	ssyncset.done $0x0  }
0x82: {  	s12 =	sadd.s32 $0xFFFFEC78, s15;
	[sflag:s26] =	ssyncadd.s32 $0xFFFFE0C0  }
0x83: {  	[hbm4b:s12+s2] =	stream.linear.scatter [tilespmem:s21], [sflag:$0xB], $0x1F40, $0x38;
	[tilespmem:$0x1F328] =	vst v63  }
0x84: {  	_ =	swait.ge [sflag:s29], $0x1F40  }
0x85: {  	[sflag:s29] =	ssyncset.done $0x0  }
0x86: {  	s12 =	sadd.s32 $0xFFFFF060, s15;
	[sflag:s29] =	ssyncadd.s32 $0xFFFFE0C0  }
0x87: {  	[hbm4b:s12+s2] =	stream.linear.scatter [tilespmem:s23], [sflag:$0xC], $0x1F40, $0x38;
	[tilespmem:$0x1F328] =	vst v63  }
0x88: {  	_ =	swait.ge [sflag:s31], $0x1F40  }
0x89: {  	[sflag:s31] =	ssyncset.done $0x0  }
0x8a: {  	s12 =	sadd.s32 $0xFFFFF448, s15;
	[sflag:s31] =	ssyncadd.s32 $0xFFFFE0C0  }
0x8b: {  	[hbm4b:s12+s2] =	stream.linear.scatter [tilespmem:s25], [sflag:$0xD], $0x1F40, $0x38;
	[tilespmem:$0x1F328] =	vst v63  }
0x8c: {  	_ =	swait.ge [sflag:s3], $0x1F40  }
0x8d: {  	[sflag:s3] =	ssyncset.done $0x0  }
0x8e: {  	s12 =	sadd.s32 $0xFFFFF830, s15;
	[sflag:s3] =	ssyncadd.s32 $0xFFFFE0C0  }
0x8f: {  	[hbm4b:s12+s2] =	stream.linear.scatter [tilespmem:s28], [sflag:$0xE], $0x1F40, $0x38;
	[tilespmem:$0x1F328] =	vst v63  }
0x90: {  	_ =	swait.ge [sflag:s4], $0x1F40  }
0x91: {  	[sflag:s4] =	ssyncset.done $0x0  }
0x92: {  	s12 =	sadd.s32 $0xFFFFFC18, s15;
	[sflag:s4] =	ssyncadd.s32 $0xFFFFE0C0  }
0x93: {  	[hbm4b:s12+s2] =	stream.linear.scatter [tilespmem:s30], [sflag:$0xF], $0x1F40, $0x38;
	[tilespmem:$0x1F328] =	vst v63  }
0x94: {  	_ =	swait.ge [sflag:s17], $0x1F40  }
0x95: {  	[sflag:s17] =	ssyncset.done $0x0  }
0x96: {  	[sflag:s17] =	ssyncadd.s32 $0xFFFFE0C0  }
0x97: {  	[hbm4b:s15+s2] =	stream.linear.scatter [tilespmem:s0], [sflag:$0x10], $0x1F40, $0x38;
	[tilespmem:$0x1F328] =	vst v63  }
0x98: {  	_ =	swait.ge [sflag:s5], $0x1F40  }
0x99: {  	s16 =	sshra.s32 s16, $0x2;
	[sflag:s5] =	ssyncset.done $0x0  }
0x9a: {  	s12 =	sadd.s32 $0x40, s16;
	[sflag:s5] =	ssyncadd.s32 $0xFFFFE0C0  }
0x9b: {  	[tilespmem:s18], [sflag:$0x1] =	stream.indirect.gather [spmem:s1], $0x3E8, s12, s17, $0xb8;
	[tilespmem:$0x1F328] =	vst v63  }
0x9c: {  	_ =	swait.ge [sflag:s6], $0x1F40  }
0x9d: {  	[sflag:s6] =	ssyncset.done $0x0  }
0x9e: {  	s12 =	sadd.s32 $0x48, s16;
	[sflag:s6] =	ssyncadd.s32 $0xFFFFE0C0  }
0x9f: {  	[tilespmem:s19], [sflag:$0x2] =	stream.indirect.gather [spmem:s1], $0x3E8, s12, s17, $0xb8;
	[tilespmem:$0x1F328] =	vst v63  }
0xa0: {  	_ =	swait.ge [sflag:s7], $0x1F40  }
0xa1: {  	[sflag:s7] =	ssyncset.done $0x0  }
0xa2: {  	s12 =	sadd.s32 $0x50, s16;
	[sflag:s7] =	ssyncadd.s32 $0xFFFFE0C0  }
0xa3: {  	[tilespmem:s21], [sflag:$0x3] =	stream.indirect.gather [spmem:s1], $0x3E8, s12, s17, $0xb8;
	[tilespmem:$0x1F328] =	vst v63  }
0xa4: {  	_ =	swait.ge [sflag:s8], $0x1F40  }
0xa5: {  	[sflag:s8] =	ssyncset.done $0x0  }
0xa6: {  	s12 =	sadd.s32 $0x58, s16;
	[sflag:s8] =	ssyncadd.s32 $0xFFFFE0C0  }
0xa7: {  	[tilespmem:s23], [sflag:$0x4] =	stream.indirect.gather [spmem:s1], $0x3E8, s12, s17, $0xb8;
	[tilespmem:$0x1F328] =	vst v63  }
0xa8: {  	_ =	swait.ge [sflag:s9], $0x1F40  }
0xa9: {  	[sflag:s9] =	ssyncset.done $0x0  }
0xaa: {  	s12 =	sadd.s32 $0x60, s16;
	[sflag:s9] =	ssyncadd.s32 $0xFFFFE0C0  }
0xab: {  	[tilespmem:s25], [sflag:$0x5] =	stream.indirect.gather [spmem:s1], $0x3E8, s12, s17, $0xb8;
	[tilespmem:$0x1F328] =	vst v63  }
0xac: {  	_ =	swait.ge [sflag:s10], $0x1F40  }
0xad: {  	[sflag:s10] =	ssyncset.done $0x0  }
0xae: {  	s12 =	sadd.s32 $0x68, s16;
	[sflag:s10] =	ssyncadd.s32 $0xFFFFE0C0  }
0xaf: {  	[tilespmem:s28], [sflag:$0x6] =	stream.indirect.gather [spmem:s1], $0x3E8, s12, s17, $0xb8;
	[tilespmem:$0x1F328] =	vst v63  }
0xb0: {  	_ =	swait.ge [sflag:s11], $0x1F40  }
0xb1: {  	[sflag:s11] =	ssyncset.done $0x0  }
.Ltmp0:
0xb2: {  	s12 =	sadd.s32 $0x70, s16;
	[sflag:s11] =	ssyncadd.s32 $0xFFFFE0C0;
	(pc) =	sbr.rel @p1 .LBB2_2-.Ltmp0, $4  }
0xb3: {  	[tilespmem:s30], [sflag:$0x7] =	stream.indirect.gather [spmem:s1], $0x3E8, s12, s17, $0xb8;
	[tilespmem:$0x1F328] =	vst v63  }
0xb4: {  	_ =	swait.ge [sflag:s20], $0x1F40  }
0xb5: {  	[sflag:s20] =	ssyncset.done $0x0  }
0xb6: {  	s15 =	sadd.s32 $0x1F40, s15;
	s16 =	sadd.s32 $0x78, s16;
	[sflag:s20] =	ssyncadd.s32 $0xFFFFE0C0  }
0xb7: {  	[tilespmem:s0], [sflag:$0x8] =	stream.indirect.gather [spmem:s1], $0x3E8, s16, s17, $0xb8;
	[tilespmem:$0x1F328] =	vst v63  }
0xb8: {  	_ =	swait.ge [sflag:s22], $0x1F40  }
0xb9: {  	[sflag:s22] =	ssyncset.done $0x0  }
0xba: {  	s12 =	rddreg [dreg:$0x5];
	[sflag:s22] =	ssyncadd.s32 $0xFFFFE0C0  }
0xbb: {  	[hbm4b:s12+s2] =	stream.linear.scatter [tilespmem:s18], [sflag:$0x9], $0x1F40, $0x38;
	[tilespmem:$0x1F328] =	vst v63  }
0xbc: {  	_ =	swait.ge [sflag:s24], $0x1F40  }
0xbd: {  	[sflag:s24] =	ssyncset.done $0x0  }
0xbe: {  	s15 =	rddreg [dreg:$0x6];
	[sflag:s24] =	ssyncadd.s32 $0xFFFFE0C0  }
0xbf: {  	[hbm4b:s15+s2] =	stream.linear.scatter [tilespmem:s19], [sflag:$0xA], $0x1F40, $0x38;
	[tilespmem:$0x1F328] =	vst v63  }
0xc0: {  	_ =	swait.ge [sflag:s26], $0x1F40  }
0xc1: {  	[sflag:s26] =	ssyncset.done $0x0  }
0xc2: {  	s16 =	rddreg [dreg:$0x7];
	[sflag:s26] =	ssyncadd.s32 $0xFFFFE0C0  }
0xc3: {  	[hbm4b:s16+s2] =	stream.linear.scatter [tilespmem:s21], [sflag:$0xB], $0x1F40, $0x38;
	[tilespmem:$0x1F328] =	vst v63  }
0xc4: {  	_ =	swait.ge [sflag:s29], $0x1F40  }
0xc5: {  	[sflag:s29] =	ssyncset.done $0x0  }
0xc6: {  	s13 =	rddreg [dreg:$0x8];
	[sflag:s29] =	ssyncadd.s32 $0xFFFFE0C0  }
0xc7: {  	[hbm4b:s13+s2] =	stream.linear.scatter [tilespmem:s23], [sflag:$0xC], $0x1F40, $0x38;
	[tilespmem:$0x1F328] =	vst v63  }
0xc8: {  	_ =	swait.ge [sflag:s31], $0x1F40  }
0xc9: {  	[sflag:s31] =	ssyncset.done $0x0  }
0xca: {  	s15 =	rddreg [dreg:$0x9];
	[sflag:s31] =	ssyncadd.s32 $0xFFFFE0C0  }
0xcb: {  	[hbm4b:s15+s2] =	stream.linear.scatter [tilespmem:s25], [sflag:$0xD], $0x1F40, $0x38;
	[tilespmem:$0x1F328] =	vst v63  }
0xcc: {  	_ =	swait.ge [sflag:s3], $0x1F40  }
0xcd: {  	[sflag:s3] =	ssyncset.done $0x0  }
0xce: {  	s16 =	rddreg [dreg:$0xa];
	[sflag:s3] =	ssyncadd.s32 $0xFFFFE0C0  }
0xcf: {  	[hbm4b:s16+s2] =	stream.linear.scatter [tilespmem:s28], [sflag:$0xE], $0x1F40, $0x38;
	[tilespmem:$0x1F328] =	vst v63  }
0xd0: {  	_ =	swait.ge [sflag:s4], $0x1F40  }
0xd1: {  	[sflag:s4] =	ssyncset.done $0x0  }
0xd2: {  	s13 =	rddreg [dreg:$0xb];
	[sflag:s4] =	ssyncadd.s32 $0xFFFFE0C0  }
0xd3: {  	[hbm4b:s13+s2] =	stream.linear.scatter [tilespmem:s30], [sflag:$0xF], $0x1F40, $0x38;
	[tilespmem:$0x1F328] =	vst v63  }
0xd4: {  	_ =	swait.ge [sflag:s17], $0x1F40  }
0xd5: {  	[sflag:s17] =	ssyncset.done $0x0  }
0xd6: {  	s15 =	rddreg [dreg:$0xc];
	[sflag:s17] =	ssyncadd.s32 $0xFFFFE0C0  }
0xd7: {  	[hbm4b:s15+s2] =	stream.linear.scatter [tilespmem:s0], [sflag:$0x10], $0x1F40, $0x38;
	[tilespmem:$0x1F328] =	vst v63  }
0xd8: {  	_ =	swait.ge [sflag:s5], $0x1F40  }
0xd9: {  	[sflag:s5] =	ssyncset.done $0x0  }
0xda: {  	[sflag:s5] =	ssyncadd.s32 $0xFFFFE0C0  }
0xdb: {  	_ =	swait.ge [sflag:s6], $0x1F40  }
0xdc: {  	[sflag:s6] =	ssyncset.done $0x0  }
0xdd: {  	[sflag:s6] =	ssyncadd.s32 $0xFFFFE0C0  }
0xde: {  	_ =	swait.ge [sflag:s7], $0x1F40  }
0xdf: {  	[sflag:s7] =	ssyncset.done $0x0  }
0xe0: {  	[sflag:s7] =	ssyncadd.s32 $0xFFFFE0C0  }
0xe1: {  	_ =	swait.ge [sflag:s8], $0x1F40  }
0xe2: {  	[sflag:s8] =	ssyncset.done $0x0  }
0xe3: {  	[sflag:s8] =	ssyncadd.s32 $0xFFFFE0C0  }
0xe4: {  	_ =	swait.ge [sflag:s9], $0x1F40  }
0xe5: {  	[sflag:s9] =	ssyncset.done $0x0  }
0xe6: {  	[sflag:s9] =	ssyncadd.s32 $0xFFFFE0C0  }
0xe7: {  	_ =	swait.ge [sflag:s10], $0x1F40  }
0xe8: {  	[sflag:s10] =	ssyncset.done $0x0  }
0xe9: {  	[sflag:s10] =	ssyncadd.s32 $0xFFFFE0C0  }
0xea: {  	_ =	swait.ge [sflag:s11], $0x1F40  }
0xeb: {  	[sflag:s11] =	ssyncset.done $0x0  }
0xec: {  	[sflag:s11] =	ssyncadd.s32 $0xFFFFE0C0  }
0xed: {  	_ =	swait.ge [sflag:s20], $0x1F40  }
0xee: {  	s13 =	rddreg [dreg:$0xf]  }
0xef: {  	s16 =	rddreg [dreg:$0xd];
	s13 =	sadd.s32 $0x1, s13  }
0xf0: {  	p1 =	sne.s32 s13, s16  }
.Ltmp1:
0xf1: {  	_ = 	snop;
	(pc) =	sbr.rel @p1 .LBB2_1-.Ltmp1, $3  }
0xf2: {  	_ =	sdelay $0x1  }
0xf3: {  	[sflag:s20] =	ssyncset.done $0x0  }
0xf4: {  	[sflag:s20] =	ssyncadd.s32 $0xFFFFE0C0  }
0xf5: {  	_ =	sfence.sel $0x180000  }
0xf6: {  	[bflag:$0x0] =	sbarrier.arrive $0xFFFF  }
0xf7: {  	_ =	strace $0x90000047  }
0xf8: {  	[bflag:$0x2] =	sbarrier.arrive $0xFFFF  }
0xf9: {  	s0 =	rddreg [dreg:$0x2]  }
0xfa: {  	s0 =	sadd.s32 @!p0 $0x100000, s0  }
0xfb: {  	[sflag:s0] =	ssyncadd.tile.s32 @!p0 $0x1;
	_ =	shalt  }
.Lfunc_end2:
_tile_overlayer_lowered:
.L_overlay_start_2:
0xfc: {  	(tag) =	ssettag $0x2  }
0xfd: {  	s0 =	rddreg [dreg:$0x0];
	s2 =	stileid.u32  }
0xfe: {  	s1 =	rddreg [dreg:$0x1];
	p0 =	sne.s32 s2, $0x0  }
0xff: {  	s3 =	rddreg [dreg:$0x2];
	[bflag:$0x3] =	sbarrier.arrive $0xFFFF;
	s2 =	simm.s32 @!p0 $0x1C11  }
0x100: {  	[timem:s3], [sflag:s2] =	dma.local @!p0 [hbm:s0], s1  }
0x101: {  	s0 =	simm.s32 @!p0 $0x11  }
0x102: {  	_ =	swait.ge @!p0 [sflag:s0], s1  }
0x103: {  	s1 =	ssub.s32 @!p0 $0x0, s1;
	[sflag:s0] =	ssyncset.done @!p0 $0x0  }
0x104: {  	[sflag:s0] =	ssyncadd.s32 @!p0 s1  }
0x105: {  	[bflag:$0x3] =	sbarrier.arrive $0xFFFF  }
0x106: {  	_ =	shalt  }

// kernel: sparse-core-data-format-call.cloned.1.call-start
scs
called_computation_lowered:
.L_overlay_start_0:
0x0: {  	s2 =	sld [smem:$0x3FD9]  }
0x1: {  	s3 =	sld [smem:$0x3FFE];
	_ =	sdelay $0x1  }
0x2: {  	s1 =	srdreg.scid  }
0x3: {  	s0 =	sand.u32 $0x1, s1  }
0x4: {  	s18 =	sshll.u32 s0, $0xA;
	s2 =	sadd.s32 s3, s2  }
0x5: {  	s2 =	sadd.s32 s2, s18  }
0x6: {  	[smem:$0x3FC6] =	sst s2  }
0x7: {  	_ = 	snop  }
0x8: {  	s2 =	sld [smem:$0x3FD0];
	(tm) =	ssettm $0x1  }
0x9: {  	s19 =	sld [smem:$0x3FFB];
	_ =	sdelay $0x3  }
0xa: {  	_ =	strace s19  }
0xb: {  	s3 =	sld [smem:$0x3FFC];
	_ =	sdelay $0x3  }
0xc: {  	_ =	strace s3  }
0xd: {  	s3 =	sld [smem:$0x3FFD];
	_ =	sdelay $0x3  }
0xe: {  	_ =	strace s3  }
0xf: {  	_ =	strace $0x8FFFFFFF  }
0x10: {  	s20 =	sld [smem:$0x3FDB];
	_ =	sdelay $0x1  }
0x11: {  	s4 =	simm.s32 $_scs_section_size  }
0x12: {  	s5 =	simm.s32 $_size__tile_overlayer_lowered;
	s6 =	simm.s32 $_tile_overlayer_lowered  }
0x13: {  	s23 =	simm.s32 $0x1BFF;
	s22 =	sshll.u32 s6, $0x1;
	s3 =	sadd.s32 s4, s20  }
0x14: {  	s7 =	simm.s32 $0x0;
	s21 =	sshll.u32 s5, $0x1;
	s5 =	sadd.s32 s22, s3  }
0x15: {  	[timem:s7], [sflag:s23] =	dma.local [hbm:s5], s21  }
0x16: {  	_ =	swait.ge [sflag:s23], s21  }
0x17: {  	s4 =	ssub.s32 $0x0, s21;
	[sflag:s23] =	ssyncset.done $0x0  }
0x18: {  	[sflag:s23] =	ssyncadd.s32 s4;
	_ =	sdelay $0x1  }
0x19: {  	s24 =	simm.s32 $0x1B8B  }
0x1a: {  	_ =	swait.ge [sflag:s24], $0x1  }
0x1b: {  	[sflag:s24] =	ssyncset.done $0x0  }
0x1c: {  	s26 =	simm.s32 $0x1B8E;
	s25 =	sld [smem:$0x3FFE];
	[sflag:s24] =	ssyncadd.s32 $0xFFFFFFFF  }
0x1d: {  	s27 =	simm.s32 $execute0_lowered;
	[smem:$0x3FD2] =	sst s26  }
0x1e: {  	s5 =	sshll.u32 s27, $0x1;
	_ =	strace $0x8000004C;
	[dreg:$0x1] =	wrdreg $0xFFFFFFFF  }
0x1f: {  	s28 =	simm.s32 $_size_execute0_lowered;
	s3 =	sadd.s32 s3, s5;
	[dreg:$0x0] =	wrdreg $0x0  }
0x20: {  	s5 =	sshll.u32 s28, $0x1;
	[dreg:$0x2] =	wrdreg s3  }
0x21: {  	[dreg:$0x3] =	wrdreg s5  }
0x22: {  	[dreg:$0x4] =	wrdreg $0xC0  }
0x23: {  	_ =	task [dreg:s7], $0x5FFFF  }
0x24: {  	[dreg:$0x1] =	wrdreg $0xFFFFFFFF  }
0x25: {  	[dreg:$0x0] =	wrdreg $0x60  }
0x26: {  	[dreg:$0x2] =	wrdreg s25  }
0x27: {  	[dreg:$0x3] =	wrdreg s2  }
0x28: {  	[dreg:$0x4] =	wrdreg $0x9  }
0x29: {  	_ =	task.clear_ibuf [dreg:s7], $0x5FFFF;
	_ =	strace $0x9000004C  }
0x2a: {  	s29 =	simm.s32 $0x9;
	_ =	strace $0x8000004E  }
0x2b: {  	_ =	swait.ge [sflag:s29], $0x1  }
0x2c: {  	[sflag:s29] =	ssyncadd.s32 $0xFFFFFFFF  }
0x2d: {  	_ =	strace $0x9000004E  }
0x2e: {  	_ =	sfence  }
0x2f: {  	s30 =	sld [smem:$0x0];
	_ =	sdelay $0x2  }
0x30: {  	s31 =	sshll.u32 s1, $0xD;
	s1 =	sshrl.u32 s1, $0x2  }
0x31: {  	s3 =	sand.u32 $0x4000, s31;
	s1 =	sadd.s32 s1, s30  }
0x32: {  	s0 =	sor.u32 s3, s0;
	s1 =	sshll.u32 s1, $0x11  }
0x33: {  	s0 =	sor.u32 s1, s0  }
0x34: {  	s0 =	sadd.s32 $0x8F2B, s0  }
0x35: {  	[sflag:s0] =	ssyncadd.remote.s32 $0x1  }
0x36: {  	_ =	sfence.sel $0xFFFF  }
0x37: {  	[dreg:$0x0] =	wrdreg $0xFFFFFFFF;
	(pc) =	sbr.abs _section_cstart, $3  }
0x38: {  	[dreg:$0x1] =	wrdreg $0xFFFFFFFF  }
0x39: {  	_ =	task.clear_ibuf [dreg:s7], $0x2FFFF;
	_ =	strace $0x9FFFFFFF  }
0x3a: {  	(tm) =	ssettm $0x7FFFFFFF  }
0x3b: {  	_ =	shalt  }
tec
execute0_lowered:
.L_overlay_start_1:
0x0: {  	(tag) =	ssettag $0x1  }
0x1: {  	s0 =	srdreg.scid;
	s6 =	rddreg [dreg:$0x0]  }
0x2: {  	s3 =	rddreg [dreg:$0x1];
	s1 =	sshll.u32 s0, $0x4  }
0x3: {  	s5 =	simm.s32 $0x1;
	s0 =	stileid.u32;
	s1 =	sand.u32 $0x10, s1  }
0x4: {  	s31 =	simm.s32 $0x2;
	s16 =	simm.s32 $0x0;
	s1 =	sor.u32 s0, s1  }
0x5: {  	s8 =	simm.s32 $0x8000;
	s18 =	simm.s32 $0x0;
	s2 =	sshll.u32 s1, $0x7  }
0x6: {  	s17 =	simm.s32 $0x0;
	s9 =	simm.s32 $0x0;
	s4 =	ssub.s32 $0x1000, s2  }
0x7: {  	s10 =	simm.s32 $0x0;
	s11 =	simm.s32 $0x0;
	s30 =	sand.u32 $0xF80, s4  }
0x8: {  	s12 =	simm.s32 $0x0;
	s13 =	simm.s32 $0x0;
	p0 =	sne.s32 s30, $0x0  }
.Ltmp0:
0x9: {  	s7 =	sshrl.u32 s4, $0xC;
	s5 =	simm.s32 @!p0 $0x0;
	(pc) =	sbr.rel .LBB1_1-.Ltmp0, $4  }
0xa: {  	s15 =	simm.s32 $0x0;
	s1 =	rddreg [dreg:$0x2];
	s5 =	sadd.s32 s5, s7  }
0xb: {  	_ =	strace $0x8000004D;
	s4 =	simm.s32 $0x1;
	s5 =	smul.u32 $0xA0, s5  }
0xc: {  	s6 =	sadd.s32 $0x11E6200, s6;
	s14 =	smov.u32 s2;
	[sflag:s4] =	ssyncpa.u1 $0x0  }
0xd: {  	[sflag:s31] =	ssyncpa.u1 $0x0;
	p0 =	por $0x0, $0x0;
	s7 =	sor.u32 $0x1, s5  }
.LBB1_4:
0xe: {  	s23 =	sshra.s32 s23, $0x2;
	s30 =	sshll.u32 s9, $0xC  }
0xf: {  	p1 =	sgt.s32 s10, $0x13;
	s24 =	smov.u32 s10;
	s25 =	sshra.s32 s10, $0x1F  }
0x10: {  	s26 =	sshll.u32 s11, $0x3;
	s28 =	smov.u32 s11;
	s29 =	sshra.s32 s11, $0x1F  }
0x11: {  	s22 =	sadd.s32 s23, s22;
	s24 =	simm.s32 @!p1 $0x13;
	s25 =	sand.u32 s25, s10  }
0x12: {  	s23 =	sand.u32 $0xFFFF8000, s30;
	s27 =	sand.u32 $0xFFFFFC00, s26;
	p1 =	sgt.s32 s9, $0x368  }
0x13: {  	s31 =	sand.u32 s29, s11;
	s29 =	sshll.u32 s9, $0x7;
	s30 =	sshra.s32 s9, $0x1F  }
0x14: {  	[tilespmem:s21+$0x2040 ss:$0x81] =	vst.msk $0xffff, v4;
	s24 =	ssub.s32 s24, s25;
	s23 =	sadd.s32 s27, s23;
	s27 =	smov.u32 s9  }
0x15: {  	[tilespmem:s21+$0x2850 ss:$0x81] =	vst.msk $0xffff, v3;
	s29 =	sand.u32 $0x380, s29;
	s25 =	sadd.s32 $0xFFFFFFED, s24;
	s27 =	simm.s32 @!p1 $0x368  }
0x16: {  	v5 =	vld [tilespmem:s20+$0xFFFFFFD0];
	[tilespmem:s21+$0x3060 ss:$0x81] =	vst.msk $0xffff, v2;
	p1 =	sgt.s32 s11, $0xF80;
	s23 =	sshrl.u32 s23, $0xC;
	s24 =	ssub.s32 $0x14, s24  }
0x17: {  	v58 =	vld [tilespmem:s20+$0xFFFFFFE0];
	[tilespmem:s21+$0x0 ss:$0x81] =	vst.msk $0xffff, v1;
	s28 =	simm.s32 @!p1 $0xF80;
	p1 =	sgt.s32 s25, $0x0;
	s21 =	smulhi.u32 $0x418938, s23  }
0x18: {  	v59 =	vld [tilespmem:s20+$0xFFFFFFF0];
	s25 =	ssub.s32 s28, s31;
	s28 =	sand.u32 s30, s9;
	s24 =	simm.s32 @p1 $0x0  }
0x19: {  	v60 =	vld [tilespmem:s20+$0x0];
	s27 =	ssub.s32 s27, s28;
	s31 =	sadd.s32 $0xFFFFF080, s25;
	s25 =	ssub.s32 $0x1000, s25  }
0x1a: {  	v61 =	vld [tilespmem:s20+$0x10];
	[tilespmem:s22+$0x3870 ss:$0x81] =	vst.msk $0xffff, v0;
	s21 =	smul.u32 $0x3E8, s21;
	s28 =	sand.u32 $0x7, s11;
	p1 =	sgt.s32 s31, $0x7F  }
0x1b: {  	v62 =	vld [tilespmem:s20+$0x20];
	[tilespmem:s22+$0x810 ss:$0x81] =	vst.msk $0xffff, v5;
	s30 =	sadd.s32 $0xFFFFFC98, s27;
	s31 =	sand.u32 $0x78, s11;
	s25 =	simm.s32 @p1 $0x0  }
0x1c: {  	v63 =	vld [tilespmem:s20+$0xFFFFFFC0];
	[tilespmem:s22+$0x1020 ss:$0x81] =	vst.msk $0xffff, v58;
	p1 =	sgt.s32 s30, $0x7F;
	s30 =	sand.u32 $0xC00, s26;
	s24 =	smul.u32 s25, s24  }
0x1d: {  	[tilespmem:s22+$0x1830 ss:$0x81] =	vst.msk $0xffff, v59;
	s26 =	ssub.s32 $0x3E8, s27;
	s20 =	sor.u32 s31, s30;
	s31 =	smul.u32 $0x7D000, s10  }
0x1e: {  	[tilespmem:s22+$0x2040 ss:$0x81] =	vst.msk $0xffff, v60;
	s21 =	ssub.s32 s23, s21;
	s26 =	simm.s32 @p1 $0x0;
	s20 =	sor.u32 s29, s20  }
0x1f: {  	[tilespmem:s22+$0x2850 ss:$0x81] =	vst.msk $0xffff, v61;
	s26 =	smul.u32 s26, s24;
	s20 =	sshrl.u32 s20, $0x3;
	s27 =	sadd.s32 s3, s31  }
0x20: {  	[tilespmem:s22+$0x3060 ss:$0x81] =	vst.msk $0xffff, v62;
	s21 =	sshll.u32 s21, $0x9;
	s29 =	sshll.u32 s28, $0x12;
	s20 =	sadd.s32 s20, s27  }
0x21: {  	[tilespmem:s22+$0x0 ss:$0x81] =	vst.msk $0xffff, v63;
	s31 =	sor.u32 $0x400, s29;
	s30 =	sand.u32 $0x3FFFFFFF, s26;
	s20 =	sadd.s32 s21, s20  }
0x22: {  	[hbm4b:s20+s31] =	stream.strided.scatter [tilespmem:s19], [sflag:$0x2], s30, s8, s31, $0x20;
	[tilespmem:$0x10100] =	vst v63  }
.LBB1_5:
0x23: {  	p1 =	slt.u32 s15, $0x2  }
0x24: {  	p2 =	sgt.s32 @!p1 s18, $0x13  }
0x25: {  	s19 =	smov.u32 s18;
	s20 =	sshra.s32 @!p1 s18, $0x1F;
	p2 =	por !p2, p1  }
0x26: {  	s18 =	sand.u32 @!p1 s20, s18;
	s19 =	simm.s32 @p2 $0x13  }
0x27: {  	p3 =	sgt.s32 @!p1 s16, $0x368;
	s18 =	ssub.s32 @!p1 s19, s18  }
0x28: {  	p4 =	sgt.s32 @!p1 s17, $0xF80;
	s21 =	sshra.s32 @!p1 s17, $0x1F;
	s19 =	sadd.s32 @!p1 $0xFFFFFFED, s18  }
0x29: {  	s20 =	smov.u32 s16;
	p2 =	sgt.s32 @!p1 s19, $0x0;
	s19 =	sshra.s32 @!p1 s16, $0x1F  }
0x2a: {  	p4 =	por !p4, p1;
	s16 =	sand.u32 @!p1 s19, s16;
	s19 =	smov.u32 s17  }
0x2b: {  	p3 =	por !p3, p1;
	s17 =	sand.u32 @!p1 s21, s17;
	s19 =	simm.s32 @p4 $0xF80  }
0x2c: {  	s20 =	simm.s32 @p3 $0x368;
	s18 =	ssub.s32 @!p1 $0x14, s18;
	s17 =	ssub.s32 @!p1 s19, s17  }
0x2d: {  	p2 =	por !p2, p1;
	s16 =	ssub.s32 @!p1 s20, s16;
	s20 =	sadd.s32 @!p1 $0xFFFFF080, s17  }
0x2e: {  	s18 =	simm.s32 @!p2 $0x0;
	p3 =	sgt.s32 @!p1 s20, $0x7F  }
0x2f: {  	s19 =	sadd.s32 @!p1 $0xFFFFFC98, s16;
	s17 =	ssub.s32 @!p1 $0x1000, s17;
	p3 =	por !p3, p1  }
0x30: {  	p2 =	sgt.s32 @!p1 s19, $0x7F;
	s19 =	sadd.s32 $0x80, s12;
	s17 =	simm.s32 @!p3 $0x0  }
0x31: {  	p3 =	sgt.s32 s19, $0x3E7;
	s17 =	smul.u32 @!p1 s17, s18;
	s18 =	simm.s32 $0x1  }
0x32: {  	s16 =	ssub.s32 @!p1 $0x3E8, s16;
	p2 =	por !p2, p1;
	s18 =	simm.s32 @!p3 $0x0  }
0x33: {  	s21 =	smov.u32 s14;
	s16 =	simm.s32 @!p2 $0x0;
	s20 =	sadd.s32 s18, s13  }
0x34: {  	s16 =	smul.u32 @!p1 s16, s17;
	s17 =	sadd.s32 $0x1000, s14;
	p2 =	sgt.s32 s20, $0x13  }
0x35: {  	p0 =	por !p0, !p0;
	s22 =	simm.s32 @!p1 $0x2;
	s21 =	smov.u32 @p2 s17  }
0x36: {  	s19 =	simm.s32 @p3 $0x0;
	s20 =	simm.s32 @p2 $0x0;
	p2 =	sgt.s32 s21, $0xFFF  }
0x37: {  	s18 =	smov.u32 s10;
	s21 =	smov.u32 @p2 s2;
	p2 =	sne.s32 s15, s7  }
.Ltmp1:
0x38: {  	s10 =	smov.u32 s13;
	s16 =	sand.u32 @!p1 $0x3FFFFFFF, s16;
	(pc) =	sbr.rel @!p2 .LBB1_6-.Ltmp1, $4  }
0x39: {  	s17 =	smov.u32 s11;
	s11 =	smov.u32 s14;
	_ =	swait.ge @!p1 [sflag:s22], s16  }
0x3a: {  	s23 =	ssub.s32 @!p1 $0x0, s16;
	s16 =	smov.u32 s9;
	s9 =	smov.u32 s12  }
0x3b: {  	s12 =	smov.u32 s19;
	s13 =	smov.u32 s20;
	[sflag:s22] =	ssyncset.done @!p1 $0x0  }
0x3c: {  	s15 =	sadd.s32 $0x1, s15;
	[sflag:s22] =	ssyncadd.s32 @!p1 s23;
	s14 =	smov.u32 s21  }
.LBB1_1:
0x3d: {  	p1 =	sge.u32 s15, s5  }
0x3e: {  	s19 =	sshll.u32 @!p1 s13, $0xA  }
0x3f: {  	s20 =	sshll.u32 @!p1 s12, $0x3;
	s19 =	sand.u32 @!p1 $0xFFFFE000, s19  }
0x40: {  	s19 =	sadd.s32 @!p1 s19, s20  }
0x41: {  	s19 =	sshrl.u32 @!p1 s19, $0xA  }
0x42: {  	s20 =	smulhi.u32 @!p1 $0xAAAAAAB, s19  }
0x43: {  	s21 =	sshll.u32 @!p1 s13, $0x7;
	s23 =	smul.u32 @!p1 $0xC00, s14  }
0x44: {  	s22 =	sand.u32 @!p1 $0x78, s12;
	s21 =	sand.u32 @!p1 $0x380, s21;
	s20 =	smul.u32 @!p1 $0x18, s20  }
0x45: {  	s31 =	sadd.s32 $0xFFFFFFFF, s15;
	s21 =	sor.u32 @!p1 s22, s21;
	s22 =	sadd.s32 @!p1 s6, s23  }
0x46: {  	s21 =	sshrl.u32 @!p1 s21, $0x3;
	s19 =	ssub.s32 @!p1 s19, s20;
	s20 =	sxor.u32 @!p1 $0xFFFFFFFF, s15  }
0x47: {  	s21 =	sadd.s32 @!p1 s21, s22;
	s22 =	sand.u32 @!p1 $0x7, s12;
	s20 =	sshll.u32 @!p1 s20, $0xE  }
0x48: {  	s22 =	sshll.u32 @!p1 s22, $0x12;
	s19 =	sshll.u32 @!p1 s19, $0x7;
	s20 =	sand.u32 @!p1 $0x4000, s20  }
0x49: {  	s19 =	sadd.s32 @!p1 s19, s21;
	s21 =	sor.u32 @!p1 $0x80, s22;
	s22 =	simm.s32 @!p1 $0x6000  }
0x4a: {  	[tilespmem:s20], [sflag:$0x1] =	stream.strided.gather @!p1 [hbm4b:s19+s21], $0x4000, s22, s21, $0x38;
	[tilespmem:$0x10100] =	vst v63  }
0x4b: {  	p1 =	sge.u32 s31, s5  }
.Ltmp2:
0x4c: {  	_ = 	snop;
	(pc) =	sbr.rel @p1 .LBB1_5-.Ltmp2, $1  }
0x4d: {  	_ =	sdelay $0x3  }
0x4e: {  	s19 =	simm.s32 $0x1  }
0x4f: {  	_ =	swait.ge [sflag:s4], $0x4000;
	s19 =	simm.s32 @!p0 $0x0  }
0x50: {  	[sflag:s4] =	ssyncset.done $0x0;
	s20 =	sshll.u32 s19, $0xE  }
0x51: {  	[sflag:s4] =	ssyncadd.s32 $0xFFFFC000;
	s20 =	sor.u32 $0x40, s20  }
0x52: {  	s19 =	smul.u32 $0x10200, s19;
	v0 =	vld [tilespmem:s20+$0x30]  }
0x53: {  	v1 =	vld [tilespmem:s20+$0xFFFFFFD0]  }
0x54: {  	s19 =	sshrl.u32 s19, $0x2;
	v5 =	vld [tilespmem:s20+$0xFFFFFFE0]  }
0x55: {  	v6 =	vld [tilespmem:s20+$0xFFFFFFF0];
	s22 =	sor.u32 $0x8000, s19  }
0x56: {  	s31 =	sand.u32 $0x1, s15;
	v4 =	vld [tilespmem:s20+$0x0];
	s21 =	sadd.s32 $0x0, s22  }
0x57: {  	v3 =	vld [tilespmem:s20+$0x10];
	s19 =	smul.u32 $0x10200, s31;
	[tilespmem:s21+$0x3870 ss:$0x81] =	vst.msk $0xffff, v0  }
0x58: {  	v2 =	vld [tilespmem:s20+$0x20];
	[tilespmem:s21+$0x810 ss:$0x81] =	vst.msk $0xffff, v1  }
0x59: {  	s19 =	sshrl.u32 s19, $0x2;
	v1 =	vld [tilespmem:s20+$0xFFFFFFC0];
	[tilespmem:s21+$0x1020 ss:$0x81] =	vst.msk $0xffff, v5;
	s20 =	sadd.s32 $0x80, s20  }
0x5a: {  	s23 =	simm.s32 $0x4;
	s24 =	simm.s32 $0x8;
	s19 =	sor.u32 $0x8000, s19;
	[tilespmem:s21+$0x1830 ss:$0x81] =	vst.msk $0xffff, v6;
	v0 =	vld [tilespmem:s20+$0x30]  }
.LBB1_3:
0x5b: {  	p1 =	sne.s32 s24, $0x1FC;
	v5 =	vld [tilespmem:s20+$0xFFFFFFD0];
	[tilespmem:s21+$0x2040 ss:$0x81] =	vst.msk $0xffff, v4  }
0x5c: {  	v6 =	vld [tilespmem:s20+$0xFFFFFFE0];
	[tilespmem:s21+$0x2850 ss:$0x81] =	vst.msk $0xffff, v3  }
0x5d: {  	s25 =	sshra.s32 s23, $0x2;
	s23 =	smov.u32 s24;
	v7 =	vld [tilespmem:s20+$0xFFFFFFF0];
	[tilespmem:s21+$0x3060 ss:$0x81] =	vst.msk $0xffff, v2  }
.Ltmp3:
0x5e: {  	v4 =	vld [tilespmem:s20+$0x0];
	[tilespmem:s21+$0x0 ss:$0x81] =	vst.msk $0xffff, v1;
	s21 =	sadd.s32 s25, s22;
	(pc) =	sbr.rel @p1 .LBB1_3-.Ltmp3, $4  }
0x5f: {  	v3 =	vld [tilespmem:s20+$0x10];
	[tilespmem:s21+$0x3870 ss:$0x81] =	vst.msk $0xffff, v0  }
0x60: {  	[tilespmem:s21+$0x810 ss:$0x81] =	vst.msk $0xffff, v5;
	v2 =	vld [tilespmem:s20+$0x20]  }
0x61: {  	v1 =	vld [tilespmem:s20+$0xFFFFFFC0];
	[tilespmem:s21+$0x1020 ss:$0x81] =	vst.msk $0xffff, v6;
	s20 =	sadd.s32 $0x80, s20  }
0x62: {  	s24 =	sadd.s32 $0x4, s24;
	v0 =	vld [tilespmem:s20+$0x30];
	[tilespmem:s21+$0x1830 ss:$0x81] =	vst.msk $0xffff, v7  }
.Ltmp4:
0x63: {  	_ = 	snop;
	(pc) =	sbr.rel .LBB1_4-.Ltmp4, $1  }
0x64: {  	_ =	sdelay $0x3  }
.LBB1_6:
0x65: {  	_ =	sfence.sel $0x180000  }
0x66: {  	s2 =	simm.s32 $0x1;
	[bflag:$0x0] =	sbarrier.arrive $0xFFFF  }
0x67: {  	s31 =	simm.s32 $0x2;
	[sflag:s2] =	ssyncpa.u1 $0x1  }
0x68: {  	[sflag:s31] =	ssyncpa.u1 $0x1  }
0x69: {  	p0 =	sne.s32 s0, $0x0;
	_ =	strace $0x9000004D  }
0x6a: {  	s0 =	sadd.s32 @!p0 $0x100000, s1;
	[bflag:$0x2] =	sbarrier.arrive $0xFFFF  }
0x6b: {  	[sflag:s0] =	ssyncadd.tile.s32 @!p0 $0x1;
	_ =	shalt  }
.Lfunc_end1:
_tile_overlayer_lowered:
.L_overlay_start_2:
0x6c: {  	(tag) =	ssettag $0x2  }
0x6d: {  	s0 =	rddreg [dreg:$0x0];
	s2 =	stileid.u32  }
0x6e: {  	s1 =	rddreg [dreg:$0x1];
	p0 =	sne.s32 s2, $0x0  }
0x6f: {  	s3 =	rddreg [dreg:$0x2];
	[bflag:$0x3] =	sbarrier.arrive $0xFFFF;
	s2 =	simm.s32 @!p0 $0x1C01  }
0x70: {  	[timem:s3], [sflag:s2] =	dma.local @!p0 [hbm:s0], s1  }
0x71: {  	s0 =	simm.s32 @!p0 $0x1  }
0x72: {  	_ =	swait.ge @!p0 [sflag:s0], s1  }
0x73: {  	s1 =	ssub.s32 @!p0 $0x0, s1;
	[sflag:s0] =	ssyncset.done @!p0 $0x0  }
0x74: {  	[sflag:s0] =	ssyncadd.s32 @!p0 s1  }
0x75: {  	[bflag:$0x3] =	sbarrier.arrive $0xFFFF  }
0x76: {  	_ =	shalt  }

</sc_bundles>
